<compile_context>
chip_gen: v7x
topology: tpu7x:2x2x1
jax: 0.10.2.dev20260603
libtpu: 0.0.44.dev20260713+nightly
codegen_flags: <defaults>
</compile_context>

<pallas_src>
import functools

import jax
import jax.numpy as jnp
from jax import lax
from jax.experimental import pallas as pl
from jax.experimental.pallas import tpu as pltpu
from jax.experimental.pallas import tpu_sc as plsc

N = 10000
D = 128
CH = 128
NC = 2
NS = 16
NW = NC * NS
ACC = 10240
DUMMY = N
ZR = ACC // NS
NZB = ZR // CH
BLK = 1000


def _sc_scatter_body(y_h, src_h, dst_h, out_h, src_v, dst_v, bufa, acc, sema):
    c = lax.axis_index("c")
    s = lax.axis_index("s")
    w = c * NS + s
    nch = src_v.shape[0]

    z16 = jnp.zeros((16,), jnp.float32)

    def zrow(i, carry):
        for k in range(D // 16):
            bufa[i, pl.ds(k * 16, 16)] = z16
        return carry

    lax.fori_loop(0, CH, zrow, 0)
    base = s * ZR

    def zblk(k, carry):
        pltpu.sync_copy(bufa, acc.at[pl.ds(base + k * CH, CH)])
        return carry

    lax.fori_loop(0, NZB, zblk, 0)
    plsc.subcore_barrier()

    pltpu.sync_copy(src_h.at[w], src_v)
    pltpu.sync_copy(dst_h.at[w], dst_v)

    def step(j, carry):
        pltpu.async_copy(y_h.at[src_v.at[j]], bufa, sema).wait()
        pltpu.sync_copy(bufa, acc.at[dst_v.at[j]], add=True)
        return carry

    lax.fori_loop(0, nch, step, 0)
    plsc.subcore_barrier()

    def dblk(k, carry):
        pltpu.sync_copy(acc.at[pl.ds(base + k * CH, CH)], bufa)
        pltpu.sync_copy(bufa, out_h.at[c].at[pl.ds(base + k * CH, CH)])
        return carry

    lax.fori_loop(0, NZB, dblk, 0)


def _sc_deg_body(dst_h, out_h, dst_v, ones_v, zb, acc):
    c = lax.axis_index("c")
    s = lax.axis_index("s")
    w = c * NS + s
    nch = dst_v.shape[0]
    pltpu.sync_copy(dst_h.at[w], dst_v)

    one16 = jnp.ones((16,), jnp.float32)
    for k in range(CH // 16):
        ones_v[pl.ds(k * 16, 16)] = one16
    z16 = jnp.zeros((16,), jnp.float32)
    for k in range(ZR // 16):
        zb[pl.ds(k * 16, 16)] = z16
    base = s * ZR
    pltpu.sync_copy(zb, acc.at[pl.ds(base, ZR)])
    plsc.subcore_barrier()

    def step(j, carry):
        pltpu.sync_copy(ones_v, acc.at[dst_v.at[j]], add=True)
        return carry

    lax.fori_loop(0, nch, step, 0)
    plsc.subcore_barrier()

    pltpu.sync_copy(acc.at[pl.ds(base, ZR)], zb)
    pltpu.sync_copy(zb, out_h.at[c].at[pl.ds(base, ZR)])


@functools.cache
def _mesh():
    return plsc.VectorSubcoreMesh(core_axis_name="c", subcore_axis_name="s",
                                  num_cores=NC, num_subcores=NS)


def _sc_scatter(y, src_g, dst_g):
    nch = src_g.shape[1]
    f = pl.kernel(
        _sc_scatter_body,
        out_type=jax.ShapeDtypeStruct((NC, ACC, D), jnp.float32),
        mesh=_mesh(),
        scratch_types=[
            pltpu.VMEM((nch, CH), jnp.int32),
            pltpu.VMEM((nch, CH), jnp.int32),
            pltpu.VMEM((CH, D), jnp.float32),
            pltpu.VMEM_SHARED((ACC, D), jnp.float32),
            pltpu.SemaphoreType.DMA,
        ],
    )
    return f(y, src_g, dst_g)


def _sc_deg(dst_g):
    nch = dst_g.shape[1]
    f = pl.kernel(
        _sc_deg_body,
        out_type=jax.ShapeDtypeStruct((NC, ACC), jnp.float32),
        mesh=_mesh(),
        scratch_types=[
            pltpu.VMEM((nch, CH), jnp.int32),
            pltpu.VMEM((CH,), jnp.float32),
            pltpu.VMEM((ZR,), jnp.float32),
            pltpu.VMEM_SHARED((ACC,), jnp.float32),
        ],
    )
    return f(dst_g)


def _tc_prep_body(deg_ref, x_ref, w_ref, y_ref, dinv_ref):
    deg = deg_ref[0, :, :] + deg_ref[1, :, :]
    dinv = lax.rsqrt(jnp.maximum(deg, 1.0))
    y_ref[...] = jnp.dot(x_ref[...] * dinv, w_ref[...],
                         preferred_element_type=jnp.float32)
    dinv_ref[...] = dinv


def _tc_mid_body(s_ref, dinv_ref, b_ref, w_ref, y_ref):
    dinv = dinv_ref[...]
    a = (s_ref[0, :, :] + s_ref[1, :, :]) * dinv + b_ref[...]
    mu = jnp.mean(a, axis=1, keepdims=True)
    d = a - mu
    var = jnp.mean(d * d, axis=1, keepdims=True)
    h = d * lax.rsqrt(var + 1e-5)
    h = jnp.maximum(h, 0.0)
    y_ref[...] = jnp.dot(h * dinv, w_ref[...],
                         preferred_element_type=jnp.float32)


def _tc_last_body(s_ref, dinv_ref, b_ref, o_ref):
    a = (s_ref[0, :, :] + s_ref[1, :, :]) * dinv_ref[...] + b_ref[...]
    mu = jnp.mean(a, axis=1, keepdims=True)
    d = a - mu
    var = jnp.mean(d * d, axis=1, keepdims=True)
    o_ref[...] = d * lax.rsqrt(var + 1e-5)


def _tc_prep(deg2, feat, W0):
    return pl.pallas_call(
        _tc_prep_body,
        grid=(N // BLK,),
        in_specs=[
            pl.BlockSpec((2, BLK, 1), lambda i: (0, i, 0)),
            pl.BlockSpec((BLK, D), lambda i: (i, 0)),
            pl.BlockSpec((D, D), lambda i: (0, 0)),
        ],
        out_specs=[
            pl.BlockSpec((BLK, D), lambda i: (i, 0)),
            pl.BlockSpec((BLK, 1), lambda i: (i, 0)),
        ],
        out_shape=[
            jax.ShapeDtypeStruct((N, D), jnp.float32),
            jax.ShapeDtypeStruct((N, 1), jnp.float32),
        ],
    )(deg2, feat, W0)


def _tc_mid(s2, dinv, b, Wn):
    return pl.pallas_call(
        _tc_mid_body,
        grid=(N // BLK,),
        in_specs=[
            pl.BlockSpec((2, BLK, D), lambda i: (0, i, 0)),
            pl.BlockSpec((BLK, 1), lambda i: (i, 0)),
            pl.BlockSpec((1, D), lambda i: (0, 0)),
            pl.BlockSpec((D, D), lambda i: (0, 0)),
        ],
        out_specs=pl.BlockSpec((BLK, D), lambda i: (i, 0)),
        out_shape=jax.ShapeDtypeStruct((N, D), jnp.float32),
    )(s2, dinv, b, Wn)


def _tc_last(s2, dinv, b):
    return pl.pallas_call(
        _tc_last_body,
        grid=(N // BLK,),
        in_specs=[
            pl.BlockSpec((2, BLK, D), lambda i: (0, i, 0)),
            pl.BlockSpec((BLK, 1), lambda i: (i, 0)),
            pl.BlockSpec((1, D), lambda i: (0, 0)),
        ],
        out_specs=pl.BlockSpec((BLK, D), lambda i: (i, 0)),
        out_shape=jax.ShapeDtypeStruct((N, D), jnp.float32),
    )(s2, dinv, b)


def kernel(feat, edge_index, W0, b0, W1, b1, W2, b2):
    feat = feat.astype(jnp.float32)
    src = edge_index[0].astype(jnp.int32)
    dst = edge_index[1].astype(jnp.int32)
    e = src.shape[0]
    gran = NW * CH
    epad = gran * ((e + gran - 1) // gran)
    src_g = jnp.concatenate(
        [src, jnp.zeros((epad - e,), jnp.int32)]).reshape(NW, -1, CH)
    pad_dst = DUMMY + jnp.arange(epad - e, dtype=jnp.int32) % (ACC - N)
    dst_g = jnp.concatenate([dst, pad_dst]).reshape(NW, -1, CH)

    deg2 = _sc_deg(dst_g)
    y, dinv = _tc_prep(deg2.reshape(NC, ACC, 1), feat, W0)
    s2 = _sc_scatter(y, src_g, dst_g)
    y = _tc_mid(s2, dinv, b0.reshape(1, D), W1)
    s2 = _sc_scatter(y, src_g, dst_g)
    y = _tc_mid(s2, dinv, b1.reshape(1, D), W2)
    s2 = _sc_scatter(y, src_g, dst_g)
    return _tc_last(s2, dinv, b2.reshape(1, D))

# --- scband reference (transcript-rebuilt; emitter-appended) ---
"""Pipeline reference for scband-gcnnet-33440615366817 (READ-ONLY COPY).

The authoritative reference and input builder live on the scoring server;
editing this copy changes nothing except your own understanding.
"""

import jax, jax.numpy as jnp
import numpy as np

N_NODES = 10000
D = 128

def _layer_norm(x, eps=1e-5):
    mu = jnp.mean(x, axis=-1, keepdims=True)
    var = jnp.mean((x - mu) ** 2, axis=-1, keepdims=True)
    return (x - mu) / jnp.sqrt(var + eps)

def _gcn_conv(x, src, dst, W, b, n_nodes):
    deg = jnp.zeros((n_nodes,), dtype=x.dtype).at[dst].add(1.0)
    dinv = jax.lax.rsqrt(jnp.maximum(deg, 1.0))
    coef = (dinv[src] * dinv[dst])[:, None]
    msg = jnp.take(x, src, axis=0) * coef
    agg = jnp.zeros((n_nodes, x.shape[1]), dtype=x.dtype).at[dst].add(msg)
    return agg @ W + b

def setup_inputs(seed: int = 0) -> dict:
    key = jax.random.key(seed)
    k1, k2, k3, k4, k5 = jax.random.split(key, 5)
    feat = jax.random.normal(k1, (N_NODES, D), dtype=jnp.float32)
    edge_index = jax.random.randint(k2, (2, 320000), 0, N_NODES, dtype=jnp.int64)
    s = 1.0 / np.sqrt(D)
    W0 = jax.random.normal(k3, (D, D), dtype=jnp.float32) * s
    W1 = jax.random.normal(k4, (D, D), dtype=jnp.float32) * s
    W2 = jax.random.normal(k5, (D, D), dtype=jnp.float32) * s
    b0 = jnp.zeros((D,), dtype=jnp.float32)
    b1 = jnp.zeros((D,), dtype=jnp.float32)
    b2 = jnp.zeros((D,), dtype=jnp.float32)
    return {"feat": feat, "edge_index": edge_index, "W0": W0, "b0": b0, "W1": W1, "b1": b1, "W2": W2, "b2": b2}

def reference(feat, edge_index, W0, b0, W1, b1, W2, b2):
    src = edge_index[0]
    dst = edge_index[1]
    n = feat.shape[0]
    params = [(W0, b0), (W1, b1), (W2, b2)]
    num_layers = len(params)
    h = feat
    for l, (W, b) in enumerate(params):
        h = _gcn_conv(h, src, dst, W, b, n)
        # torch.nn.LayerNorm freshly constructed each call: gamma=1, beta=0
        h = _layer_norm(h)
        if l != num_layers - 1:
            h = jax.nn.relu(h)
    return h

if __name__ == "__main__":
    import jax
    _d = setup_inputs()
    print(jax.jit(kernel)(*tuple(_d.values())))

</pallas_src>

<mosaic_0001>
#map = affine_map<(d0, d1) -> (0, 0)>
#map1 = affine_map<(d0, d1) -> (0, 0, 0)>
module attributes {stable_mosaic.version = 14 : i64} {
  func.func @_sc_scatter_body(%arg0: i32, %arg1: i32, %arg2: memref<10000x128xf32, #tpu.memory_space<hbm>>, %arg3: memref<32x79x128xi32, #tpu.memory_space<hbm>>, %arg4: memref<32x79x128xi32, #tpu.memory_space<hbm>>, %arg5: memref<2x10240x128xf32, #tpu.memory_space<hbm>>, %arg6: memref<79x128xi32, #tpu.memory_space<vmem>>, %arg7: memref<79x128xi32, #tpu.memory_space<vmem>>, %arg8: memref<128x128xf32, #tpu.memory_space<vmem>>, %arg9: memref<10240x128xf32, #tpu.memory_space<vmem_shared>>, %arg10: memref<!tpu.dma_semaphore, #tpu.memory_space<semaphore_mem>>) attributes {dimension_semantics = [#tpu.dimension_semantics<core_parallel>, #tpu.dimension_semantics<subcore_parallel>], iteration_bounds = array<i64: 2, 16>, scalar_prefetch = 0 : i64, scratch_operands = 5 : i64, tpu.core_type = #tpu.core_type<sc_vector_subcore>, window_params = [{transform_indices = #map}, {transform_indices = #map1}, {transform_indices = #map1}, {transform_indices = #map1}]} {
    %mul3A = arith.constant 16 : i32
    %mul3A_0 = arith.muli %arg0, %mul3A : i32
    %add3A = arith.addi %mul3A_0, %arg1 : i32
    %broadcast_in_dim3A = arith.constant 0.000000e+00 : f32
    %broadcast_in_dim3A_1 = vector.broadcast %broadcast_in_dim3A : f32 to vector<16xf32>
    %scan3A = arith.constant 0 : i32
    %scan3A_2 = arith.constant 0 : i32
    %scan3A_3 = arith.constant 128 : i32
    %scan3A_4 = arith.addi %scan3A_2, %scan3A_3 : i32
    %scan3A_5 = arith.constant 1 : i32
    scf.for %scan3A_28 = %scan3A_2 to %scan3A_4 step %scan3A_5  : i32 {
      %swap3A = arith.index_cast %scan3A_28 : i32 to index
      %swap3A_29 = arith.constant 0 : index
      %swap3A_30 = tpu.vector_load %arg8[%swap3A, %swap3A_29] {strides = array<i32>} : memref<128x128xf32, #tpu.memory_space<vmem>>, vector<1x16xf32>,
      %swap3A_31 = vector.shape_cast %swap3A_30 : vector<1x16xf32> to vector<16xf32>
      %swap3A_32 = vector.shape_cast %broadcast_in_dim3A_1 : vector<16xf32> to vector<1x16xf32>
      tpu.vector_store %arg8[%swap3A, %swap3A_29], %swap3A_32 {strides = array<i32>} : memref<128x128xf32, #tpu.memory_space<vmem>>, vector<1x16xf32>,
      %swap3A_33 = arith.index_cast %scan3A_28 : i32 to index
      %swap3A_34 = arith.constant 16 : index
      %swap3A_35 = tpu.vector_load %arg8[%swap3A_33, %swap3A_34] {strides = array<i32>} : memref<128x128xf32, #tpu.memory_space<vmem>>, vector<1x16xf32>,
      %swap3A_36 = vector.shape_cast %swap3A_35 : vector<1x16xf32> to vector<16xf32>
      %swap3A_37 = vector.shape_cast %broadcast_in_dim3A_1 : vector<16xf32> to vector<1x16xf32>
      tpu.vector_store %arg8[%swap3A_33, %swap3A_34], %swap3A_37 {strides = array<i32>} : memref<128x128xf32, #tpu.memory_space<vmem>>, vector<1x16xf32>,
      %swap3A_38 = arith.index_cast %scan3A_28 : i32 to index
      %swap3A_39 = arith.constant 32 : index
      %swap3A_40 = tpu.vector_load %arg8[%swap3A_38, %swap3A_39] {strides = array<i32>} : memref<128x128xf32, #tpu.memory_space<vmem>>, vector<1x16xf32>,
      %swap3A_41 = vector.shape_cast %swap3A_40 : vector<1x16xf32> to vector<16xf32>
      %swap3A_42 = vector.shape_cast %broadcast_in_dim3A_1 : vector<16xf32> to vector<1x16xf32>
      tpu.vector_store %arg8[%swap3A_38, %swap3A_39], %swap3A_42 {strides = array<i32>} : memref<128x128xf32, #tpu.memory_space<vmem>>, vector<1x16xf32>,
      %swap3A_43 = arith.index_cast %scan3A_28 : i32 to index
      %swap3A_44 = arith.constant 48 : index
      %swap3A_45 = tpu.vector_load %arg8[%swap3A_43, %swap3A_44] {strides = array<i32>} : memref<128x128xf32, #tpu.memory_space<vmem>>, vector<1x16xf32>,
      %swap3A_46 = vector.shape_cast %swap3A_45 : vector<1x16xf32> to vector<16xf32>
      %swap3A_47 = vector.shape_cast %broadcast_in_dim3A_1 : vector<16xf32> to vector<1x16xf32>
      tpu.vector_store %arg8[%swap3A_43, %swap3A_44], %swap3A_47 {strides = array<i32>} : memref<128x128xf32, #tpu.memory_space<vmem>>, vector<1x16xf32>,
      %swap3A_48 = arith.index_cast %scan3A_28 : i32 to index
      %swap3A_49 = arith.constant 64 : index
      %swap3A_50 = tpu.vector_load %arg8[%swap3A_48, %swap3A_49] {strides = array<i32>} : memref<128x128xf32, #tpu.memory_space<vmem>>, vector<1x16xf32>,
      %swap3A_51 = vector.shape_cast %swap3A_50 : vector<1x16xf32> to vector<16xf32>
      %swap3A_52 = vector.shape_cast %broadcast_in_dim3A_1 : vector<16xf32> to vector<1x16xf32>
      tpu.vector_store %arg8[%swap3A_48, %swap3A_49], %swap3A_52 {strides = array<i32>} : memref<128x128xf32, #tpu.memory_space<vmem>>, vector<1x16xf32>,
      %swap3A_53 = arith.index_cast %scan3A_28 : i32 to index
      %swap3A_54 = arith.constant 80 : index
      %swap3A_55 = tpu.vector_load %arg8[%swap3A_53, %swap3A_54] {strides = array<i32>} : memref<128x128xf32, #tpu.memory_space<vmem>>, vector<1x16xf32>,
      %swap3A_56 = vector.shape_cast %swap3A_55 : vector<1x16xf32> to vector<16xf32>
      %swap3A_57 = vector.shape_cast %broadcast_in_dim3A_1 : vector<16xf32> to vector<1x16xf32>
      tpu.vector_store %arg8[%swap3A_53, %swap3A_54], %swap3A_57 {strides = array<i32>} : memref<128x128xf32, #tpu.memory_space<vmem>>, vector<1x16xf32>,
      %swap3A_58 = arith.index_cast %scan3A_28 : i32 to index
      %swap3A_59 = arith.constant 96 : index
      %swap3A_60 = tpu.vector_load %arg8[%swap3A_58, %swap3A_59] {strides = array<i32>} : memref<128x128xf32, #tpu.memory_space<vmem>>, vector<1x16xf32>,
      %swap3A_61 = vector.shape_cast %swap3A_60 : vector<1x16xf32> to vector<16xf32>
      %swap3A_62 = vector.shape_cast %broadcast_in_dim3A_1 : vector<16xf32> to vector<1x16xf32>
      tpu.vector_store %arg8[%swap3A_58, %swap3A_59], %swap3A_62 {strides = array<i32>} : memref<128x128xf32, #tpu.memory_space<vmem>>, vector<1x16xf32>,
      %swap3A_63 = arith.index_cast %scan3A_28 : i32 to index
      %swap3A_64 = arith.constant 112 : index
      %swap3A_65 = tpu.vector_load %arg8[%swap3A_63, %swap3A_64] {strides = array<i32>} : memref<128x128xf32, #tpu.memory_space<vmem>>, vector<1x16xf32>,
      %swap3A_66 = vector.shape_cast %swap3A_65 : vector<1x16xf32> to vector<16xf32>
      %swap3A_67 = vector.shape_cast %broadcast_in_dim3A_1 : vector<16xf32> to vector<1x16xf32>
      tpu.vector_store %arg8[%swap3A_63, %swap3A_64], %swap3A_67 {strides = array<i32>} : memref<128x128xf32, #tpu.memory_space<vmem>>, vector<1x16xf32>,
    }
    %scan3A_6 = arith.constant 128 : i32
    %mul3A_7 = arith.constant 640 : i32
    %mul3A_8 = arith.muli %arg1, %mul3A_7 : i32
    %scan3A_9 = arith.constant 0 : i32
    %scan3A_10 = arith.constant 0 : i32
    %scan3A_11 = arith.constant 5 : i32
    %scan3A_12 = arith.addi %scan3A_10, %scan3A_11 : i32
    %scan3A_13 = arith.constant 1 : i32
    scf.for %scan3A_28 = %scan3A_10 to %scan3A_12 step %scan3A_13  : i32 {
      %mul3A_29 = arith.constant 128 : i32
      %mul3A_30 = arith.muli %scan3A_28, %mul3A_29 : i32
      %add3A_31 = arith.addi %mul3A_8, %mul3A_30 : i32
      "tpu.region"() ({
        %run_scoped3A = tpu.sem_alloc : memref<!tpu.dma_semaphore, #tpu.memory_space<semaphore_mem>>
        %dma_start3A = arith.constant 0 : i32
        %dma_start3A_32 = tpu.memref_slice %arg9[%add3A_31, %dma_start3A] : memref<10240x128xf32, #tpu.memory_space<vmem_shared>> -> memref<128x128xf32, #tpu.memory_space<vmem_shared>>
        %dma_start3A_33 = arith.constant 0 : i32
        %dma_start3A_34 = tpu.memref_slice %arg9[%add3A_31, %dma_start3A_33] : memref<10240x128xf32, #tpu.memory_space<vmem_shared>> -> memref<128x128xf32, #tpu.memory_space<vmem_shared>>
        tpu.enqueue_dma source(%arg8 : memref<128x128xf32, #tpu.memory_space<vmem>>) target(%dma_start3A_34 : memref<128x128xf32, #tpu.memory_space<vmem_shared>>) target_semaphore(%run_scoped3A : memref<!tpu.dma_semaphore, #tpu.memory_space<semaphore_mem>>)
        %dma_wait3A = arith.constant 0 : i32
        %dma_wait3A_35 = tpu.memref_slice %arg9[%add3A_31, %dma_wait3A] : memref<10240x128xf32, #tpu.memory_space<vmem_shared>> -> memref<128x128xf32, #tpu.memory_space<vmem_shared>>
        %dma_wait3A_36 = arith.constant 0 : i32
        %dma_wait3A_37 = tpu.memref_slice %arg9[%add3A_31, %dma_wait3A_36] : memref<10240x128xf32, #tpu.memory_space<vmem_shared>> -> memref<128x128xf32, #tpu.memory_space<vmem_shared>>
        tpu.wait_dma2 semaphore(%run_scoped3A : memref<!tpu.dma_semaphore, #tpu.memory_space<semaphore_mem>>) src(%arg8 : memref<128x128xf32, #tpu.memory_space<vmem>>) dst(%dma_wait3A_37 : memref<128x128xf32, #tpu.memory_space<vmem_shared>>)
        tpu.yield
      }) : () -> ()
    }
    %scan3A_14 = arith.constant 5 : i32
    %barrier3A = arith.constant 0 : index
    tpu.barrier barrier_id(%barrier3A)
    "tpu.region"() ({
      %run_scoped3A = tpu.sem_alloc : memref<!tpu.dma_semaphore, #tpu.memory_space<semaphore_mem>>
      %dma_start3A = arith.constant 0 : i32
      %dma_start3A_28 = arith.constant 0 : i32
      %dma_start3A_29 = tpu.memref_slice %arg3[%add3A, %dma_start3A, %dma_start3A_28] : memref<32x79x128xi32, #tpu.memory_space<hbm>> -> memref<1x79x128xi32, #tpu.memory_space<hbm>>
      %dma_start3A_30 = tpu.memref_squeeze %dma_start3A_29 : memref<1x79x128xi32, #tpu.memory_space<hbm>> -> memref<79x128xi32, #tpu.memory_space<hbm>>
      %dma_start3A_31 = arith.constant 0 : i32
      %dma_start3A_32 = arith.constant 0 : i32
      %dma_start3A_33 = tpu.memref_slice %arg3[%add3A, %dma_start3A_31, %dma_start3A_32] : memref<32x79x128xi32, #tpu.memory_space<hbm>> -> memref<1x79x128xi32, #tpu.memory_space<hbm>>
      %dma_start3A_34 = tpu.memref_squeeze %dma_start3A_33 : memref<1x79x128xi32, #tpu.memory_space<hbm>> -> memref<79x128xi32, #tpu.memory_space<hbm>>
      tpu.enqueue_dma source(%dma_start3A_34 : memref<79x128xi32, #tpu.memory_space<hbm>>) target(%arg6 : memref<79x128xi32, #tpu.memory_space<vmem>>) target_semaphore(%run_scoped3A : memref<!tpu.dma_semaphore, #tpu.memory_space<semaphore_mem>>)
      %dma_wait3A = arith.constant 0 : i32
      %dma_wait3A_35 = arith.constant 0 : i32
      %dma_wait3A_36 = tpu.memref_slice %arg3[%add3A, %dma_wait3A, %dma_wait3A_35] : memref<32x79x128xi32, #tpu.memory_space<hbm>> -> memref<1x79x128xi32, #tpu.memory_space<hbm>>
      %dma_wait3A_37 = tpu.memref_squeeze %dma_wait3A_36 : memref<1x79x128xi32, #tpu.memory_space<hbm>> -> memref<79x128xi32, #tpu.memory_space<hbm>>
      %dma_wait3A_38 = arith.constant 0 : i32
      %dma_wait3A_39 = arith.constant 0 : i32
      %dma_wait3A_40 = tpu.memref_slice %arg3[%add3A, %dma_wait3A_38, %dma_wait3A_39] : memref<32x79x128xi32, #tpu.memory_space<hbm>> -> memref<1x79x128xi32, #tpu.memory_space<hbm>>
      %dma_wait3A_41 = tpu.memref_squeeze %dma_wait3A_40 : memref<1x79x128xi32, #tpu.memory_space<hbm>> -> memref<79x128xi32, #tpu.memory_space<hbm>>
      tpu.wait_dma2 semaphore(%run_scoped3A : memref<!tpu.dma_semaphore, #tpu.memory_space<semaphore_mem>>) src(%dma_wait3A_41 : memref<79x128xi32, #tpu.memory_space<hbm>>) dst(%arg6 : memref<79x128xi32, #tpu.memory_space<vmem>>)
      tpu.yield
    }) : () -> ()
    "tpu.region"() ({
      %run_scoped3A = tpu.sem_alloc : memref<!tpu.dma_semaphore, #tpu.memory_space<semaphore_mem>>
      %dma_start3A = arith.constant 0 : i32
      %dma_start3A_28 = arith.constant 0 : i32
      %dma_start3A_29 = tpu.memref_slice %arg4[%add3A, %dma_start3A, %dma_start3A_28] : memref<32x79x128xi32, #tpu.memory_space<hbm>> -> memref<1x79x128xi32, #tpu.memory_space<hbm>>
      %dma_start3A_30 = tpu.memref_squeeze %dma_start3A_29 : memref<1x79x128xi32, #tpu.memory_space<hbm>> -> memref<79x128xi32, #tpu.memory_space<hbm>>
      %dma_start3A_31 = arith.constant 0 : i32
      %dma_start3A_32 = arith.constant 0 : i32
      %dma_start3A_33 = tpu.memref_slice %arg4[%add3A, %dma_start3A_31, %dma_start3A_32] : memref<32x79x128xi32, #tpu.memory_space<hbm>> -> memref<1x79x128xi32, #tpu.memory_space<hbm>>
      %dma_start3A_34 = tpu.memref_squeeze %dma_start3A_33 : memref<1x79x128xi32, #tpu.memory_space<hbm>> -> memref<79x128xi32, #tpu.memory_space<hbm>>
      tpu.enqueue_dma source(%dma_start3A_34 : memref<79x128xi32, #tpu.memory_space<hbm>>) target(%arg7 : memref<79x128xi32, #tpu.memory_space<vmem>>) target_semaphore(%run_scoped3A : memref<!tpu.dma_semaphore, #tpu.memory_space<semaphore_mem>>)
      %dma_wait3A = arith.constant 0 : i32
      %dma_wait3A_35 = arith.constant 0 : i32
      %dma_wait3A_36 = tpu.memref_slice %arg4[%add3A, %dma_wait3A, %dma_wait3A_35] : memref<32x79x128xi32, #tpu.memory_space<hbm>> -> memref<1x79x128xi32, #tpu.memory_space<hbm>>
      %dma_wait3A_37 = tpu.memref_squeeze %dma_wait3A_36 : memref<1x79x128xi32, #tpu.memory_space<hbm>> -> memref<79x128xi32, #tpu.memory_space<hbm>>
      %dma_wait3A_38 = arith.constant 0 : i32
      %dma_wait3A_39 = arith.constant 0 : i32
      %dma_wait3A_40 = tpu.memref_slice %arg4[%add3A, %dma_wait3A_38, %dma_wait3A_39] : memref<32x79x128xi32, #tpu.memory_space<hbm>> -> memref<1x79x128xi32, #tpu.memory_space<hbm>>
      %dma_wait3A_41 = tpu.memref_squeeze %dma_wait3A_40 : memref<1x79x128xi32, #tpu.memory_space<hbm>> -> memref<79x128xi32, #tpu.memory_space<hbm>>
      tpu.wait_dma2 semaphore(%run_scoped3A : memref<!tpu.dma_semaphore, #tpu.memory_space<semaphore_mem>>) src(%dma_wait3A_41 : memref<79x128xi32, #tpu.memory_space<hbm>>) dst(%arg7 : memref<79x128xi32, #tpu.memory_space<vmem>>)
      tpu.yield
    }) : () -> ()
    %scan3A_15 = arith.constant 0 : i32
    %scan3A_16 = arith.constant 0 : i32
    %scan3A_17 = arith.constant 79 : i32
    %scan3A_18 = arith.addi %scan3A_16, %scan3A_17 : i32
    %scan3A_19 = arith.constant 1 : i32
    scf.for %scan3A_28 = %scan3A_16 to %scan3A_18 step %scan3A_19  : i32 {
      %dma_start3A = arith.constant 0 : i32
      %dma_start3A_29 = tpu.memref_slice %arg6[%scan3A_28, %dma_start3A] : memref<79x128xi32, #tpu.memory_space<vmem>> -> memref<1x128xi32, #tpu.memory_space<vmem>>
      %dma_start3A_30 = tpu.memref_squeeze %dma_start3A_29 : memref<1x128xi32, #tpu.memory_space<vmem>> -> memref<128xi32, #tpu.memory_space<vmem>>
      %dma_start3A_31 = arith.constant 0 : i32
      %dma_start3A_32 = arith.constant 0 : i32
      %dma_start3A_33 = tpu.memref_slice %arg2[%dma_start3A_31, %dma_start3A_32] : memref<10000x128xf32, #tpu.memory_space<hbm>> -> memref<10000x128xf32, #tpu.memory_space<hbm>>
      tpu.enqueue_indirect_dma source(%dma_start3A_33 : memref<10000x128xf32, #tpu.memory_space<hbm>>) target(%arg8 : memref<128x128xf32, #tpu.memory_space<vmem>>) offsets(%dma_start3A_30 : memref<128xi32, #tpu.memory_space<vmem>>) semaphore(%arg10 : memref<!tpu.dma_semaphore, #tpu.memory_space<semaphore_mem>>)
      %dma_wait3A = arith.constant 0 : i32
      %dma_wait3A_34 = tpu.memref_slice %arg6[%scan3A_28, %dma_wait3A] : memref<79x128xi32, #tpu.memory_space<vmem>> -> memref<1x128xi32, #tpu.memory_space<vmem>>
      %dma_wait3A_35 = tpu.memref_squeeze %dma_wait3A_34 : memref<1x128xi32, #tpu.memory_space<vmem>> -> memref<128xi32, #tpu.memory_space<vmem>>
      %dma_wait3A_36 = arith.constant 0 : i32
      %dma_wait3A_37 = arith.constant 0 : i32
      %dma_wait3A_38 = tpu.memref_slice %arg2[%dma_wait3A_36, %dma_wait3A_37] : memref<10000x128xf32, #tpu.memory_space<hbm>> -> memref<10000x128xf32, #tpu.memory_space<hbm>>
      tpu.wait_indirect_dma semaphore(%arg10 : memref<!tpu.dma_semaphore, #tpu.memory_space<semaphore_mem>>) src(%dma_wait3A_38 : memref<10000x128xf32, #tpu.memory_space<hbm>>) dst(%arg8 : memref<128x128xf32, #tpu.memory_space<vmem>>)
      "tpu.region"() ({
        %run_scoped3A = tpu.sem_alloc : memref<!tpu.dma_semaphore, #tpu.memory_space<semaphore_mem>>
        %dma_start3A_39 = arith.constant 0 : i32
        %dma_start3A_40 = tpu.memref_slice %arg7[%scan3A_28, %dma_start3A_39] : memref<79x128xi32, #tpu.memory_space<vmem>> -> memref<1x128xi32, #tpu.memory_space<vmem>>
        %dma_start3A_41 = tpu.memref_squeeze %dma_start3A_40 : memref<1x128xi32, #tpu.memory_space<vmem>> -> memref<128xi32, #tpu.memory_space<vmem>>
        %dma_start3A_42 = arith.constant 0 : i32
        %dma_start3A_43 = arith.constant 0 : i32
        %dma_start3A_44 = tpu.memref_slice %arg9[%dma_start3A_42, %dma_start3A_43] : memref<10240x128xf32, #tpu.memory_space<vmem_shared>> -> memref<10240x128xf32, #tpu.memory_space<vmem_shared>>
        tpu.enqueue_indirect_dma source(%arg8 : memref<128x128xf32, #tpu.memory_space<vmem>>) target(%dma_start3A_44 : memref<10240x128xf32, #tpu.memory_space<vmem_shared>>) offsets(%dma_start3A_41 : memref<128xi32, #tpu.memory_space<vmem>>) semaphore(%run_scoped3A : memref<!tpu.dma_semaphore, #tpu.memory_space<semaphore_mem>>) {add = true}
        %dma_wait3A_45 = arith.constant 0 : i32
        %dma_wait3A_46 = tpu.memref_slice %arg7[%scan3A_28, %dma_wait3A_45] : memref<79x128xi32, #tpu.memory_space<vmem>> -> memref<1x128xi32, #tpu.memory_space<vmem>>
        %dma_wait3A_47 = tpu.memref_squeeze %dma_wait3A_46 : memref<1x128xi32, #tpu.memory_space<vmem>> -> memref<128xi32, #tpu.memory_space<vmem>>
        %dma_wait3A_48 = arith.constant 0 : i32
        %dma_wait3A_49 = arith.constant 0 : i32
        %dma_wait3A_50 = tpu.memref_slice %arg9[%dma_wait3A_48, %dma_wait3A_49] : memref<10240x128xf32, #tpu.memory_space<vmem_shared>> -> memref<10240x128xf32, #tpu.memory_space<vmem_shared>>
        tpu.wait_indirect_dma semaphore(%run_scoped3A : memref<!tpu.dma_semaphore, #tpu.memory_space<semaphore_mem>>) src(%arg8 : memref<128x128xf32, #tpu.memory_space<vmem>>) dst(%dma_wait3A_50 : memref<10240x128xf32, #tpu.memory_space<vmem_shared>>)
        tpu.yield
      }) : () -> ()
    }
    %scan3A_20 = arith.constant 79 : i32
    %barrier3A_21 = arith.constant 0 : index
    tpu.barrier barrier_id(%barrier3A_21)
    %scan3A_22 = arith.constant 0 : i32
    %scan3A_23 = arith.constant 0 : i32
    %scan3A_24 = arith.constant 5 : i32
    %scan3A_25 = arith.addi %scan3A_23, %scan3A_24 : i32
    %scan3A_26 = arith.constant 1 : i32
    scf.for %scan3A_28 = %scan3A_23 to %scan3A_25 step %scan3A_26  : i32 {
      %mul3A_29 = arith.constant 128 : i32
      %mul3A_30 = arith.muli %scan3A_28, %mul3A_29 : i32
      %add3A_31 = arith.addi %mul3A_8, %mul3A_30 : i32
      "tpu.region"() ({
        %run_scoped3A = tpu.sem_alloc : memref<!tpu.dma_semaphore, #tpu.memory_space<semaphore_mem>>
        %dma_start3A = arith.constant 0 : i32
        %dma_start3A_35 = tpu.memref_slice %arg9[%add3A_31, %dma_start3A] : memref<10240x128xf32, #tpu.memory_space<vmem_shared>> -> memref<128x128xf32, #tpu.memory_space<vmem_shared>>
        %dma_start3A_36 = arith.constant 0 : i32
        %dma_start3A_37 = tpu.memref_slice %arg9[%add3A_31, %dma_start3A_36] : memref<10240x128xf32, #tpu.memory_space<vmem_shared>> -> memref<128x128xf32, #tpu.memory_space<vmem_shared>>
        tpu.enqueue_dma source(%dma_start3A_37 : memref<128x128xf32, #tpu.memory_space<vmem_shared>>) target(%arg8 : memref<128x128xf32, #tpu.memory_space<vmem>>) target_semaphore(%run_scoped3A : memref<!tpu.dma_semaphore, #tpu.memory_space<semaphore_mem>>)
        %dma_wait3A = arith.constant 0 : i32
        %dma_wait3A_38 = tpu.memref_slice %arg9[%add3A_31, %dma_wait3A] : memref<10240x128xf32, #tpu.memory_space<vmem_shared>> -> memref<128x128xf32, #tpu.memory_space<vmem_shared>>
        %dma_wait3A_39 = arith.constant 0 : i32
        %dma_wait3A_40 = tpu.memref_slice %arg9[%add3A_31, %dma_wait3A_39] : memref<10240x128xf32, #tpu.memory_space<vmem_shared>> -> memref<128x128xf32, #tpu.memory_space<vmem_shared>>
        tpu.wait_dma2 semaphore(%run_scoped3A : memref<!tpu.dma_semaphore, #tpu.memory_space<semaphore_mem>>) src(%dma_wait3A_40 : memref<128x128xf32, #tpu.memory_space<vmem_shared>>) dst(%arg8 : memref<128x128xf32, #tpu.memory_space<vmem>>)
        tpu.yield
      }) : () -> ()
      %mul3A_32 = arith.constant 128 : i32
      %mul3A_33 = arith.muli %scan3A_28, %mul3A_32 : i32
      %add3A_34 = arith.addi %mul3A_8, %mul3A_33 : i32
      "tpu.region"() ({
        %run_scoped3A = tpu.sem_alloc : memref<!tpu.dma_semaphore, #tpu.memory_space<semaphore_mem>>
        %dma_start3A = arith.constant 0 : i32
        %dma_start3A_35 = arith.constant 0 : i32
        %dma_start3A_36 = tpu.memref_slice %arg5[%arg0, %dma_start3A, %dma_start3A_35] : memref<2x10240x128xf32, #tpu.memory_space<hbm>> -> memref<1x10240x128xf32, #tpu.memory_space<hbm>>
        %dma_start3A_37 = tpu.memref_squeeze %dma_start3A_36 : memref<1x10240x128xf32, #tpu.memory_space<hbm>> -> memref<10240x128xf32, #tpu.memory_space<hbm>>
        %dma_start3A_38 = arith.constant 0 : i32
        %dma_start3A_39 = tpu.memref_slice %dma_start3A_37[%add3A_34, %dma_start3A_38] : memref<10240x128xf32, #tpu.memory_space<hbm>> -> memref<128x128xf32, #tpu.memory_space<hbm>>
        %dma_start3A_40 = arith.constant 0 : i32
        %dma_start3A_41 = arith.constant 0 : i32
        %dma_start3A_42 = tpu.memref_slice %arg5[%arg0, %dma_start3A_40, %dma_start3A_41] : memref<2x10240x128xf32, #tpu.memory_space<hbm>> -> memref<1x10240x128xf32, #tpu.memory_space<hbm>>
        %dma_start3A_43 = tpu.memref_squeeze %dma_start3A_42 : memref<1x10240x128xf32, #tpu.memory_space<hbm>> -> memref<10240x128xf32, #tpu.memory_space<hbm>>
        %dma_start3A_44 = arith.constant 0 : i32
        %dma_start3A_45 = tpu.memref_slice %dma_start3A_43[%add3A_34, %dma_start3A_44] : memref<10240x128xf32, #tpu.memory_space<hbm>> -> memref<128x128xf32, #tpu.memory_space<hbm>>
        tpu.enqueue_dma source(%arg8 : memref<128x128xf32, #tpu.memory_space<vmem>>) target(%dma_start3A_45 : memref<128x128xf32, #tpu.memory_space<hbm>>) target_semaphore(%run_scoped3A : memref<!tpu.dma_semaphore, #tpu.memory_space<semaphore_mem>>)
        %dma_wait3A = arith.constant 0 : i32
        %dma_wait3A_46 = arith.constant 0 : i32
        %dma_wait3A_47 = tpu.memref_slice %arg5[%arg0, %dma_wait3A, %dma_wait3A_46] : memref<2x10240x128xf32, #tpu.memory_space<hbm>> -> memref<1x10240x128xf32, #tpu.memory_space<hbm>>
        %dma_wait3A_48 = tpu.memref_squeeze %dma_wait3A_47 : memref<1x10240x128xf32, #tpu.memory_space<hbm>> -> memref<10240x128xf32, #tpu.memory_space<hbm>>
        %dma_wait3A_49 = arith.constant 0 : i32
        %dma_wait3A_50 = tpu.memref_slice %dma_wait3A_48[%add3A_34, %dma_wait3A_49] : memref<10240x128xf32, #tpu.memory_space<hbm>> -> memref<128x128xf32, #tpu.memory_space<hbm>>
        %dma_wait3A_51 = arith.constant 0 : i32
        %dma_wait3A_52 = arith.constant 0 : i32
        %dma_wait3A_53 = tpu.memref_slice %arg5[%arg0, %dma_wait3A_51, %dma_wait3A_52] : memref<2x10240x128xf32, #tpu.memory_space<hbm>> -> memref<1x10240x128xf32, #tpu.memory_space<hbm>>
        %dma_wait3A_54 = tpu.memref_squeeze %dma_wait3A_53 : memref<1x10240x128xf32, #tpu.memory_space<hbm>> -> memref<10240x128xf32, #tpu.memory_space<hbm>>
        %dma_wait3A_55 = arith.constant 0 : i32
        %dma_wait3A_56 = tpu.memref_slice %dma_wait3A_54[%add3A_34, %dma_wait3A_55] : memref<10240x128xf32, #tpu.memory_space<hbm>> -> memref<128x128xf32, #tpu.memory_space<hbm>>
        tpu.wait_dma2 semaphore(%run_scoped3A : memref<!tpu.dma_semaphore, #tpu.memory_space<semaphore_mem>>) src(%arg8 : memref<128x128xf32, #tpu.memory_space<vmem>>) dst(%dma_wait3A_56 : memref<128x128xf32, #tpu.memory_space<hbm>>)
        tpu.yield
      }) : () -> ()
    }
    %scan3A_27 = arith.constant 5 : i32
    return
  }
}

#map = affine_map<(d0, d1) -> (0, 0, 0)>
#map1 = affine_map<(d0, d1) -> (0, 0)>
module attributes {stable_mosaic.version = 14 : i64} {
  func.func @_sc_deg_body(%arg0: i32, %arg1: i32, %arg2: memref<32x79x128xi32, #tpu.memory_space<hbm>>, %arg3: memref<2x10240xf32, #tpu.memory_space<hbm>>, %arg4: memref<79x128xi32, #tpu.memory_space<vmem>>, %arg5: memref<128xf32, #tpu.memory_space<vmem>>, %arg6: memref<640xf32, #tpu.memory_space<vmem>>, %arg7: memref<10240xf32, #tpu.memory_space<vmem_shared>>) attributes {dimension_semantics = [#tpu.dimension_semantics<core_parallel>, #tpu.dimension_semantics<subcore_parallel>], iteration_bounds = array<i64: 2, 16>, scalar_prefetch = 0 : i64, scratch_operands = 4 : i64, tpu.core_type = #tpu.core_type<sc_vector_subcore>, window_params = [{transform_indices = #map}, {transform_indices = #map1}]} {
    %mul3A = arith.constant 16 : i32
    %mul3A_0 = arith.muli %arg0, %mul3A : i32
    %add3A = arith.addi %mul3A_0, %arg1 : i32
    "tpu.region"() ({
      %run_scoped3A = tpu.sem_alloc : memref<!tpu.dma_semaphore, #tpu.memory_space<semaphore_mem>>
      %dma_start3A = arith.constant 0 : i32
      %dma_start3A_203 = arith.constant 0 : i32
      %dma_start3A_204 = tpu.memref_slice %arg2[%add3A, %dma_start3A, %dma_start3A_203] : memref<32x79x128xi32, #tpu.memory_space<hbm>> -> memref<1x79x128xi32, #tpu.memory_space<hbm>>
      %dma_start3A_205 = tpu.memref_squeeze %dma_start3A_204 : memref<1x79x128xi32, #tpu.memory_space<hbm>> -> memref<79x128xi32, #tpu.memory_space<hbm>>
      %dma_start3A_206 = arith.constant 0 : i32
      %dma_start3A_207 = arith.constant 0 : i32
      %dma_start3A_208 = tpu.memref_slice %arg2[%add3A, %dma_start3A_206, %dma_start3A_207] : memref<32x79x128xi32, #tpu.memory_space<hbm>> -> memref<1x79x128xi32, #tpu.memory_space<hbm>>
      %dma_start3A_209 = tpu.memref_squeeze %dma_start3A_208 : memref<1x79x128xi32, #tpu.memory_space<hbm>> -> memref<79x128xi32, #tpu.memory_space<hbm>>
      tpu.enqueue_dma source(%dma_start3A_209 : memref<79x128xi32, #tpu.memory_space<hbm>>) target(%arg4 : memref<79x128xi32, #tpu.memory_space<vmem>>) target_semaphore(%run_scoped3A : memref<!tpu.dma_semaphore, #tpu.memory_space<semaphore_mem>>)
      %dma_wait3A = arith.constant 0 : i32
      %dma_wait3A_210 = arith.constant 0 : i32
      %dma_wait3A_211 = tpu.memref_slice %arg2[%add3A, %dma_wait3A, %dma_wait3A_210] : memref<32x79x128xi32, #tpu.memory_space<hbm>> -> memref<1x79x128xi32, #tpu.memory_space<hbm>>
      %dma_wait3A_212 = tpu.memref_squeeze %dma_wait3A_211 : memref<1x79x128xi32, #tpu.memory_space<hbm>> -> memref<79x128xi32, #tpu.memory_space<hbm>>
      %dma_wait3A_213 = arith.constant 0 : i32
      %dma_wait3A_214 = arith.constant 0 : i32
      %dma_wait3A_215 = tpu.memref_slice %arg2[%add3A, %dma_wait3A_213, %dma_wait3A_214] : memref<32x79x128xi32, #tpu.memory_space<hbm>> -> memref<1x79x128xi32, #tpu.memory_space<hbm>>
      %dma_wait3A_216 = tpu.memref_squeeze %dma_wait3A_215 : memref<1x79x128xi32, #tpu.memory_space<hbm>> -> memref<79x128xi32, #tpu.memory_space<hbm>>
      tpu.wait_dma2 semaphore(%run_scoped3A : memref<!tpu.dma_semaphore, #tpu.memory_space<semaphore_mem>>) src(%dma_wait3A_216 : memref<79x128xi32, #tpu.memory_space<hbm>>) dst(%arg4 : memref<79x128xi32, #tpu.memory_space<vmem>>)
      tpu.yield
    }) : () -> ()
    %broadcast_in_dim3A = arith.constant 1.000000e+00 : f32
    %broadcast_in_dim3A_1 = vector.broadcast %broadcast_in_dim3A : f32 to vector<16xf32>
    %swap3A = arith.constant 0 : index
    %swap3A_2 = tpu.vector_load %arg5[%swap3A] {strides = array<i32>} : memref<128xf32, #tpu.memory_space<vmem>>, vector<16xf32>,
    %swap3A_3 = vector.shape_cast %swap3A_2 : vector<16xf32> to vector<16xf32>
    %swap3A_4 = vector.shape_cast %broadcast_in_dim3A_1 : vector<16xf32> to vector<16xf32>
    tpu.vector_store %arg5[%swap3A], %swap3A_4 {strides = array<i32>} : memref<128xf32, #tpu.memory_space<vmem>>, vector<16xf32>,
    %swap3A_5 = arith.constant 16 : index
    %swap3A_6 = tpu.vector_load %arg5[%swap3A_5] {strides = array<i32>} : memref<128xf32, #tpu.memory_space<vmem>>, vector<16xf32>,
    %swap3A_7 = vector.shape_cast %swap3A_6 : vector<16xf32> to vector<16xf32>
    %swap3A_8 = vector.shape_cast %broadcast_in_dim3A_1 : vector<16xf32> to vector<16xf32>
    tpu.vector_store %arg5[%swap3A_5], %swap3A_8 {strides = array<i32>} : memref<128xf32, #tpu.memory_space<vmem>>, vector<16xf32>,
    %swap3A_9 = arith.constant 32 : index
    %swap3A_10 = tpu.vector_load %arg5[%swap3A_9] {strides = array<i32>} : memref<128xf32, #tpu.memory_space<vmem>>, vector<16xf32>,
    %swap3A_11 = vector.shape_cast %swap3A_10 : vector<16xf32> to vector<16xf32>
    %swap3A_12 = vector.shape_cast %broadcast_in_dim3A_1 : vector<16xf32> to vector<16xf32>
    tpu.vector_store %arg5[%swap3A_9], %swap3A_12 {strides = array<i32>} : memref<128xf32, #tpu.memory_space<vmem>>, vector<16xf32>,
    %swap3A_13 = arith.constant 48 : index
    %swap3A_14 = tpu.vector_load %arg5[%swap3A_13] {strides = array<i32>} : memref<128xf32, #tpu.memory_space<vmem>>, vector<16xf32>,
    %swap3A_15 = vector.shape_cast %swap3A_14 : vector<16xf32> to vector<16xf32>
    %swap3A_16 = vector.shape_cast %broadcast_in_dim3A_1 : vector<16xf32> to vector<16xf32>
    tpu.vector_store %arg5[%swap3A_13], %swap3A_16 {strides = array<i32>} : memref<128xf32, #tpu.memory_space<vmem>>, vector<16xf32>,
    %swap3A_17 = arith.constant 64 : index
    %swap3A_18 = tpu.vector_load %arg5[%swap3A_17] {strides = array<i32>} : memref<128xf32, #tpu.memory_space<vmem>>, vector<16xf32>,
    %swap3A_19 = vector.shape_cast %swap3A_18 : vector<16xf32> to vector<16xf32>
    %swap3A_20 = vector.shape_cast %broadcast_in_dim3A_1 : vector<16xf32> to vector<16xf32>
    tpu.vector_store %arg5[%swap3A_17], %swap3A_20 {strides = array<i32>} : memref<128xf32, #tpu.memory_space<vmem>>, vector<16xf32>,
    %swap3A_21 = arith.constant 80 : index
    %swap3A_22 = tpu.vector_load %arg5[%swap3A_21] {strides = array<i32>} : memref<128xf32, #tpu.memory_space<vmem>>, vector<16xf32>,
    %swap3A_23 = vector.shape_cast %swap3A_22 : vector<16xf32> to vector<16xf32>
    %swap3A_24 = vector.shape_cast %broadcast_in_dim3A_1 : vector<16xf32> to vector<16xf32>
    tpu.vector_store %arg5[%swap3A_21], %swap3A_24 {strides = array<i32>} : memref<128xf32, #tpu.memory_space<vmem>>, vector<16xf32>,
    %swap3A_25 = arith.constant 96 : index
    %swap3A_26 = tpu.vector_load %arg5[%swap3A_25] {strides = array<i32>} : memref<128xf32, #tpu.memory_space<vmem>>, vector<16xf32>,
    %swap3A_27 = vector.shape_cast %swap3A_26 : vector<16xf32> to vector<16xf32>
    %swap3A_28 = vector.shape_cast %broadcast_in_dim3A_1 : vector<16xf32> to vector<16xf32>
    tpu.vector_store %arg5[%swap3A_25], %swap3A_28 {strides = array<i32>} : memref<128xf32, #tpu.memory_space<vmem>>, vector<16xf32>,
    %swap3A_29 = arith.constant 112 : index
    %swap3A_30 = tpu.vector_load %arg5[%swap3A_29] {strides = array<i32>} : memref<128xf32, #tpu.memory_space<vmem>>, vector<16xf32>,
    %swap3A_31 = vector.shape_cast %swap3A_30 : vector<16xf32> to vector<16xf32>
    %swap3A_32 = vector.shape_cast %broadcast_in_dim3A_1 : vector<16xf32> to vector<16xf32>
    tpu.vector_store %arg5[%swap3A_29], %swap3A_32 {strides = array<i32>} : memref<128xf32, #tpu.memory_space<vmem>>, vector<16xf32>,
    %broadcast_in_dim3A_33 = arith.constant 0.000000e+00 : f32
    %broadcast_in_dim3A_34 = vector.broadcast %broadcast_in_dim3A_33 : f32 to vector<16xf32>
    %swap3A_35 = arith.constant 0 : index
    %swap3A_36 = tpu.vector_load %arg6[%swap3A_35] {strides = array<i32>} : memref<640xf32, #tpu.memory_space<vmem>>, vector<16xf32>,
    %swap3A_37 = vector.shape_cast %swap3A_36 : vector<16xf32> to vector<16xf32>
    %swap3A_38 = vector.shape_cast %broadcast_in_dim3A_34 : vector<16xf32> to vector<16xf32>
    tpu.vector_store %arg6[%swap3A_35], %swap3A_38 {strides = array<i32>} : memref<640xf32, #tpu.memory_space<vmem>>, vector<16xf32>,
    %swap3A_39 = arith.constant 16 : index
    %swap3A_40 = tpu.vector_load %arg6[%swap3A_39] {strides = array<i32>} : memref<640xf32, #tpu.memory_space<vmem>>, vector<16xf32>,
    %swap3A_41 = vector.shape_cast %swap3A_40 : vector<16xf32> to vector<16xf32>
    %swap3A_42 = vector.shape_cast %broadcast_in_dim3A_34 : vector<16xf32> to vector<16xf32>
    tpu.vector_store %arg6[%swap3A_39], %swap3A_42 {strides = array<i32>} : memref<640xf32, #tpu.memory_space<vmem>>, vector<16xf32>,
    %swap3A_43 = arith.constant 32 : index
    %swap3A_44 = tpu.vector_load %arg6[%swap3A_43] {strides = array<i32>} : memref<640xf32, #tpu.memory_space<vmem>>, vector<16xf32>,
    %swap3A_45 = vector.shape_cast %swap3A_44 : vector<16xf32> to vector<16xf32>
    %swap3A_46 = vector.shape_cast %broadcast_in_dim3A_34 : vector<16xf32> to vector<16xf32>
    tpu.vector_store %arg6[%swap3A_43], %swap3A_46 {strides = array<i32>} : memref<640xf32, #tpu.memory_space<vmem>>, vector<16xf32>,
    %swap3A_47 = arith.constant 48 : index
    %swap3A_48 = tpu.vector_load %arg6[%swap3A_47] {strides = array<i32>} : memref<640xf32, #tpu.memory_space<vmem>>, vector<16xf32>,
    %swap3A_49 = vector.shape_cast %swap3A_48 : vector<16xf32> to vector<16xf32>
    %swap3A_50 = vector.shape_cast %broadcast_in_dim3A_34 : vector<16xf32> to vector<16xf32>
    tpu.vector_store %arg6[%swap3A_47], %swap3A_50 {strides = array<i32>} : memref<640xf32, #tpu.memory_space<vmem>>, vector<16xf32>,
    %swap3A_51 = arith.constant 64 : index
    %swap3A_52 = tpu.vector_load %arg6[%swap3A_51] {strides = array<i32>} : memref<640xf32, #tpu.memory_space<vmem>>, vector<16xf32>,
    %swap3A_53 = vector.shape_cast %swap3A_52 : vector<16xf32> to vector<16xf32>
    %swap3A_54 = vector.shape_cast %broadcast_in_dim3A_34 : vector<16xf32> to vector<16xf32>
    tpu.vector_store %arg6[%swap3A_51], %swap3A_54 {strides = array<i32>} : memref<640xf32, #tpu.memory_space<vmem>>, vector<16xf32>,
    %swap3A_55 = arith.constant 80 : index
    %swap3A_56 = tpu.vector_load %arg6[%swap3A_55] {strides = array<i32>} : memref<640xf32, #tpu.memory_space<vmem>>, vector<16xf32>,
    %swap3A_57 = vector.shape_cast %swap3A_56 : vector<16xf32> to vector<16xf32>
    %swap3A_58 = vector.shape_cast %broadcast_in_dim3A_34 : vector<16xf32> to vector<16xf32>
    tpu.vector_store %arg6[%swap3A_55], %swap3A_58 {strides = array<i32>} : memref<640xf32, #tpu.memory_space<vmem>>, vector<16xf32>,
    %swap3A_59 = arith.constant 96 : index
    %swap3A_60 = tpu.vector_load %arg6[%swap3A_59] {strides = array<i32>} : memref<640xf32, #tpu.memory_space<vmem>>, vector<16xf32>,
    %swap3A_61 = vector.shape_cast %swap3A_60 : vector<16xf32> to vector<16xf32>
    %swap3A_62 = vector.shape_cast %broadcast_in_dim3A_34 : vector<16xf32> to vector<16xf32>
    tpu.vector_store %arg6[%swap3A_59], %swap3A_62 {strides = array<i32>} : memref<640xf32, #tpu.memory_space<vmem>>, vector<16xf32>,
    %swap3A_63 = arith.constant 112 : index
    %swap3A_64 = tpu.vector_load %arg6[%swap3A_63] {strides = array<i32>} : memref<640xf32, #tpu.memory_space<vmem>>, vector<16xf32>,
    %swap3A_65 = vector.shape_cast %swap3A_64 : vector<16xf32> to vector<16xf32>
    %swap3A_66 = vector.shape_cast %broadcast_in_dim3A_34 : vector<16xf32> to vector<16xf32>
    tpu.vector_store %arg6[%swap3A_63], %swap3A_66 {strides = array<i32>} : memref<640xf32, #tpu.memory_space<vmem>>, vector<16xf32>,
    %swap3A_67 = arith.constant 128 : index
    %swap3A_68 = tpu.vector_load %arg6[%swap3A_67] {strides = array<i32>} : memref<640xf32, #tpu.memory_space<vmem>>, vector<16xf32>,
    %swap3A_69 = vector.shape_cast %swap3A_68 : vector<16xf32> to vector<16xf32>
    %swap3A_70 = vector.shape_cast %broadcast_in_dim3A_34 : vector<16xf32> to vector<16xf32>
    tpu.vector_store %arg6[%swap3A_67], %swap3A_70 {strides = array<i32>} : memref<640xf32, #tpu.memory_space<vmem>>, vector<16xf32>,
    %swap3A_71 = arith.constant 144 : index
    %swap3A_72 = tpu.vector_load %arg6[%swap3A_71] {strides = array<i32>} : memref<640xf32, #tpu.memory_space<vmem>>, vector<16xf32>,
    %swap3A_73 = vector.shape_cast %swap3A_72 : vector<16xf32> to vector<16xf32>
    %swap3A_74 = vector.shape_cast %broadcast_in_dim3A_34 : vector<16xf32> to vector<16xf32>
    tpu.vector_store %arg6[%swap3A_71], %swap3A_74 {strides = array<i32>} : memref<640xf32, #tpu.memory_space<vmem>>, vector<16xf32>,
    %swap3A_75 = arith.constant 160 : index
    %swap3A_76 = tpu.vector_load %arg6[%swap3A_75] {strides = array<i32>} : memref<640xf32, #tpu.memory_space<vmem>>, vector<16xf32>,
    %swap3A_77 = vector.shape_cast %swap3A_76 : vector<16xf32> to vector<16xf32>
    %swap3A_78 = vector.shape_cast %broadcast_in_dim3A_34 : vector<16xf32> to vector<16xf32>
    tpu.vector_store %arg6[%swap3A_75], %swap3A_78 {strides = array<i32>} : memref<640xf32, #tpu.memory_space<vmem>>, vector<16xf32>,
    %swap3A_79 = arith.constant 176 : index
    %swap3A_80 = tpu.vector_load %arg6[%swap3A_79] {strides = array<i32>} : memref<640xf32, #tpu.memory_space<vmem>>, vector<16xf32>,
    %swap3A_81 = vector.shape_cast %swap3A_80 : vector<16xf32> to vector<16xf32>
    %swap3A_82 = vector.shape_cast %broadcast_in_dim3A_34 : vector<16xf32> to vector<16xf32>
    tpu.vector_store %arg6[%swap3A_79], %swap3A_82 {strides = array<i32>} : memref<640xf32, #tpu.memory_space<vmem>>, vector<16xf32>,
    %swap3A_83 = arith.constant 192 : index
    %swap3A_84 = tpu.vector_load %arg6[%swap3A_83] {strides = array<i32>} : memref<640xf32, #tpu.memory_space<vmem>>, vector<16xf32>,
    %swap3A_85 = vector.shape_cast %swap3A_84 : vector<16xf32> to vector<16xf32>
    %swap3A_86 = vector.shape_cast %broadcast_in_dim3A_34 : vector<16xf32> to vector<16xf32>
    tpu.vector_store %arg6[%swap3A_83], %swap3A_86 {strides = array<i32>} : memref<640xf32, #tpu.memory_space<vmem>>, vector<16xf32>,
    %swap3A_87 = arith.constant 208 : index
    %swap3A_88 = tpu.vector_load %arg6[%swap3A_87] {strides = array<i32>} : memref<640xf32, #tpu.memory_space<vmem>>, vector<16xf32>,
    %swap3A_89 = vector.shape_cast %swap3A_88 : vector<16xf32> to vector<16xf32>
    %swap3A_90 = vector.shape_cast %broadcast_in_dim3A_34 : vector<16xf32> to vector<16xf32>
    tpu.vector_store %arg6[%swap3A_87], %swap3A_90 {strides = array<i32>} : memref<640xf32, #tpu.memory_space<vmem>>, vector<16xf32>,
    %swap3A_91 = arith.constant 224 : index
    %swap3A_92 = tpu.vector_load %arg6[%swap3A_91] {strides = array<i32>} : memref<640xf32, #tpu.memory_space<vmem>>, vector<16xf32>,
    %swap3A_93 = vector.shape_cast %swap3A_92 : vector<16xf32> to vector<16xf32>
    %swap3A_94 = vector.shape_cast %broadcast_in_dim3A_34 : vector<16xf32> to vector<16xf32>
    tpu.vector_store %arg6[%swap3A_91], %swap3A_94 {strides = array<i32>} : memref<640xf32, #tpu.memory_space<vmem>>, vector<16xf32>,
    %swap3A_95 = arith.constant 240 : index
    %swap3A_96 = tpu.vector_load %arg6[%swap3A_95] {strides = array<i32>} : memref<640xf32, #tpu.memory_space<vmem>>, vector<16xf32>,
    %swap3A_97 = vector.shape_cast %swap3A_96 : vector<16xf32> to vector<16xf32>
    %swap3A_98 = vector.shape_cast %broadcast_in_dim3A_34 : vector<16xf32> to vector<16xf32>
    tpu.vector_store %arg6[%swap3A_95], %swap3A_98 {strides = array<i32>} : memref<640xf32, #tpu.memory_space<vmem>>, vector<16xf32>,
    %swap3A_99 = arith.constant 256 : index
    %swap3A_100 = tpu.vector_load %arg6[%swap3A_99] {strides = array<i32>} : memref<640xf32, #tpu.memory_space<vmem>>, vector<16xf32>,
    %swap3A_101 = vector.shape_cast %swap3A_100 : vector<16xf32> to vector<16xf32>
    %swap3A_102 = vector.shape_cast %broadcast_in_dim3A_34 : vector<16xf32> to vector<16xf32>
    tpu.vector_store %arg6[%swap3A_99], %swap3A_102 {strides = array<i32>} : memref<640xf32, #tpu.memory_space<vmem>>, vector<16xf32>,
    %swap3A_103 = arith.constant 272 : index
    %swap3A_104 = tpu.vector_load %arg6[%swap3A_103] {strides = array<i32>} : memref<640xf32, #tpu.memory_space<vmem>>, vector<16xf32>,
    %swap3A_105 = vector.shape_cast %swap3A_104 : vector<16xf32> to vector<16xf32>
    %swap3A_106 = vector.shape_cast %broadcast_in_dim3A_34 : vector<16xf32> to vector<16xf32>
    tpu.vector_store %arg6[%swap3A_103], %swap3A_106 {strides = array<i32>} : memref<640xf32, #tpu.memory_space<vmem>>, vector<16xf32>,
    %swap3A_107 = arith.constant 288 : index
    %swap3A_108 = tpu.vector_load %arg6[%swap3A_107] {strides = array<i32>} : memref<640xf32, #tpu.memory_space<vmem>>, vector<16xf32>,
    %swap3A_109 = vector.shape_cast %swap3A_108 : vector<16xf32> to vector<16xf32>
    %swap3A_110 = vector.shape_cast %broadcast_in_dim3A_34 : vector<16xf32> to vector<16xf32>
    tpu.vector_store %arg6[%swap3A_107], %swap3A_110 {strides = array<i32>} : memref<640xf32, #tpu.memory_space<vmem>>, vector<16xf32>,
    %swap3A_111 = arith.constant 304 : index
    %swap3A_112 = tpu.vector_load %arg6[%swap3A_111] {strides = array<i32>} : memref<640xf32, #tpu.memory_space<vmem>>, vector<16xf32>,
    %swap3A_113 = vector.shape_cast %swap3A_112 : vector<16xf32> to vector<16xf32>
    %swap3A_114 = vector.shape_cast %broadcast_in_dim3A_34 : vector<16xf32> to vector<16xf32>
    tpu.vector_store %arg6[%swap3A_111], %swap3A_114 {strides = array<i32>} : memref<640xf32, #tpu.memory_space<vmem>>, vector<16xf32>,
    %swap3A_115 = arith.constant 320 : index
    %swap3A_116 = tpu.vector_load %arg6[%swap3A_115] {strides = array<i32>} : memref<640xf32, #tpu.memory_space<vmem>>, vector<16xf32>,
    %swap3A_117 = vector.shape_cast %swap3A_116 : vector<16xf32> to vector<16xf32>
    %swap3A_118 = vector.shape_cast %broadcast_in_dim3A_34 : vector<16xf32> to vector<16xf32>
    tpu.vector_store %arg6[%swap3A_115], %swap3A_118 {strides = array<i32>} : memref<640xf32, #tpu.memory_space<vmem>>, vector<16xf32>,
    %swap3A_119 = arith.constant 336 : index
    %swap3A_120 = tpu.vector_load %arg6[%swap3A_119] {strides = array<i32>} : memref<640xf32, #tpu.memory_space<vmem>>, vector<16xf32>,
    %swap3A_121 = vector.shape_cast %swap3A_120 : vector<16xf32> to vector<16xf32>
    %swap3A_122 = vector.shape_cast %broadcast_in_dim3A_34 : vector<16xf32> to vector<16xf32>
    tpu.vector_store %arg6[%swap3A_119], %swap3A_122 {strides = array<i32>} : memref<640xf32, #tpu.memory_space<vmem>>, vector<16xf32>,
    %swap3A_123 = arith.constant 352 : index
    %swap3A_124 = tpu.vector_load %arg6[%swap3A_123] {strides = array<i32>} : memref<640xf32, #tpu.memory_space<vmem>>, vector<16xf32>,
    %swap3A_125 = vector.shape_cast %swap3A_124 : vector<16xf32> to vector<16xf32>
    %swap3A_126 = vector.shape_cast %broadcast_in_dim3A_34 : vector<16xf32> to vector<16xf32>
    tpu.vector_store %arg6[%swap3A_123], %swap3A_126 {strides = array<i32>} : memref<640xf32, #tpu.memory_space<vmem>>, vector<16xf32>,
    %swap3A_127 = arith.constant 368 : index
    %swap3A_128 = tpu.vector_load %arg6[%swap3A_127] {strides = array<i32>} : memref<640xf32, #tpu.memory_space<vmem>>, vector<16xf32>,
    %swap3A_129 = vector.shape_cast %swap3A_128 : vector<16xf32> to vector<16xf32>
    %swap3A_130 = vector.shape_cast %broadcast_in_dim3A_34 : vector<16xf32> to vector<16xf32>
    tpu.vector_store %arg6[%swap3A_127], %swap3A_130 {strides = array<i32>} : memref<640xf32, #tpu.memory_space<vmem>>, vector<16xf32>,
    %swap3A_131 = arith.constant 384 : index
    %swap3A_132 = tpu.vector_load %arg6[%swap3A_131] {strides = array<i32>} : memref<640xf32, #tpu.memory_space<vmem>>, vector<16xf32>,
    %swap3A_133 = vector.shape_cast %swap3A_132 : vector<16xf32> to vector<16xf32>
    %swap3A_134 = vector.shape_cast %broadcast_in_dim3A_34 : vector<16xf32> to vector<16xf32>
    tpu.vector_store %arg6[%swap3A_131], %swap3A_134 {strides = array<i32>} : memref<640xf32, #tpu.memory_space<vmem>>, vector<16xf32>,
    %swap3A_135 = arith.constant 400 : index
    %swap3A_136 = tpu.vector_load %arg6[%swap3A_135] {strides = array<i32>} : memref<640xf32, #tpu.memory_space<vmem>>, vector<16xf32>,
    %swap3A_137 = vector.shape_cast %swap3A_136 : vector<16xf32> to vector<16xf32>
    %swap3A_138 = vector.shape_cast %broadcast_in_dim3A_34 : vector<16xf32> to vector<16xf32>
    tpu.vector_store %arg6[%swap3A_135], %swap3A_138 {strides = array<i32>} : memref<640xf32, #tpu.memory_space<vmem>>, vector<16xf32>,
    %swap3A_139 = arith.constant 416 : index
    %swap3A_140 = tpu.vector_load %arg6[%swap3A_139] {strides = array<i32>} : memref<640xf32, #tpu.memory_space<vmem>>, vector<16xf32>,
    %swap3A_141 = vector.shape_cast %swap3A_140 : vector<16xf32> to vector<16xf32>
    %swap3A_142 = vector.shape_cast %broadcast_in_dim3A_34 : vector<16xf32> to vector<16xf32>
    tpu.vector_store %arg6[%swap3A_139], %swap3A_142 {strides = array<i32>} : memref<640xf32, #tpu.memory_space<vmem>>, vector<16xf32>,
    %swap3A_143 = arith.constant 432 : index
    %swap3A_144 = tpu.vector_load %arg6[%swap3A_143] {strides = array<i32>} : memref<640xf32, #tpu.memory_space<vmem>>, vector<16xf32>,
    %swap3A_145 = vector.shape_cast %swap3A_144 : vector<16xf32> to vector<16xf32>
    %swap3A_146 = vector.shape_cast %broadcast_in_dim3A_34 : vector<16xf32> to vector<16xf32>
    tpu.vector_store %arg6[%swap3A_143], %swap3A_146 {strides = array<i32>} : memref<640xf32, #tpu.memory_space<vmem>>, vector<16xf32>,
    %swap3A_147 = arith.constant 448 : index
    %swap3A_148 = tpu.vector_load %arg6[%swap3A_147] {strides = array<i32>} : memref<640xf32, #tpu.memory_space<vmem>>, vector<16xf32>,
    %swap3A_149 = vector.shape_cast %swap3A_148 : vector<16xf32> to vector<16xf32>
    %swap3A_150 = vector.shape_cast %broadcast_in_dim3A_34 : vector<16xf32> to vector<16xf32>
    tpu.vector_store %arg6[%swap3A_147], %swap3A_150 {strides = array<i32>} : memref<640xf32, #tpu.memory_space<vmem>>, vector<16xf32>,
    %swap3A_151 = arith.constant 464 : index
    %swap3A_152 = tpu.vector_load %arg6[%swap3A_151] {strides = array<i32>} : memref<640xf32, #tpu.memory_space<vmem>>, vector<16xf32>,
    %swap3A_153 = vector.shape_cast %swap3A_152 : vector<16xf32> to vector<16xf32>
    %swap3A_154 = vector.shape_cast %broadcast_in_dim3A_34 : vector<16xf32> to vector<16xf32>
    tpu.vector_store %arg6[%swap3A_151], %swap3A_154 {strides = array<i32>} : memref<640xf32, #tpu.memory_space<vmem>>, vector<16xf32>,
    %swap3A_155 = arith.constant 480 : index
    %swap3A_156 = tpu.vector_load %arg6[%swap3A_155] {strides = array<i32>} : memref<640xf32, #tpu.memory_space<vmem>>, vector<16xf32>,
    %swap3A_157 = vector.shape_cast %swap3A_156 : vector<16xf32> to vector<16xf32>
    %swap3A_158 = vector.shape_cast %broadcast_in_dim3A_34 : vector<16xf32> to vector<16xf32>
    tpu.vector_store %arg6[%swap3A_155], %swap3A_158 {strides = array<i32>} : memref<640xf32, #tpu.memory_space<vmem>>, vector<16xf32>,
    %swap3A_159 = arith.constant 496 : index
    %swap3A_160 = tpu.vector_load %arg6[%swap3A_159] {strides = array<i32>} : memref<640xf32, #tpu.memory_space<vmem>>, vector<16xf32>,
    %swap3A_161 = vector.shape_cast %swap3A_160 : vector<16xf32> to vector<16xf32>
    %swap3A_162 = vector.shape_cast %broadcast_in_dim3A_34 : vector<16xf32> to vector<16xf32>
    tpu.vector_store %arg6[%swap3A_159], %swap3A_162 {strides = array<i32>} : memref<640xf32, #tpu.memory_space<vmem>>, vector<16xf32>,
    %swap3A_163 = arith.constant 512 : index
    %swap3A_164 = tpu.vector_load %arg6[%swap3A_163] {strides = array<i32>} : memref<640xf32, #tpu.memory_space<vmem>>, vector<16xf32>,
    %swap3A_165 = vector.shape_cast %swap3A_164 : vector<16xf32> to vector<16xf32>
    %swap3A_166 = vector.shape_cast %broadcast_in_dim3A_34 : vector<16xf32> to vector<16xf32>
    tpu.vector_store %arg6[%swap3A_163], %swap3A_166 {strides = array<i32>} : memref<640xf32, #tpu.memory_space<vmem>>, vector<16xf32>,
    %swap3A_167 = arith.constant 528 : index
    %swap3A_168 = tpu.vector_load %arg6[%swap3A_167] {strides = array<i32>} : memref<640xf32, #tpu.memory_space<vmem>>, vector<16xf32>,
    %swap3A_169 = vector.shape_cast %swap3A_168 : vector<16xf32> to vector<16xf32>
    %swap3A_170 = vector.shape_cast %broadcast_in_dim3A_34 : vector<16xf32> to vector<16xf32>
    tpu.vector_store %arg6[%swap3A_167], %swap3A_170 {strides = array<i32>} : memref<640xf32, #tpu.memory_space<vmem>>, vector<16xf32>,
    %swap3A_171 = arith.constant 544 : index
    %swap3A_172 = tpu.vector_load %arg6[%swap3A_171] {strides = array<i32>} : memref<640xf32, #tpu.memory_space<vmem>>, vector<16xf32>,
    %swap3A_173 = vector.shape_cast %swap3A_172 : vector<16xf32> to vector<16xf32>
    %swap3A_174 = vector.shape_cast %broadcast_in_dim3A_34 : vector<16xf32> to vector<16xf32>
    tpu.vector_store %arg6[%swap3A_171], %swap3A_174 {strides = array<i32>} : memref<640xf32, #tpu.memory_space<vmem>>, vector<16xf32>,
    %swap3A_175 = arith.constant 560 : index
    %swap3A_176 = tpu.vector_load %arg6[%swap3A_175] {strides = array<i32>} : memref<640xf32, #tpu.memory_space<vmem>>, vector<16xf32>,
    %swap3A_177 = vector.shape_cast %swap3A_176 : vector<16xf32> to vector<16xf32>
    %swap3A_178 = vector.shape_cast %broadcast_in_dim3A_34 : vector<16xf32> to vector<16xf32>
    tpu.vector_store %arg6[%swap3A_175], %swap3A_178 {strides = array<i32>} : memref<640xf32, #tpu.memory_space<vmem>>, vector<16xf32>,
    %swap3A_179 = arith.constant 576 : index
    %swap3A_180 = tpu.vector_load %arg6[%swap3A_179] {strides = array<i32>} : memref<640xf32, #tpu.memory_space<vmem>>, vector<16xf32>,
    %swap3A_181 = vector.shape_cast %swap3A_180 : vector<16xf32> to vector<16xf32>
    %swap3A_182 = vector.shape_cast %broadcast_in_dim3A_34 : vector<16xf32> to vector<16xf32>
    tpu.vector_store %arg6[%swap3A_179], %swap3A_182 {strides = array<i32>} : memref<640xf32, #tpu.memory_space<vmem>>, vector<16xf32>,
    %swap3A_183 = arith.constant 592 : index
    %swap3A_184 = tpu.vector_load %arg6[%swap3A_183] {strides = array<i32>} : memref<640xf32, #tpu.memory_space<vmem>>, vector<16xf32>,
    %swap3A_185 = vector.shape_cast %swap3A_184 : vector<16xf32> to vector<16xf32>
    %swap3A_186 = vector.shape_cast %broadcast_in_dim3A_34 : vector<16xf32> to vector<16xf32>
    tpu.vector_store %arg6[%swap3A_183], %swap3A_186 {strides = array<i32>} : memref<640xf32, #tpu.memory_space<vmem>>, vector<16xf32>,
    %swap3A_187 = arith.constant 608 : index
    %swap3A_188 = tpu.vector_load %arg6[%swap3A_187] {strides = array<i32>} : memref<640xf32, #tpu.memory_space<vmem>>, vector<16xf32>,
    %swap3A_189 = vector.shape_cast %swap3A_188 : vector<16xf32> to vector<16xf32>
    %swap3A_190 = vector.shape_cast %broadcast_in_dim3A_34 : vector<16xf32> to vector<16xf32>
    tpu.vector_store %arg6[%swap3A_187], %swap3A_190 {strides = array<i32>} : memref<640xf32, #tpu.memory_space<vmem>>, vector<16xf32>,
    %swap3A_191 = arith.constant 624 : index
    %swap3A_192 = tpu.vector_load %arg6[%swap3A_191] {strides = array<i32>} : memref<640xf32, #tpu.memory_space<vmem>>, vector<16xf32>,
    %swap3A_193 = vector.shape_cast %swap3A_192 : vector<16xf32> to vector<16xf32>
    %swap3A_194 = vector.shape_cast %broadcast_in_dim3A_34 : vector<16xf32> to vector<16xf32>
    tpu.vector_store %arg6[%swap3A_191], %swap3A_194 {strides = array<i32>} : memref<640xf32, #tpu.memory_space<vmem>>, vector<16xf32>,
    %mul3A_195 = arith.constant 640 : i32
    %mul3A_196 = arith.muli %arg1, %mul3A_195 : i32
    "tpu.region"() ({
      %run_scoped3A = tpu.sem_alloc : memref<!tpu.dma_semaphore, #tpu.memory_space<semaphore_mem>>
      %dma_start3A = tpu.memref_slice %arg7[%mul3A_196] : memref<10240xf32, #tpu.memory_space<vmem_shared>> -> memref<640xf32, #tpu.memory_space<vmem_shared>>
      %dma_start3A_203 = tpu.memref_slice %arg7[%mul3A_196] : memref<10240xf32, #tpu.memory_space<vmem_shared>> -> memref<640xf32, #tpu.memory_space<vmem_shared>>
      tpu.enqueue_dma source(%arg6 : memref<640xf32, #tpu.memory_space<vmem>>) target(%dma_start3A_203 : memref<640xf32, #tpu.memory_space<vmem_shared>>) target_semaphore(%run_scoped3A : memref<!tpu.dma_semaphore, #tpu.memory_space<semaphore_mem>>)
      %dma_wait3A = tpu.memref_slice %arg7[%mul3A_196] : memref<10240xf32, #tpu.memory_space<vmem_shared>> -> memref<640xf32, #tpu.memory_space<vmem_shared>>
      %dma_wait3A_204 = tpu.memref_slice %arg7[%mul3A_196] : memref<10240xf32, #tpu.memory_space<vmem_shared>> -> memref<640xf32, #tpu.memory_space<vmem_shared>>
      tpu.wait_dma2 semaphore(%run_scoped3A : memref<!tpu.dma_semaphore, #tpu.memory_space<semaphore_mem>>) src(%arg6 : memref<640xf32, #tpu.memory_space<vmem>>) dst(%dma_wait3A_204 : memref<640xf32, #tpu.memory_space<vmem_shared>>)
      tpu.yield
    }) : () -> ()
    %barrier3A = arith.constant 0 : index
    tpu.barrier barrier_id(%barrier3A)
    %scan3A = arith.constant 0 : i32
    %scan3A_197 = arith.constant 0 : i32
    %scan3A_198 = arith.constant 79 : i32
    %scan3A_199 = arith.addi %scan3A_197, %scan3A_198 : i32
    %scan3A_200 = arith.constant 1 : i32
    scf.for %scan3A_203 = %scan3A_197 to %scan3A_199 step %scan3A_200  : i32 {
      "tpu.region"() ({
        %run_scoped3A = tpu.sem_alloc : memref<!tpu.dma_semaphore, #tpu.memory_space<semaphore_mem>>
        %dma_start3A = arith.constant 0 : i32
        %dma_start3A_204 = tpu.memref_slice %arg4[%scan3A_203, %dma_start3A] : memref<79x128xi32, #tpu.memory_space<vmem>> -> memref<1x128xi32, #tpu.memory_space<vmem>>
        %dma_start3A_205 = tpu.memref_squeeze %dma_start3A_204 : memref<1x128xi32, #tpu.memory_space<vmem>> -> memref<128xi32, #tpu.memory_space<vmem>>
        %dma_start3A_206 = arith.constant 0 : i32
        %dma_start3A_207 = tpu.memref_slice %arg7[%dma_start3A_206] : memref<10240xf32, #tpu.memory_space<vmem_shared>> -> memref<10240xf32, #tpu.memory_space<vmem_shared>>
        tpu.enqueue_indirect_dma source(%arg5 : memref<128xf32, #tpu.memory_space<vmem>>) target(%dma_start3A_207 : memref<10240xf32, #tpu.memory_space<vmem_shared>>) offsets(%dma_start3A_205 : memref<128xi32, #tpu.memory_space<vmem>>) semaphore(%run_scoped3A : memref<!tpu.dma_semaphore, #tpu.memory_space<semaphore_mem>>) {add = true}
        %dma_wait3A = arith.constant 0 : i32
        %dma_wait3A_208 = tpu.memref_slice %arg4[%scan3A_203, %dma_wait3A] : memref<79x128xi32, #tpu.memory_space<vmem>> -> memref<1x128xi32, #tpu.memory_space<vmem>>
        %dma_wait3A_209 = tpu.memref_squeeze %dma_wait3A_208 : memref<1x128xi32, #tpu.memory_space<vmem>> -> memref<128xi32, #tpu.memory_space<vmem>>
        %dma_wait3A_210 = arith.constant 0 : i32
        %dma_wait3A_211 = tpu.memref_slice %arg7[%dma_wait3A_210] : memref<10240xf32, #tpu.memory_space<vmem_shared>> -> memref<10240xf32, #tpu.memory_space<vmem_shared>>
        tpu.wait_indirect_dma semaphore(%run_scoped3A : memref<!tpu.dma_semaphore, #tpu.memory_space<semaphore_mem>>) src(%arg5 : memref<128xf32, #tpu.memory_space<vmem>>) dst(%dma_wait3A_211 : memref<10240xf32, #tpu.memory_space<vmem_shared>>)
        tpu.yield
      }) : () -> ()
    }
    %scan3A_201 = arith.constant 79 : i32
    %barrier3A_202 = arith.constant 0 : index
    tpu.barrier barrier_id(%barrier3A_202)
    "tpu.region"() ({
      %run_scoped3A = tpu.sem_alloc : memref<!tpu.dma_semaphore, #tpu.memory_space<semaphore_mem>>
      %dma_start3A = tpu.memref_slice %arg7[%mul3A_196] : memref<10240xf32, #tpu.memory_space<vmem_shared>> -> memref<640xf32, #tpu.memory_space<vmem_shared>>
      %dma_start3A_203 = tpu.memref_slice %arg7[%mul3A_196] : memref<10240xf32, #tpu.memory_space<vmem_shared>> -> memref<640xf32, #tpu.memory_space<vmem_shared>>
      tpu.enqueue_dma source(%dma_start3A_203 : memref<640xf32, #tpu.memory_space<vmem_shared>>) target(%arg6 : memref<640xf32, #tpu.memory_space<vmem>>) target_semaphore(%run_scoped3A : memref<!tpu.dma_semaphore, #tpu.memory_space<semaphore_mem>>)
      %dma_wait3A = tpu.memref_slice %arg7[%mul3A_196] : memref<10240xf32, #tpu.memory_space<vmem_shared>> -> memref<640xf32, #tpu.memory_space<vmem_shared>>
      %dma_wait3A_204 = tpu.memref_slice %arg7[%mul3A_196] : memref<10240xf32, #tpu.memory_space<vmem_shared>> -> memref<640xf32, #tpu.memory_space<vmem_shared>>
      tpu.wait_dma2 semaphore(%run_scoped3A : memref<!tpu.dma_semaphore, #tpu.memory_space<semaphore_mem>>) src(%dma_wait3A_204 : memref<640xf32, #tpu.memory_space<vmem_shared>>) dst(%arg6 : memref<640xf32, #tpu.memory_space<vmem>>)
      tpu.yield
    }) : () -> ()
    "tpu.region"() ({
      %run_scoped3A = tpu.sem_alloc : memref<!tpu.dma_semaphore, #tpu.memory_space<semaphore_mem>>
      %dma_start3A = arith.constant 0 : i32
      %dma_start3A_203 = tpu.memref_slice %arg3[%arg0, %dma_start3A] : memref<2x10240xf32, #tpu.memory_space<hbm>> -> memref<1x10240xf32, #tpu.memory_space<hbm>>
      %dma_start3A_204 = tpu.memref_squeeze %dma_start3A_203 : memref<1x10240xf32, #tpu.memory_space<hbm>> -> memref<10240xf32, #tpu.memory_space<hbm>>
      %dma_start3A_205 = tpu.memref_slice %dma_start3A_204[%mul3A_196] : memref<10240xf32, #tpu.memory_space<hbm>> -> memref<640xf32, #tpu.memory_space<hbm>>
      %dma_start3A_206 = arith.constant 0 : i32
      %dma_start3A_207 = tpu.memref_slice %arg3[%arg0, %dma_start3A_206] : memref<2x10240xf32, #tpu.memory_space<hbm>> -> memref<1x10240xf32, #tpu.memory_space<hbm>>
      %dma_start3A_208 = tpu.memref_squeeze %dma_start3A_207 : memref<1x10240xf32, #tpu.memory_space<hbm>> -> memref<10240xf32, #tpu.memory_space<hbm>>
      %dma_start3A_209 = tpu.memref_slice %dma_start3A_208[%mul3A_196] : memref<10240xf32, #tpu.memory_space<hbm>> -> memref<640xf32, #tpu.memory_space<hbm>>
      tpu.enqueue_dma source(%arg6 : memref<640xf32, #tpu.memory_space<vmem>>) target(%dma_start3A_209 : memref<640xf32, #tpu.memory_space<hbm>>) target_semaphore(%run_scoped3A : memref<!tpu.dma_semaphore, #tpu.memory_space<semaphore_mem>>)
      %dma_wait3A = arith.constant 0 : i32
      %dma_wait3A_210 = tpu.memref_slice %arg3[%arg0, %dma_wait3A] : memref<2x10240xf32, #tpu.memory_space<hbm>> -> memref<1x10240xf32, #tpu.memory_space<hbm>>
      %dma_wait3A_211 = tpu.memref_squeeze %dma_wait3A_210 : memref<1x10240xf32, #tpu.memory_space<hbm>> -> memref<10240xf32, #tpu.memory_space<hbm>>
      %dma_wait3A_212 = tpu.memref_slice %dma_wait3A_211[%mul3A_196] : memref<10240xf32, #tpu.memory_space<hbm>> -> memref<640xf32, #tpu.memory_space<hbm>>
      %dma_wait3A_213 = arith.constant 0 : i32
      %dma_wait3A_214 = tpu.memref_slice %arg3[%arg0, %dma_wait3A_213] : memref<2x10240xf32, #tpu.memory_space<hbm>> -> memref<1x10240xf32, #tpu.memory_space<hbm>>
      %dma_wait3A_215 = tpu.memref_squeeze %dma_wait3A_214 : memref<1x10240xf32, #tpu.memory_space<hbm>> -> memref<10240xf32, #tpu.memory_space<hbm>>
      %dma_wait3A_216 = tpu.memref_slice %dma_wait3A_215[%mul3A_196] : memref<10240xf32, #tpu.memory_space<hbm>> -> memref<640xf32, #tpu.memory_space<hbm>>
      tpu.wait_dma2 semaphore(%run_scoped3A : memref<!tpu.dma_semaphore, #tpu.memory_space<semaphore_mem>>) src(%arg6 : memref<640xf32, #tpu.memory_space<vmem>>) dst(%dma_wait3A_216 : memref<640xf32, #tpu.memory_space<hbm>>)
      tpu.yield
    }) : () -> ()
    return
  }
}

#map = affine_map<(d0, d1) -> (0, 0)>
#map1 = affine_map<(d0, d1) -> (0, 0, 0)>
module attributes {stable_mosaic.version = 14 : i64} {
  func.func @_sc_scatter_body(%arg0: i32, %arg1: i32, %arg2: memref<10000x128xf32, #tpu.memory_space<hbm>>, %arg3: memref<32x79x128xi32, #tpu.memory_space<hbm>>, %arg4: memref<32x79x128xi32, #tpu.memory_space<hbm>>, %arg5: memref<2x10240x128xf32, #tpu.memory_space<hbm>>, %arg6: memref<79x128xi32, #tpu.memory_space<vmem>>, %arg7: memref<79x128xi32, #tpu.memory_space<vmem>>, %arg8: memref<128x128xf32, #tpu.memory_space<vmem>>, %arg9: memref<10240x128xf32, #tpu.memory_space<vmem_shared>>, %arg10: memref<!tpu.dma_semaphore, #tpu.memory_space<semaphore_mem>>) attributes {dimension_semantics = [#tpu.dimension_semantics<core_parallel>, #tpu.dimension_semantics<subcore_parallel>], iteration_bounds = array<i64: 2, 16>, scalar_prefetch = 0 : i64, scratch_operands = 5 : i64, tpu.core_type = #tpu.core_type<sc_vector_subcore>, window_params = [{transform_indices = #map}, {transform_indices = #map1}, {transform_indices = #map1}, {transform_indices = #map1}]} {
    %mul3A = arith.constant 16 : i32
    %mul3A_0 = arith.muli %arg0, %mul3A : i32
    %add3A = arith.addi %mul3A_0, %arg1 : i32
    %broadcast_in_dim3A = arith.constant 0.000000e+00 : f32
    %broadcast_in_dim3A_1 = vector.broadcast %broadcast_in_dim3A : f32 to vector<16xf32>
    %scan3A = arith.constant 0 : i32
    %scan3A_2 = arith.constant 0 : i32
    %scan3A_3 = arith.constant 128 : i32
    %scan3A_4 = arith.addi %scan3A_2, %scan3A_3 : i32
    %scan3A_5 = arith.constant 1 : i32
    scf.for %scan3A_28 = %scan3A_2 to %scan3A_4 step %scan3A_5  : i32 {
      %swap3A = arith.index_cast %scan3A_28 : i32 to index
      %swap3A_29 = arith.constant 0 : index
      %swap3A_30 = tpu.vector_load %arg8[%swap3A, %swap3A_29] {strides = array<i32>} : memref<128x128xf32, #tpu.memory_space<vmem>>, vector<1x16xf32>,
      %swap3A_31 = vector.shape_cast %swap3A_30 : vector<1x16xf32> to vector<16xf32>
      %swap3A_32 = vector.shape_cast %broadcast_in_dim3A_1 : vector<16xf32> to vector<1x16xf32>
      tpu.vector_store %arg8[%swap3A, %swap3A_29], %swap3A_32 {strides = array<i32>} : memref<128x128xf32, #tpu.memory_space<vmem>>, vector<1x16xf32>,
      %swap3A_33 = arith.index_cast %scan3A_28 : i32 to index
      %swap3A_34 = arith.constant 16 : index
      %swap3A_35 = tpu.vector_load %arg8[%swap3A_33, %swap3A_34] {strides = array<i32>} : memref<128x128xf32, #tpu.memory_space<vmem>>, vector<1x16xf32>,
      %swap3A_36 = vector.shape_cast %swap3A_35 : vector<1x16xf32> to vector<16xf32>
      %swap3A_37 = vector.shape_cast %broadcast_in_dim3A_1 : vector<16xf32> to vector<1x16xf32>
      tpu.vector_store %arg8[%swap3A_33, %swap3A_34], %swap3A_37 {strides = array<i32>} : memref<128x128xf32, #tpu.memory_space<vmem>>, vector<1x16xf32>,
      %swap3A_38 = arith.index_cast %scan3A_28 : i32 to index
      %swap3A_39 = arith.constant 32 : index
      %swap3A_40 = tpu.vector_load %arg8[%swap3A_38, %swap3A_39] {strides = array<i32>} : memref<128x128xf32, #tpu.memory_space<vmem>>, vector<1x16xf32>,
      %swap3A_41 = vector.shape_cast %swap3A_40 : vector<1x16xf32> to vector<16xf32>
      %swap3A_42 = vector.shape_cast %broadcast_in_dim3A_1 : vector<16xf32> to vector<1x16xf32>
      tpu.vector_store %arg8[%swap3A_38, %swap3A_39], %swap3A_42 {strides = array<i32>} : memref<128x128xf32, #tpu.memory_space<vmem>>, vector<1x16xf32>,
      %swap3A_43 = arith.index_cast %scan3A_28 : i32 to index
      %swap3A_44 = arith.constant 48 : index
      %swap3A_45 = tpu.vector_load %arg8[%swap3A_43, %swap3A_44] {strides = array<i32>} : memref<128x128xf32, #tpu.memory_space<vmem>>, vector<1x16xf32>,
      %swap3A_46 = vector.shape_cast %swap3A_45 : vector<1x16xf32> to vector<16xf32>
      %swap3A_47 = vector.shape_cast %broadcast_in_dim3A_1 : vector<16xf32> to vector<1x16xf32>
      tpu.vector_store %arg8[%swap3A_43, %swap3A_44], %swap3A_47 {strides = array<i32>} : memref<128x128xf32, #tpu.memory_space<vmem>>, vector<1x16xf32>,
      %swap3A_48 = arith.index_cast %scan3A_28 : i32 to index
      %swap3A_49 = arith.constant 64 : index
      %swap3A_50 = tpu.vector_load %arg8[%swap3A_48, %swap3A_49] {strides = array<i32>} : memref<128x128xf32, #tpu.memory_space<vmem>>, vector<1x16xf32>,
      %swap3A_51 = vector.shape_cast %swap3A_50 : vector<1x16xf32> to vector<16xf32>
      %swap3A_52 = vector.shape_cast %broadcast_in_dim3A_1 : vector<16xf32> to vector<1x16xf32>
      tpu.vector_store %arg8[%swap3A_48, %swap3A_49], %swap3A_52 {strides = array<i32>} : memref<128x128xf32, #tpu.memory_space<vmem>>, vector<1x16xf32>,
      %swap3A_53 = arith.index_cast %scan3A_28 : i32 to index
      %swap3A_54 = arith.constant 80 : index
      %swap3A_55 = tpu.vector_load %arg8[%swap3A_53, %swap3A_54] {strides = array<i32>} : memref<128x128xf32, #tpu.memory_space<vmem>>, vector<1x16xf32>,
      %swap3A_56 = vector.shape_cast %swap3A_55 : vector<1x16xf32> to vector<16xf32>
      %swap3A_57 = vector.shape_cast %broadcast_in_dim3A_1 : vector<16xf32> to vector<1x16xf32>
      tpu.vector_store %arg8[%swap3A_53, %swap3A_54], %swap3A_57 {strides = array<i32>} : memref<128x128xf32, #tpu.memory_space<vmem>>, vector<1x16xf32>,
      %swap3A_58 = arith.index_cast %scan3A_28 : i32 to index
      %swap3A_59 = arith.constant 96 : index
      %swap3A_60 = tpu.vector_load %arg8[%swap3A_58, %swap3A_59] {strides = array<i32>} : memref<128x128xf32, #tpu.memory_space<vmem>>, vector<1x16xf32>,
      %swap3A_61 = vector.shape_cast %swap3A_60 : vector<1x16xf32> to vector<16xf32>
      %swap3A_62 = vector.shape_cast %broadcast_in_dim3A_1 : vector<16xf32> to vector<1x16xf32>
      tpu.vector_store %arg8[%swap3A_58, %swap3A_59], %swap3A_62 {strides = array<i32>} : memref<128x128xf32, #tpu.memory_space<vmem>>, vector<1x16xf32>,
      %swap3A_63 = arith.index_cast %scan3A_28 : i32 to index
      %swap3A_64 = arith.constant 112 : index
      %swap3A_65 = tpu.vector_load %arg8[%swap3A_63, %swap3A_64] {strides = array<i32>} : memref<128x128xf32, #tpu.memory_space<vmem>>, vector<1x16xf32>,
      %swap3A_66 = vector.shape_cast %swap3A_65 : vector<1x16xf32> to vector<16xf32>
      %swap3A_67 = vector.shape_cast %broadcast_in_dim3A_1 : vector<16xf32> to vector<1x16xf32>
      tpu.vector_store %arg8[%swap3A_63, %swap3A_64], %swap3A_67 {strides = array<i32>} : memref<128x128xf32, #tpu.memory_space<vmem>>, vector<1x16xf32>,
    }
    %scan3A_6 = arith.constant 128 : i32
    %mul3A_7 = arith.constant 640 : i32
    %mul3A_8 = arith.muli %arg1, %mul3A_7 : i32
    %scan3A_9 = arith.constant 0 : i32
    %scan3A_10 = arith.constant 0 : i32
    %scan3A_11 = arith.constant 5 : i32
    %scan3A_12 = arith.addi %scan3A_10, %scan3A_11 : i32
    %scan3A_13 = arith.constant 1 : i32
    scf.for %scan3A_28 = %scan3A_10 to %scan3A_12 step %scan3A_13  : i32 {
      %mul3A_29 = arith.constant 128 : i32
      %mul3A_30 = arith.muli %scan3A_28, %mul3A_29 : i32
      %add3A_31 = arith.addi %mul3A_8, %mul3A_30 : i32
      "tpu.region"() ({
        %run_scoped3A = tpu.sem_alloc : memref<!tpu.dma_semaphore, #tpu.memory_space<semaphore_mem>>
        %dma_start3A = arith.constant 0 : i32
        %dma_start3A_32 = tpu.memref_slice %arg9[%add3A_31, %dma_start3A] : memref<10240x128xf32, #tpu.memory_space<vmem_shared>> -> memref<128x128xf32, #tpu.memory_space<vmem_shared>>
        %dma_start3A_33 = arith.constant 0 : i32
        %dma_start3A_34 = tpu.memref_slice %arg9[%add3A_31, %dma_start3A_33] : memref<10240x128xf32, #tpu.memory_space<vmem_shared>> -> memref<128x128xf32, #tpu.memory_space<vmem_shared>>
        tpu.enqueue_dma source(%arg8 : memref<128x128xf32, #tpu.memory_space<vmem>>) target(%dma_start3A_34 : memref<128x128xf32, #tpu.memory_space<vmem_shared>>) target_semaphore(%run_scoped3A : memref<!tpu.dma_semaphore, #tpu.memory_space<semaphore_mem>>)
        %dma_wait3A = arith.constant 0 : i32
        %dma_wait3A_35 = tpu.memref_slice %arg9[%add3A_31, %dma_wait3A] : memref<10240x128xf32, #tpu.memory_space<vmem_shared>> -> memref<128x128xf32, #tpu.memory_space<vmem_shared>>
        %dma_wait3A_36 = arith.constant 0 : i32
        %dma_wait3A_37 = tpu.memref_slice %arg9[%add3A_31, %dma_wait3A_36] : memref<10240x128xf32, #tpu.memory_space<vmem_shared>> -> memref<128x128xf32, #tpu.memory_space<vmem_shared>>
        tpu.wait_dma2 semaphore(%run_scoped3A : memref<!tpu.dma_semaphore, #tpu.memory_space<semaphore_mem>>) src(%arg8 : memref<128x128xf32, #tpu.memory_space<vmem>>) dst(%dma_wait3A_37 : memref<128x128xf32, #tpu.memory_space<vmem_shared>>)
        tpu.yield
      }) : () -> ()
    }
    %scan3A_14 = arith.constant 5 : i32
    %barrier3A = arith.constant 0 : index
    tpu.barrier barrier_id(%barrier3A)
    "tpu.region"() ({
      %run_scoped3A = tpu.sem_alloc : memref<!tpu.dma_semaphore, #tpu.memory_space<semaphore_mem>>
      %dma_start3A = arith.constant 0 : i32
      %dma_start3A_28 = arith.constant 0 : i32
      %dma_start3A_29 = tpu.memref_slice %arg3[%add3A, %dma_start3A, %dma_start3A_28] : memref<32x79x128xi32, #tpu.memory_space<hbm>> -> memref<1x79x128xi32, #tpu.memory_space<hbm>>
      %dma_start3A_30 = tpu.memref_squeeze %dma_start3A_29 : memref<1x79x128xi32, #tpu.memory_space<hbm>> -> memref<79x128xi32, #tpu.memory_space<hbm>>
      %dma_start3A_31 = arith.constant 0 : i32
      %dma_start3A_32 = arith.constant 0 : i32
      %dma_start3A_33 = tpu.memref_slice %arg3[%add3A, %dma_start3A_31, %dma_start3A_32] : memref<32x79x128xi32, #tpu.memory_space<hbm>> -> memref<1x79x128xi32, #tpu.memory_space<hbm>>
      %dma_start3A_34 = tpu.memref_squeeze %dma_start3A_33 : memref<1x79x128xi32, #tpu.memory_space<hbm>> -> memref<79x128xi32, #tpu.memory_space<hbm>>
      tpu.enqueue_dma source(%dma_start3A_34 : memref<79x128xi32, #tpu.memory_space<hbm>>) target(%arg6 : memref<79x128xi32, #tpu.memory_space<vmem>>) target_semaphore(%run_scoped3A : memref<!tpu.dma_semaphore, #tpu.memory_space<semaphore_mem>>)
      %dma_wait3A = arith.constant 0 : i32
      %dma_wait3A_35 = arith.constant 0 : i32
      %dma_wait3A_36 = tpu.memref_slice %arg3[%add3A, %dma_wait3A, %dma_wait3A_35] : memref<32x79x128xi32, #tpu.memory_space<hbm>> -> memref<1x79x128xi32, #tpu.memory_space<hbm>>
      %dma_wait3A_37 = tpu.memref_squeeze %dma_wait3A_36 : memref<1x79x128xi32, #tpu.memory_space<hbm>> -> memref<79x128xi32, #tpu.memory_space<hbm>>
      %dma_wait3A_38 = arith.constant 0 : i32
      %dma_wait3A_39 = arith.constant 0 : i32
      %dma_wait3A_40 = tpu.memref_slice %arg3[%add3A, %dma_wait3A_38, %dma_wait3A_39] : memref<32x79x128xi32, #tpu.memory_space<hbm>> -> memref<1x79x128xi32, #tpu.memory_space<hbm>>
      %dma_wait3A_41 = tpu.memref_squeeze %dma_wait3A_40 : memref<1x79x128xi32, #tpu.memory_space<hbm>> -> memref<79x128xi32, #tpu.memory_space<hbm>>
      tpu.wait_dma2 semaphore(%run_scoped3A : memref<!tpu.dma_semaphore, #tpu.memory_space<semaphore_mem>>) src(%dma_wait3A_41 : memref<79x128xi32, #tpu.memory_space<hbm>>) dst(%arg6 : memref<79x128xi32, #tpu.memory_space<vmem>>)
      tpu.yield
    }) : () -> ()
    "tpu.region"() ({
      %run_scoped3A = tpu.sem_alloc : memref<!tpu.dma_semaphore, #tpu.memory_space<semaphore_mem>>
      %dma_start3A = arith.constant 0 : i32
      %dma_start3A_28 = arith.constant 0 : i32
      %dma_start3A_29 = tpu.memref_slice %arg4[%add3A, %dma_start3A, %dma_start3A_28] : memref<32x79x128xi32, #tpu.memory_space<hbm>> -> memref<1x79x128xi32, #tpu.memory_space<hbm>>
      %dma_start3A_30 = tpu.memref_squeeze %dma_start3A_29 : memref<1x79x128xi32, #tpu.memory_space<hbm>> -> memref<79x128xi32, #tpu.memory_space<hbm>>
      %dma_start3A_31 = arith.constant 0 : i32
      %dma_start3A_32 = arith.constant 0 : i32
      %dma_start3A_33 = tpu.memref_slice %arg4[%add3A, %dma_start3A_31, %dma_start3A_32] : memref<32x79x128xi32, #tpu.memory_space<hbm>> -> memref<1x79x128xi32, #tpu.memory_space<hbm>>
      %dma_start3A_34 = tpu.memref_squeeze %dma_start3A_33 : memref<1x79x128xi32, #tpu.memory_space<hbm>> -> memref<79x128xi32, #tpu.memory_space<hbm>>
      tpu.enqueue_dma source(%dma_start3A_34 : memref<79x128xi32, #tpu.memory_space<hbm>>) target(%arg7 : memref<79x128xi32, #tpu.memory_space<vmem>>) target_semaphore(%run_scoped3A : memref<!tpu.dma_semaphore, #tpu.memory_space<semaphore_mem>>)
      %dma_wait3A = arith.constant 0 : i32
      %dma_wait3A_35 = arith.constant 0 : i32
      %dma_wait3A_36 = tpu.memref_slice %arg4[%add3A, %dma_wait3A, %dma_wait3A_35] : memref<32x79x128xi32, #tpu.memory_space<hbm>> -> memref<1x79x128xi32, #tpu.memory_space<hbm>>
      %dma_wait3A_37 = tpu.memref_squeeze %dma_wait3A_36 : memref<1x79x128xi32, #tpu.memory_space<hbm>> -> memref<79x128xi32, #tpu.memory_space<hbm>>
      %dma_wait3A_38 = arith.constant 0 : i32
      %dma_wait3A_39 = arith.constant 0 : i32
      %dma_wait3A_40 = tpu.memref_slice %arg4[%add3A, %dma_wait3A_38, %dma_wait3A_39] : memref<32x79x128xi32, #tpu.memory_space<hbm>> -> memref<1x79x128xi32, #tpu.memory_space<hbm>>
      %dma_wait3A_41 = tpu.memref_squeeze %dma_wait3A_40 : memref<1x79x128xi32, #tpu.memory_space<hbm>> -> memref<79x128xi32, #tpu.memory_space<hbm>>
      tpu.wait_dma2 semaphore(%run_scoped3A : memref<!tpu.dma_semaphore, #tpu.memory_space<semaphore_mem>>) src(%dma_wait3A_41 : memref<79x128xi32, #tpu.memory_space<hbm>>) dst(%arg7 : memref<79x128xi32, #tpu.memory_space<vmem>>)
      tpu.yield
    }) : () -> ()
    %scan3A_15 = arith.constant 0 : i32
    %scan3A_16 = arith.constant 0 : i32
    %scan3A_17 = arith.constant 79 : i32
    %scan3A_18 = arith.addi %scan3A_16, %scan3A_17 : i32
    %scan3A_19 = arith.constant 1 : i32
    scf.for %scan3A_28 = %scan3A_16 to %scan3A_18 step %scan3A_19  : i32 {
      %dma_start3A = arith.constant 0 : i32
      %dma_start3A_29 = tpu.memref_slice %arg6[%scan3A_28, %dma_start3A] : memref<79x128xi32, #tpu.memory_space<vmem>> -> memref<1x128xi32, #tpu.memory_space<vmem>>
      %dma_start3A_30 = tpu.memref_squeeze %dma_start3A_29 : memref<1x128xi32, #tpu.memory_space<vmem>> -> memref<128xi32, #tpu.memory_space<vmem>>
      %dma_start3A_31 = arith.constant 0 : i32
      %dma_start3A_32 = arith.constant 0 : i32
      %dma_start3A_33 = tpu.memref_slice %arg2[%dma_start3A_31, %dma_start3A_32] : memref<10000x128xf32, #tpu.memory_space<hbm>> -> memref<10000x128xf32, #tpu.memory_space<hbm>>
      tpu.enqueue_indirect_dma source(%dma_start3A_33 : memref<10000x128xf32, #tpu.memory_space<hbm>>) target(%arg8 : memref<128x128xf32, #tpu.memory_space<vmem>>) offsets(%dma_start3A_30 : memref<128xi32, #tpu.memory_space<vmem>>) semaphore(%arg10 : memref<!tpu.dma_semaphore, #tpu.memory_space<semaphore_mem>>)
      %dma_wait3A = arith.constant 0 : i32
      %dma_wait3A_34 = tpu.memref_slice %arg6[%scan3A_28, %dma_wait3A] : memref<79x128xi32, #tpu.memory_space<vmem>> -> memref<1x128xi32, #tpu.memory_space<vmem>>
      %dma_wait3A_35 = tpu.memref_squeeze %dma_wait3A_34 : memref<1x128xi32, #tpu.memory_space<vmem>> -> memref<128xi32, #tpu.memory_space<vmem>>
      %dma_wait3A_36 = arith.constant 0 : i32
      %dma_wait3A_37 = arith.constant 0 : i32
      %dma_wait3A_38 = tpu.memref_slice %arg2[%dma_wait3A_36, %dma_wait3A_37] : memref<10000x128xf32, #tpu.memory_space<hbm>> -> memref<10000x128xf32, #tpu.memory_space<hbm>>
      tpu.wait_indirect_dma semaphore(%arg10 : memref<!tpu.dma_semaphore, #tpu.memory_space<semaphore_mem>>) src(%dma_wait3A_38 : memref<10000x128xf32, #tpu.memory_space<hbm>>) dst(%arg8 : memref<128x128xf32, #tpu.memory_space<vmem>>)
      "tpu.region"() ({
        %run_scoped3A = tpu.sem_alloc : memref<!tpu.dma_semaphore, #tpu.memory_space<semaphore_mem>>
        %dma_start3A_39 = arith.constant 0 : i32
        %dma_start3A_40 = tpu.memref_slice %arg7[%scan3A_28, %dma_start3A_39] : memref<79x128xi32, #tpu.memory_space<vmem>> -> memref<1x128xi32, #tpu.memory_space<vmem>>
        %dma_start3A_41 = tpu.memref_squeeze %dma_start3A_40 : memref<1x128xi32, #tpu.memory_space<vmem>> -> memref<128xi32, #tpu.memory_space<vmem>>
        %dma_start3A_42 = arith.constant 0 : i32
        %dma_start3A_43 = arith.constant 0 : i32
        %dma_start3A_44 = tpu.memref_slice %arg9[%dma_start3A_42, %dma_start3A_43] : memref<10240x128xf32, #tpu.memory_space<vmem_shared>> -> memref<10240x128xf32, #tpu.memory_space<vmem_shared>>
        tpu.enqueue_indirect_dma source(%arg8 : memref<128x128xf32, #tpu.memory_space<vmem>>) target(%dma_start3A_44 : memref<10240x128xf32, #tpu.memory_space<vmem_shared>>) offsets(%dma_start3A_41 : memref<128xi32, #tpu.memory_space<vmem>>) semaphore(%run_scoped3A : memref<!tpu.dma_semaphore, #tpu.memory_space<semaphore_mem>>) {add = true}
        %dma_wait3A_45 = arith.constant 0 : i32
        %dma_wait3A_46 = tpu.memref_slice %arg7[%scan3A_28, %dma_wait3A_45] : memref<79x128xi32, #tpu.memory_space<vmem>> -> memref<1x128xi32, #tpu.memory_space<vmem>>
        %dma_wait3A_47 = tpu.memref_squeeze %dma_wait3A_46 : memref<1x128xi32, #tpu.memory_space<vmem>> -> memref<128xi32, #tpu.memory_space<vmem>>
        %dma_wait3A_48 = arith.constant 0 : i32
        %dma_wait3A_49 = arith.constant 0 : i32
        %dma_wait3A_50 = tpu.memref_slice %arg9[%dma_wait3A_48, %dma_wait3A_49] : memref<10240x128xf32, #tpu.memory_space<vmem_shared>> -> memref<10240x128xf32, #tpu.memory_space<vmem_shared>>
        tpu.wait_indirect_dma semaphore(%run_scoped3A : memref<!tpu.dma_semaphore, #tpu.memory_space<semaphore_mem>>) src(%arg8 : memref<128x128xf32, #tpu.memory_space<vmem>>) dst(%dma_wait3A_50 : memref<10240x128xf32, #tpu.memory_space<vmem_shared>>)
        tpu.yield
      }) : () -> ()
    }
    %scan3A_20 = arith.constant 79 : i32
    %barrier3A_21 = arith.constant 0 : index
    tpu.barrier barrier_id(%barrier3A_21)
    %scan3A_22 = arith.constant 0 : i32
    %scan3A_23 = arith.constant 0 : i32
    %scan3A_24 = arith.constant 5 : i32
    %scan3A_25 = arith.addi %scan3A_23, %scan3A_24 : i32
    %scan3A_26 = arith.constant 1 : i32
    scf.for %scan3A_28 = %scan3A_23 to %scan3A_25 step %scan3A_26  : i32 {
      %mul3A_29 = arith.constant 128 : i32
      %mul3A_30 = arith.muli %scan3A_28, %mul3A_29 : i32
      %add3A_31 = arith.addi %mul3A_8, %mul3A_30 : i32
      "tpu.region"() ({
        %run_scoped3A = tpu.sem_alloc : memref<!tpu.dma_semaphore, #tpu.memory_space<semaphore_mem>>
        %dma_start3A = arith.constant 0 : i32
        %dma_start3A_35 = tpu.memref_slice %arg9[%add3A_31, %dma_start3A] : memref<10240x128xf32, #tpu.memory_space<vmem_shared>> -> memref<128x128xf32, #tpu.memory_space<vmem_shared>>
        %dma_start3A_36 = arith.constant 0 : i32
        %dma_start3A_37 = tpu.memref_slice %arg9[%add3A_31, %dma_start3A_36] : memref<10240x128xf32, #tpu.memory_space<vmem_shared>> -> memref<128x128xf32, #tpu.memory_space<vmem_shared>>
        tpu.enqueue_dma source(%dma_start3A_37 : memref<128x128xf32, #tpu.memory_space<vmem_shared>>) target(%arg8 : memref<128x128xf32, #tpu.memory_space<vmem>>) target_semaphore(%run_scoped3A : memref<!tpu.dma_semaphore, #tpu.memory_space<semaphore_mem>>)
        %dma_wait3A = arith.constant 0 : i32
        %dma_wait3A_38 = tpu.memref_slice %arg9[%add3A_31, %dma_wait3A] : memref<10240x128xf32, #tpu.memory_space<vmem_shared>> -> memref<128x128xf32, #tpu.memory_space<vmem_shared>>
        %dma_wait3A_39 = arith.constant 0 : i32
        %dma_wait3A_40 = tpu.memref_slice %arg9[%add3A_31, %dma_wait3A_39] : memref<10240x128xf32, #tpu.memory_space<vmem_shared>> -> memref<128x128xf32, #tpu.memory_space<vmem_shared>>
        tpu.wait_dma2 semaphore(%run_scoped3A : memref<!tpu.dma_semaphore, #tpu.memory_space<semaphore_mem>>) src(%dma_wait3A_40 : memref<128x128xf32, #tpu.memory_space<vmem_shared>>) dst(%arg8 : memref<128x128xf32, #tpu.memory_space<vmem>>)
        tpu.yield
      }) : () -> ()
      %mul3A_32 = arith.constant 128 : i32
      %mul3A_33 = arith.muli %scan3A_28, %mul3A_32 : i32
      %add3A_34 = arith.addi %mul3A_8, %mul3A_33 : i32
      "tpu.region"() ({
        %run_scoped3A = tpu.sem_alloc : memref<!tpu.dma_semaphore, #tpu.memory_space<semaphore_mem>>
        %dma_start3A = arith.constant 0 : i32
        %dma_start3A_35 = arith.constant 0 : i32
        %dma_start3A_36 = tpu.memref_slice %arg5[%arg0, %dma_start3A, %dma_start3A_35] : memref<2x10240x128xf32, #tpu.memory_space<hbm>> -> memref<1x10240x128xf32, #tpu.memory_space<hbm>>
        %dma_start3A_37 = tpu.memref_squeeze %dma_start3A_36 : memref<1x10240x128xf32, #tpu.memory_space<hbm>> -> memref<10240x128xf32, #tpu.memory_space<hbm>>
        %dma_start3A_38 = arith.constant 0 : i32
        %dma_start3A_39 = tpu.memref_slice %dma_start3A_37[%add3A_34, %dma_start3A_38] : memref<10240x128xf32, #tpu.memory_space<hbm>> -> memref<128x128xf32, #tpu.memory_space<hbm>>
        %dma_start3A_40 = arith.constant 0 : i32
        %dma_start3A_41 = arith.constant 0 : i32
        %dma_start3A_42 = tpu.memref_slice %arg5[%arg0, %dma_start3A_40, %dma_start3A_41] : memref<2x10240x128xf32, #tpu.memory_space<hbm>> -> memref<1x10240x128xf32, #tpu.memory_space<hbm>>
        %dma_start3A_43 = tpu.memref_squeeze %dma_start3A_42 : memref<1x10240x128xf32, #tpu.memory_space<hbm>> -> memref<10240x128xf32, #tpu.memory_space<hbm>>
        %dma_start3A_44 = arith.constant 0 : i32
        %dma_start3A_45 = tpu.memref_slice %dma_start3A_43[%add3A_34, %dma_start3A_44] : memref<10240x128xf32, #tpu.memory_space<hbm>> -> memref<128x128xf32, #tpu.memory_space<hbm>>
        tpu.enqueue_dma source(%arg8 : memref<128x128xf32, #tpu.memory_space<vmem>>) target(%dma_start3A_45 : memref<128x128xf32, #tpu.memory_space<hbm>>) target_semaphore(%run_scoped3A : memref<!tpu.dma_semaphore, #tpu.memory_space<semaphore_mem>>)
        %dma_wait3A = arith.constant 0 : i32
        %dma_wait3A_46 = arith.constant 0 : i32
        %dma_wait3A_47 = tpu.memref_slice %arg5[%arg0, %dma_wait3A, %dma_wait3A_46] : memref<2x10240x128xf32, #tpu.memory_space<hbm>> -> memref<1x10240x128xf32, #tpu.memory_space<hbm>>
        %dma_wait3A_48 = tpu.memref_squeeze %dma_wait3A_47 : memref<1x10240x128xf32, #tpu.memory_space<hbm>> -> memref<10240x128xf32, #tpu.memory_space<hbm>>
        %dma_wait3A_49 = arith.constant 0 : i32
        %dma_wait3A_50 = tpu.memref_slice %dma_wait3A_48[%add3A_34, %dma_wait3A_49] : memref<10240x128xf32, #tpu.memory_space<hbm>> -> memref<128x128xf32, #tpu.memory_space<hbm>>
        %dma_wait3A_51 = arith.constant 0 : i32
        %dma_wait3A_52 = arith.constant 0 : i32
        %dma_wait3A_53 = tpu.memref_slice %arg5[%arg0, %dma_wait3A_51, %dma_wait3A_52] : memref<2x10240x128xf32, #tpu.memory_space<hbm>> -> memref<1x10240x128xf32, #tpu.memory_space<hbm>>
        %dma_wait3A_54 = tpu.memref_squeeze %dma_wait3A_53 : memref<1x10240x128xf32, #tpu.memory_space<hbm>> -> memref<10240x128xf32, #tpu.memory_space<hbm>>
        %dma_wait3A_55 = arith.constant 0 : i32
        %dma_wait3A_56 = tpu.memref_slice %dma_wait3A_54[%add3A_34, %dma_wait3A_55] : memref<10240x128xf32, #tpu.memory_space<hbm>> -> memref<128x128xf32, #tpu.memory_space<hbm>>
        tpu.wait_dma2 semaphore(%run_scoped3A : memref<!tpu.dma_semaphore, #tpu.memory_space<semaphore_mem>>) src(%arg8 : memref<128x128xf32, #tpu.memory_space<vmem>>) dst(%dma_wait3A_56 : memref<128x128xf32, #tpu.memory_space<hbm>>)
        tpu.yield
      }) : () -> ()
    }
    %scan3A_27 = arith.constant 5 : i32
    return
  }
}

#map = affine_map<(d0, d1) -> (0, 0)>
#map1 = affine_map<(d0, d1) -> (0, 0, 0)>
module attributes {stable_mosaic.version = 14 : i64} {
  func.func @_sc_scatter_body(%arg0: i32, %arg1: i32, %arg2: memref<10000x128xf32, #tpu.memory_space<hbm>>, %arg3: memref<32x79x128xi32, #tpu.memory_space<hbm>>, %arg4: memref<32x79x128xi32, #tpu.memory_space<hbm>>, %arg5: memref<2x10240x128xf32, #tpu.memory_space<hbm>>, %arg6: memref<79x128xi32, #tpu.memory_space<vmem>>, %arg7: memref<79x128xi32, #tpu.memory_space<vmem>>, %arg8: memref<128x128xf32, #tpu.memory_space<vmem>>, %arg9: memref<10240x128xf32, #tpu.memory_space<vmem_shared>>, %arg10: memref<!tpu.dma_semaphore, #tpu.memory_space<semaphore_mem>>) attributes {dimension_semantics = [#tpu.dimension_semantics<core_parallel>, #tpu.dimension_semantics<subcore_parallel>], iteration_bounds = array<i64: 2, 16>, scalar_prefetch = 0 : i64, scratch_operands = 5 : i64, tpu.core_type = #tpu.core_type<sc_vector_subcore>, window_params = [{transform_indices = #map}, {transform_indices = #map1}, {transform_indices = #map1}, {transform_indices = #map1}]} {
    %mul3A = arith.constant 16 : i32
    %mul3A_0 = arith.muli %arg0, %mul3A : i32
    %add3A = arith.addi %mul3A_0, %arg1 : i32
    %broadcast_in_dim3A = arith.constant 0.000000e+00 : f32
    %broadcast_in_dim3A_1 = vector.broadcast %broadcast_in_dim3A : f32 to vector<16xf32>
    %scan3A = arith.constant 0 : i32
    %scan3A_2 = arith.constant 0 : i32
    %scan3A_3 = arith.constant 128 : i32
    %scan3A_4 = arith.addi %scan3A_2, %scan3A_3 : i32
    %scan3A_5 = arith.constant 1 : i32
    scf.for %scan3A_28 = %scan3A_2 to %scan3A_4 step %scan3A_5  : i32 {
      %swap3A = arith.index_cast %scan3A_28 : i32 to index
      %swap3A_29 = arith.constant 0 : index
      %swap3A_30 = tpu.vector_load %arg8[%swap3A, %swap3A_29] {strides = array<i32>} : memref<128x128xf32, #tpu.memory_space<vmem>>, vector<1x16xf32>,
      %swap3A_31 = vector.shape_cast %swap3A_30 : vector<1x16xf32> to vector<16xf32>
      %swap3A_32 = vector.shape_cast %broadcast_in_dim3A_1 : vector<16xf32> to vector<1x16xf32>
      tpu.vector_store %arg8[%swap3A, %swap3A_29], %swap3A_32 {strides = array<i32>} : memref<128x128xf32, #tpu.memory_space<vmem>>, vector<1x16xf32>,
      %swap3A_33 = arith.index_cast %scan3A_28 : i32 to index
      %swap3A_34 = arith.constant 16 : index
      %swap3A_35 = tpu.vector_load %arg8[%swap3A_33, %swap3A_34] {strides = array<i32>} : memref<128x128xf32, #tpu.memory_space<vmem>>, vector<1x16xf32>,
      %swap3A_36 = vector.shape_cast %swap3A_35 : vector<1x16xf32> to vector<16xf32>
      %swap3A_37 = vector.shape_cast %broadcast_in_dim3A_1 : vector<16xf32> to vector<1x16xf32>
      tpu.vector_store %arg8[%swap3A_33, %swap3A_34], %swap3A_37 {strides = array<i32>} : memref<128x128xf32, #tpu.memory_space<vmem>>, vector<1x16xf32>,
      %swap3A_38 = arith.index_cast %scan3A_28 : i32 to index
      %swap3A_39 = arith.constant 32 : index
      %swap3A_40 = tpu.vector_load %arg8[%swap3A_38, %swap3A_39] {strides = array<i32>} : memref<128x128xf32, #tpu.memory_space<vmem>>, vector<1x16xf32>,
      %swap3A_41 = vector.shape_cast %swap3A_40 : vector<1x16xf32> to vector<16xf32>
      %swap3A_42 = vector.shape_cast %broadcast_in_dim3A_1 : vector<16xf32> to vector<1x16xf32>
      tpu.vector_store %arg8[%swap3A_38, %swap3A_39], %swap3A_42 {strides = array<i32>} : memref<128x128xf32, #tpu.memory_space<vmem>>, vector<1x16xf32>,
      %swap3A_43 = arith.index_cast %scan3A_28 : i32 to index
      %swap3A_44 = arith.constant 48 : index
      %swap3A_45 = tpu.vector_load %arg8[%swap3A_43, %swap3A_44] {strides = array<i32>} : memref<128x128xf32, #tpu.memory_space<vmem>>, vector<1x16xf32>,
      %swap3A_46 = vector.shape_cast %swap3A_45 : vector<1x16xf32> to vector<16xf32>
      %swap3A_47 = vector.shape_cast %broadcast_in_dim3A_1 : vector<16xf32> to vector<1x16xf32>
      tpu.vector_store %arg8[%swap3A_43, %swap3A_44], %swap3A_47 {strides = array<i32>} : memref<128x128xf32, #tpu.memory_space<vmem>>, vector<1x16xf32>,
      %swap3A_48 = arith.index_cast %scan3A_28 : i32 to index
      %swap3A_49 = arith.constant 64 : index
      %swap3A_50 = tpu.vector_load %arg8[%swap3A_48, %swap3A_49] {strides = array<i32>} : memref<128x128xf32, #tpu.memory_space<vmem>>, vector<1x16xf32>,
      %swap3A_51 = vector.shape_cast %swap3A_50 : vector<1x16xf32> to vector<16xf32>
      %swap3A_52 = vector.shape_cast %broadcast_in_dim3A_1 : vector<16xf32> to vector<1x16xf32>
      tpu.vector_store %arg8[%swap3A_48, %swap3A_49], %swap3A_52 {strides = array<i32>} : memref<128x128xf32, #tpu.memory_space<vmem>>, vector<1x16xf32>,
      %swap3A_53 = arith.index_cast %scan3A_28 : i32 to index
      %swap3A_54 = arith.constant 80 : index
      %swap3A_55 = tpu.vector_load %arg8[%swap3A_53, %swap3A_54] {strides = array<i32>} : memref<128x128xf32, #tpu.memory_space<vmem>>, vector<1x16xf32>,
      %swap3A_56 = vector.shape_cast %swap3A_55 : vector<1x16xf32> to vector<16xf32>
      %swap3A_57 = vector.shape_cast %broadcast_in_dim3A_1 : vector<16xf32> to vector<1x16xf32>
      tpu.vector_store %arg8[%swap3A_53, %swap3A_54], %swap3A_57 {strides = array<i32>} : memref<128x128xf32, #tpu.memory_space<vmem>>, vector<1x16xf32>,
      %swap3A_58 = arith.index_cast %scan3A_28 : i32 to index
      %swap3A_59 = arith.constant 96 : index
      %swap3A_60 = tpu.vector_load %arg8[%swap3A_58, %swap3A_59] {strides = array<i32>} : memref<128x128xf32, #tpu.memory_space<vmem>>, vector<1x16xf32>,
      %swap3A_61 = vector.shape_cast %swap3A_60 : vector<1x16xf32> to vector<16xf32>
      %swap3A_62 = vector.shape_cast %broadcast_in_dim3A_1 : vector<16xf32> to vector<1x16xf32>
      tpu.vector_store %arg8[%swap3A_58, %swap3A_59], %swap3A_62 {strides = array<i32>} : memref<128x128xf32, #tpu.memory_space<vmem>>, vector<1x16xf32>,
      %swap3A_63 = arith.index_cast %scan3A_28 : i32 to index
      %swap3A_64 = arith.constant 112 : index
      %swap3A_65 = tpu.vector_load %arg8[%swap3A_63, %swap3A_64] {strides = array<i32>} : memref<128x128xf32, #tpu.memory_space<vmem>>, vector<1x16xf32>,
      %swap3A_66 = vector.shape_cast %swap3A_65 : vector<1x16xf32> to vector<16xf32>
      %swap3A_67 = vector.shape_cast %broadcast_in_dim3A_1 : vector<16xf32> to vector<1x16xf32>
      tpu.vector_store %arg8[%swap3A_63, %swap3A_64], %swap3A_67 {strides = array<i32>} : memref<128x128xf32, #tpu.memory_space<vmem>>, vector<1x16xf32>,
    }
    %scan3A_6 = arith.constant 128 : i32
    %mul3A_7 = arith.constant 640 : i32
    %mul3A_8 = arith.muli %arg1, %mul3A_7 : i32
    %scan3A_9 = arith.constant 0 : i32
    %scan3A_10 = arith.constant 0 : i32
    %scan3A_11 = arith.constant 5 : i32
    %scan3A_12 = arith.addi %scan3A_10, %scan3A_11 : i32
    %scan3A_13 = arith.constant 1 : i32
    scf.for %scan3A_28 = %scan3A_10 to %scan3A_12 step %scan3A_13  : i32 {
      %mul3A_29 = arith.constant 128 : i32
      %mul3A_30 = arith.muli %scan3A_28, %mul3A_29 : i32
      %add3A_31 = arith.addi %mul3A_8, %mul3A_30 : i32
      "tpu.region"() ({
        %run_scoped3A = tpu.sem_alloc : memref<!tpu.dma_semaphore, #tpu.memory_space<semaphore_mem>>
        %dma_start3A = arith.constant 0 : i32
        %dma_start3A_32 = tpu.memref_slice %arg9[%add3A_31, %dma_start3A] : memref<10240x128xf32, #tpu.memory_space<vmem_shared>> -> memref<128x128xf32, #tpu.memory_space<vmem_shared>>
        %dma_start3A_33 = arith.constant 0 : i32
        %dma_start3A_34 = tpu.memref_slice %arg9[%add3A_31, %dma_start3A_33] : memref<10240x128xf32, #tpu.memory_space<vmem_shared>> -> memref<128x128xf32, #tpu.memory_space<vmem_shared>>
        tpu.enqueue_dma source(%arg8 : memref<128x128xf32, #tpu.memory_space<vmem>>) target(%dma_start3A_34 : memref<128x128xf32, #tpu.memory_space<vmem_shared>>) target_semaphore(%run_scoped3A : memref<!tpu.dma_semaphore, #tpu.memory_space<semaphore_mem>>)
        %dma_wait3A = arith.constant 0 : i32
        %dma_wait3A_35 = tpu.memref_slice %arg9[%add3A_31, %dma_wait3A] : memref<10240x128xf32, #tpu.memory_space<vmem_shared>> -> memref<128x128xf32, #tpu.memory_space<vmem_shared>>
        %dma_wait3A_36 = arith.constant 0 : i32
        %dma_wait3A_37 = tpu.memref_slice %arg9[%add3A_31, %dma_wait3A_36] : memref<10240x128xf32, #tpu.memory_space<vmem_shared>> -> memref<128x128xf32, #tpu.memory_space<vmem_shared>>
        tpu.wait_dma2 semaphore(%run_scoped3A : memref<!tpu.dma_semaphore, #tpu.memory_space<semaphore_mem>>) src(%arg8 : memref<128x128xf32, #tpu.memory_space<vmem>>) dst(%dma_wait3A_37 : memref<128x128xf32, #tpu.memory_space<vmem_shared>>)
        tpu.yield
      }) : () -> ()
    }
    %scan3A_14 = arith.constant 5 : i32
    %barrier3A = arith.constant 0 : index
    tpu.barrier barrier_id(%barrier3A)
    "tpu.region"() ({
      %run_scoped3A = tpu.sem_alloc : memref<!tpu.dma_semaphore, #tpu.memory_space<semaphore_mem>>
      %dma_start3A = arith.constant 0 : i32
      %dma_start3A_28 = arith.constant 0 : i32
      %dma_start3A_29 = tpu.memref_slice %arg3[%add3A, %dma_start3A, %dma_start3A_28] : memref<32x79x128xi32, #tpu.memory_space<hbm>> -> memref<1x79x128xi32, #tpu.memory_space<hbm>>
      %dma_start3A_30 = tpu.memref_squeeze %dma_start3A_29 : memref<1x79x128xi32, #tpu.memory_space<hbm>> -> memref<79x128xi32, #tpu.memory_space<hbm>>
      %dma_start3A_31 = arith.constant 0 : i32
      %dma_start3A_32 = arith.constant 0 : i32
      %dma_start3A_33 = tpu.memref_slice %arg3[%add3A, %dma_start3A_31, %dma_start3A_32] : memref<32x79x128xi32, #tpu.memory_space<hbm>> -> memref<1x79x128xi32, #tpu.memory_space<hbm>>
      %dma_start3A_34 = tpu.memref_squeeze %dma_start3A_33 : memref<1x79x128xi32, #tpu.memory_space<hbm>> -> memref<79x128xi32, #tpu.memory_space<hbm>>
      tpu.enqueue_dma source(%dma_start3A_34 : memref<79x128xi32, #tpu.memory_space<hbm>>) target(%arg6 : memref<79x128xi32, #tpu.memory_space<vmem>>) target_semaphore(%run_scoped3A : memref<!tpu.dma_semaphore, #tpu.memory_space<semaphore_mem>>)
      %dma_wait3A = arith.constant 0 : i32
      %dma_wait3A_35 = arith.constant 0 : i32
      %dma_wait3A_36 = tpu.memref_slice %arg3[%add3A, %dma_wait3A, %dma_wait3A_35] : memref<32x79x128xi32, #tpu.memory_space<hbm>> -> memref<1x79x128xi32, #tpu.memory_space<hbm>>
      %dma_wait3A_37 = tpu.memref_squeeze %dma_wait3A_36 : memref<1x79x128xi32, #tpu.memory_space<hbm>> -> memref<79x128xi32, #tpu.memory_space<hbm>>
      %dma_wait3A_38 = arith.constant 0 : i32
      %dma_wait3A_39 = arith.constant 0 : i32
      %dma_wait3A_40 = tpu.memref_slice %arg3[%add3A, %dma_wait3A_38, %dma_wait3A_39] : memref<32x79x128xi32, #tpu.memory_space<hbm>> -> memref<1x79x128xi32, #tpu.memory_space<hbm>>
      %dma_wait3A_41 = tpu.memref_squeeze %dma_wait3A_40 : memref<1x79x128xi32, #tpu.memory_space<hbm>> -> memref<79x128xi32, #tpu.memory_space<hbm>>
      tpu.wait_dma2 semaphore(%run_scoped3A : memref<!tpu.dma_semaphore, #tpu.memory_space<semaphore_mem>>) src(%dma_wait3A_41 : memref<79x128xi32, #tpu.memory_space<hbm>>) dst(%arg6 : memref<79x128xi32, #tpu.memory_space<vmem>>)
      tpu.yield
    }) : () -> ()
    "tpu.region"() ({
      %run_scoped3A = tpu.sem_alloc : memref<!tpu.dma_semaphore, #tpu.memory_space<semaphore_mem>>
      %dma_start3A = arith.constant 0 : i32
      %dma_start3A_28 = arith.constant 0 : i32
      %dma_start3A_29 = tpu.memref_slice %arg4[%add3A, %dma_start3A, %dma_start3A_28] : memref<32x79x128xi32, #tpu.memory_space<hbm>> -> memref<1x79x128xi32, #tpu.memory_space<hbm>>
      %dma_start3A_30 = tpu.memref_squeeze %dma_start3A_29 : memref<1x79x128xi32, #tpu.memory_space<hbm>> -> memref<79x128xi32, #tpu.memory_space<hbm>>
      %dma_start3A_31 = arith.constant 0 : i32
      %dma_start3A_32 = arith.constant 0 : i32
      %dma_start3A_33 = tpu.memref_slice %arg4[%add3A, %dma_start3A_31, %dma_start3A_32] : memref<32x79x128xi32, #tpu.memory_space<hbm>> -> memref<1x79x128xi32, #tpu.memory_space<hbm>>
      %dma_start3A_34 = tpu.memref_squeeze %dma_start3A_33 : memref<1x79x128xi32, #tpu.memory_space<hbm>> -> memref<79x128xi32, #tpu.memory_space<hbm>>
      tpu.enqueue_dma source(%dma_start3A_34 : memref<79x128xi32, #tpu.memory_space<hbm>>) target(%arg7 : memref<79x128xi32, #tpu.memory_space<vmem>>) target_semaphore(%run_scoped3A : memref<!tpu.dma_semaphore, #tpu.memory_space<semaphore_mem>>)
      %dma_wait3A = arith.constant 0 : i32
      %dma_wait3A_35 = arith.constant 0 : i32
      %dma_wait3A_36 = tpu.memref_slice %arg4[%add3A, %dma_wait3A, %dma_wait3A_35] : memref<32x79x128xi32, #tpu.memory_space<hbm>> -> memref<1x79x128xi32, #tpu.memory_space<hbm>>
      %dma_wait3A_37 = tpu.memref_squeeze %dma_wait3A_36 : memref<1x79x128xi32, #tpu.memory_space<hbm>> -> memref<79x128xi32, #tpu.memory_space<hbm>>
      %dma_wait3A_38 = arith.constant 0 : i32
      %dma_wait3A_39 = arith.constant 0 : i32
      %dma_wait3A_40 = tpu.memref_slice %arg4[%add3A, %dma_wait3A_38, %dma_wait3A_39] : memref<32x79x128xi32, #tpu.memory_space<hbm>> -> memref<1x79x128xi32, #tpu.memory_space<hbm>>
      %dma_wait3A_41 = tpu.memref_squeeze %dma_wait3A_40 : memref<1x79x128xi32, #tpu.memory_space<hbm>> -> memref<79x128xi32, #tpu.memory_space<hbm>>
      tpu.wait_dma2 semaphore(%run_scoped3A : memref<!tpu.dma_semaphore, #tpu.memory_space<semaphore_mem>>) src(%dma_wait3A_41 : memref<79x128xi32, #tpu.memory_space<hbm>>) dst(%arg7 : memref<79x128xi32, #tpu.memory_space<vmem>>)
      tpu.yield
    }) : () -> ()
    %scan3A_15 = arith.constant 0 : i32
    %scan3A_16 = arith.constant 0 : i32
    %scan3A_17 = arith.constant 79 : i32
    %scan3A_18 = arith.addi %scan3A_16, %scan3A_17 : i32
    %scan3A_19 = arith.constant 1 : i32
    scf.for %scan3A_28 = %scan3A_16 to %scan3A_18 step %scan3A_19  : i32 {
      %dma_start3A = arith.constant 0 : i32
      %dma_start3A_29 = tpu.memref_slice %arg6[%scan3A_28, %dma_start3A] : memref<79x128xi32, #tpu.memory_space<vmem>> -> memref<1x128xi32, #tpu.memory_space<vmem>>
      %dma_start3A_30 = tpu.memref_squeeze %dma_start3A_29 : memref<1x128xi32, #tpu.memory_space<vmem>> -> memref<128xi32, #tpu.memory_space<vmem>>
      %dma_start3A_31 = arith.constant 0 : i32
      %dma_start3A_32 = arith.constant 0 : i32
      %dma_start3A_33 = tpu.memref_slice %arg2[%dma_start3A_31, %dma_start3A_32] : memref<10000x128xf32, #tpu.memory_space<hbm>> -> memref<10000x128xf32, #tpu.memory_space<hbm>>
      tpu.enqueue_indirect_dma source(%dma_start3A_33 : memref<10000x128xf32, #tpu.memory_space<hbm>>) target(%arg8 : memref<128x128xf32, #tpu.memory_space<vmem>>) offsets(%dma_start3A_30 : memref<128xi32, #tpu.memory_space<vmem>>) semaphore(%arg10 : memref<!tpu.dma_semaphore, #tpu.memory_space<semaphore_mem>>)
      %dma_wait3A = arith.constant 0 : i32
      %dma_wait3A_34 = tpu.memref_slice %arg6[%scan3A_28, %dma_wait3A] : memref<79x128xi32, #tpu.memory_space<vmem>> -> memref<1x128xi32, #tpu.memory_space<vmem>>
      %dma_wait3A_35 = tpu.memref_squeeze %dma_wait3A_34 : memref<1x128xi32, #tpu.memory_space<vmem>> -> memref<128xi32, #tpu.memory_space<vmem>>
      %dma_wait3A_36 = arith.constant 0 : i32
      %dma_wait3A_37 = arith.constant 0 : i32
      %dma_wait3A_38 = tpu.memref_slice %arg2[%dma_wait3A_36, %dma_wait3A_37] : memref<10000x128xf32, #tpu.memory_space<hbm>> -> memref<10000x128xf32, #tpu.memory_space<hbm>>
      tpu.wait_indirect_dma semaphore(%arg10 : memref<!tpu.dma_semaphore, #tpu.memory_space<semaphore_mem>>) src(%dma_wait3A_38 : memref<10000x128xf32, #tpu.memory_space<hbm>>) dst(%arg8 : memref<128x128xf32, #tpu.memory_space<vmem>>)
      "tpu.region"() ({
        %run_scoped3A = tpu.sem_alloc : memref<!tpu.dma_semaphore, #tpu.memory_space<semaphore_mem>>
        %dma_start3A_39 = arith.constant 0 : i32
        %dma_start3A_40 = tpu.memref_slice %arg7[%scan3A_28, %dma_start3A_39] : memref<79x128xi32, #tpu.memory_space<vmem>> -> memref<1x128xi32, #tpu.memory_space<vmem>>
        %dma_start3A_41 = tpu.memref_squeeze %dma_start3A_40 : memref<1x128xi32, #tpu.memory_space<vmem>> -> memref<128xi32, #tpu.memory_space<vmem>>
        %dma_start3A_42 = arith.constant 0 : i32
        %dma_start3A_43 = arith.constant 0 : i32
        %dma_start3A_44 = tpu.memref_slice %arg9[%dma_start3A_42, %dma_start3A_43] : memref<10240x128xf32, #tpu.memory_space<vmem_shared>> -> memref<10240x128xf32, #tpu.memory_space<vmem_shared>>
        tpu.enqueue_indirect_dma source(%arg8 : memref<128x128xf32, #tpu.memory_space<vmem>>) target(%dma_start3A_44 : memref<10240x128xf32, #tpu.memory_space<vmem_shared>>) offsets(%dma_start3A_41 : memref<128xi32, #tpu.memory_space<vmem>>) semaphore(%run_scoped3A : memref<!tpu.dma_semaphore, #tpu.memory_space<semaphore_mem>>) {add = true}
        %dma_wait3A_45 = arith.constant 0 : i32
        %dma_wait3A_46 = tpu.memref_slice %arg7[%scan3A_28, %dma_wait3A_45] : memref<79x128xi32, #tpu.memory_space<vmem>> -> memref<1x128xi32, #tpu.memory_space<vmem>>
        %dma_wait3A_47 = tpu.memref_squeeze %dma_wait3A_46 : memref<1x128xi32, #tpu.memory_space<vmem>> -> memref<128xi32, #tpu.memory_space<vmem>>
        %dma_wait3A_48 = arith.constant 0 : i32
        %dma_wait3A_49 = arith.constant 0 : i32
        %dma_wait3A_50 = tpu.memref_slice %arg9[%dma_wait3A_48, %dma_wait3A_49] : memref<10240x128xf32, #tpu.memory_space<vmem_shared>> -> memref<10240x128xf32, #tpu.memory_space<vmem_shared>>
        tpu.wait_indirect_dma semaphore(%run_scoped3A : memref<!tpu.dma_semaphore, #tpu.memory_space<semaphore_mem>>) src(%arg8 : memref<128x128xf32, #tpu.memory_space<vmem>>) dst(%dma_wait3A_50 : memref<10240x128xf32, #tpu.memory_space<vmem_shared>>)
        tpu.yield
      }) : () -> ()
    }
    %scan3A_20 = arith.constant 79 : i32
    %barrier3A_21 = arith.constant 0 : index
    tpu.barrier barrier_id(%barrier3A_21)
    %scan3A_22 = arith.constant 0 : i32
    %scan3A_23 = arith.constant 0 : i32
    %scan3A_24 = arith.constant 5 : i32
    %scan3A_25 = arith.addi %scan3A_23, %scan3A_24 : i32
    %scan3A_26 = arith.constant 1 : i32
    scf.for %scan3A_28 = %scan3A_23 to %scan3A_25 step %scan3A_26  : i32 {
      %mul3A_29 = arith.constant 128 : i32
      %mul3A_30 = arith.muli %scan3A_28, %mul3A_29 : i32
      %add3A_31 = arith.addi %mul3A_8, %mul3A_30 : i32
      "tpu.region"() ({
        %run_scoped3A = tpu.sem_alloc : memref<!tpu.dma_semaphore, #tpu.memory_space<semaphore_mem>>
        %dma_start3A = arith.constant 0 : i32
        %dma_start3A_35 = tpu.memref_slice %arg9[%add3A_31, %dma_start3A] : memref<10240x128xf32, #tpu.memory_space<vmem_shared>> -> memref<128x128xf32, #tpu.memory_space<vmem_shared>>
        %dma_start3A_36 = arith.constant 0 : i32
        %dma_start3A_37 = tpu.memref_slice %arg9[%add3A_31, %dma_start3A_36] : memref<10240x128xf32, #tpu.memory_space<vmem_shared>> -> memref<128x128xf32, #tpu.memory_space<vmem_shared>>
        tpu.enqueue_dma source(%dma_start3A_37 : memref<128x128xf32, #tpu.memory_space<vmem_shared>>) target(%arg8 : memref<128x128xf32, #tpu.memory_space<vmem>>) target_semaphore(%run_scoped3A : memref<!tpu.dma_semaphore, #tpu.memory_space<semaphore_mem>>)
        %dma_wait3A = arith.constant 0 : i32
        %dma_wait3A_38 = tpu.memref_slice %arg9[%add3A_31, %dma_wait3A] : memref<10240x128xf32, #tpu.memory_space<vmem_shared>> -> memref<128x128xf32, #tpu.memory_space<vmem_shared>>
        %dma_wait3A_39 = arith.constant 0 : i32
        %dma_wait3A_40 = tpu.memref_slice %arg9[%add3A_31, %dma_wait3A_39] : memref<10240x128xf32, #tpu.memory_space<vmem_shared>> -> memref<128x128xf32, #tpu.memory_space<vmem_shared>>
        tpu.wait_dma2 semaphore(%run_scoped3A : memref<!tpu.dma_semaphore, #tpu.memory_space<semaphore_mem>>) src(%dma_wait3A_40 : memref<128x128xf32, #tpu.memory_space<vmem_shared>>) dst(%arg8 : memref<128x128xf32, #tpu.memory_space<vmem>>)
        tpu.yield
      }) : () -> ()
      %mul3A_32 = arith.constant 128 : i32
      %mul3A_33 = arith.muli %scan3A_28, %mul3A_32 : i32
      %add3A_34 = arith.addi %mul3A_8, %mul3A_33 : i32
      "tpu.region"() ({
        %run_scoped3A = tpu.sem_alloc : memref<!tpu.dma_semaphore, #tpu.memory_space<semaphore_mem>>
        %dma_start3A = arith.constant 0 : i32
        %dma_start3A_35 = arith.constant 0 : i32
        %dma_start3A_36 = tpu.memref_slice %arg5[%arg0, %dma_start3A, %dma_start3A_35] : memref<2x10240x128xf32, #tpu.memory_space<hbm>> -> memref<1x10240x128xf32, #tpu.memory_space<hbm>>
        %dma_start3A_37 = tpu.memref_squeeze %dma_start3A_36 : memref<1x10240x128xf32, #tpu.memory_space<hbm>> -> memref<10240x128xf32, #tpu.memory_space<hbm>>
        %dma_start3A_38 = arith.constant 0 : i32
        %dma_start3A_39 = tpu.memref_slice %dma_start3A_37[%add3A_34, %dma_start3A_38] : memref<10240x128xf32, #tpu.memory_space<hbm>> -> memref<128x128xf32, #tpu.memory_space<hbm>>
        %dma_start3A_40 = arith.constant 0 : i32
        %dma_start3A_41 = arith.constant 0 : i32
        %dma_start3A_42 = tpu.memref_slice %arg5[%arg0, %dma_start3A_40, %dma_start3A_41] : memref<2x10240x128xf32, #tpu.memory_space<hbm>> -> memref<1x10240x128xf32, #tpu.memory_space<hbm>>
        %dma_start3A_43 = tpu.memref_squeeze %dma_start3A_42 : memref<1x10240x128xf32, #tpu.memory_space<hbm>> -> memref<10240x128xf32, #tpu.memory_space<hbm>>
        %dma_start3A_44 = arith.constant 0 : i32
        %dma_start3A_45 = tpu.memref_slice %dma_start3A_43[%add3A_34, %dma_start3A_44] : memref<10240x128xf32, #tpu.memory_space<hbm>> -> memref<128x128xf32, #tpu.memory_space<hbm>>
        tpu.enqueue_dma source(%arg8 : memref<128x128xf32, #tpu.memory_space<vmem>>) target(%dma_start3A_45 : memref<128x128xf32, #tpu.memory_space<hbm>>) target_semaphore(%run_scoped3A : memref<!tpu.dma_semaphore, #tpu.memory_space<semaphore_mem>>)
        %dma_wait3A = arith.constant 0 : i32
        %dma_wait3A_46 = arith.constant 0 : i32
        %dma_wait3A_47 = tpu.memref_slice %arg5[%arg0, %dma_wait3A, %dma_wait3A_46] : memref<2x10240x128xf32, #tpu.memory_space<hbm>> -> memref<1x10240x128xf32, #tpu.memory_space<hbm>>
        %dma_wait3A_48 = tpu.memref_squeeze %dma_wait3A_47 : memref<1x10240x128xf32, #tpu.memory_space<hbm>> -> memref<10240x128xf32, #tpu.memory_space<hbm>>
        %dma_wait3A_49 = arith.constant 0 : i32
        %dma_wait3A_50 = tpu.memref_slice %dma_wait3A_48[%add3A_34, %dma_wait3A_49] : memref<10240x128xf32, #tpu.memory_space<hbm>> -> memref<128x128xf32, #tpu.memory_space<hbm>>
        %dma_wait3A_51 = arith.constant 0 : i32
        %dma_wait3A_52 = arith.constant 0 : i32
        %dma_wait3A_53 = tpu.memref_slice %arg5[%arg0, %dma_wait3A_51, %dma_wait3A_52] : memref<2x10240x128xf32, #tpu.memory_space<hbm>> -> memref<1x10240x128xf32, #tpu.memory_space<hbm>>
        %dma_wait3A_54 = tpu.memref_squeeze %dma_wait3A_53 : memref<1x10240x128xf32, #tpu.memory_space<hbm>> -> memref<10240x128xf32, #tpu.memory_space<hbm>>
        %dma_wait3A_55 = arith.constant 0 : i32
        %dma_wait3A_56 = tpu.memref_slice %dma_wait3A_54[%add3A_34, %dma_wait3A_55] : memref<10240x128xf32, #tpu.memory_space<hbm>> -> memref<128x128xf32, #tpu.memory_space<hbm>>
        tpu.wait_dma2 semaphore(%run_scoped3A : memref<!tpu.dma_semaphore, #tpu.memory_space<semaphore_mem>>) src(%arg8 : memref<128x128xf32, #tpu.memory_space<vmem>>) dst(%dma_wait3A_56 : memref<128x128xf32, #tpu.memory_space<hbm>>)
        tpu.yield
      }) : () -> ()
    }
    %scan3A_27 = arith.constant 5 : i32
    return
  }
}

module attributes {stable_mosaic.version = 14 : i64} {
  func.func @_tc_prep_body(%arg0: i32, %arg1: memref<2x1000x1xf32, #tpu.memory_space<vmem>>, %arg2: memref<1000x128xf32, #tpu.memory_space<vmem>>, %arg3: memref<128x128xf32, #tpu.memory_space<vmem>>, %arg4: memref<1000x128xf32, #tpu.memory_space<vmem>>, %arg5: memref<1000x1xf32, #tpu.memory_space<vmem>>) attributes {dimension_semantics = [#tpu.dimension_semantics<arbitrary>], iteration_bounds = array<i64: 10>, scalar_prefetch = 0 : i64, scratch_operands = 0 : i64, tpu.core_type = #tpu.core_type<tc>, window_params = [{transform_indices = @transform_0, window_bounds = array<i64: 2, 1000, 1>}, {transform_indices = @transform_1, window_bounds = array<i64: 1000, 128>}, {pipeline_mode = #tpu.pipeline_mode<synchronous>, transform_indices = @transform_2, window_bounds = array<i64: 128, 128>}, {transform_indices = @transform_3, window_bounds = array<i64: 1000, 128>}, {transform_indices = @transform_4, window_bounds = array<i64: 1000, 1>}]} {
    %get3A = arith.constant 0 : index
    %get3A_0 = arith.constant 0 : index
    %get3A_1 = arith.constant 0 : index
    %get3A_2 = vector.load %arg1[%get3A, %get3A_0, %get3A_1] : memref<2x1000x1xf32, #tpu.memory_space<vmem>>, vector<1x1000x1xf32>
    %get3A_3 = vector.shape_cast %get3A_2 : vector<1x1000x1xf32> to vector<1000x1xf32>
    %get3A_4 = arith.constant 1 : index
    %get3A_5 = arith.constant 0 : index
    %get3A_6 = arith.constant 0 : index
    %get3A_7 = vector.load %arg1[%get3A_4, %get3A_5, %get3A_6] : memref<2x1000x1xf32, #tpu.memory_space<vmem>>, vector<1x1000x1xf32>
    %get3A_8 = vector.shape_cast %get3A_7 : vector<1x1000x1xf32> to vector<1000x1xf32>
    %add3A = arith.addf %get3A_3, %get3A_8 : vector<1000x1xf32>
    %max3A = arith.constant 1.000000e+00 : f32
    %max3A_9 = vector.broadcast %max3A : f32 to vector<1000x1xf32>
    %max3A_10 = arith.maximumf %add3A, %max3A_9 : vector<1000x1xf32>
    %rsqrt3A = math.rsqrt %max3A_10 : vector<1000x1xf32>
    %get3A_11 = arith.constant 0 : index
    %get3A_12 = arith.constant 0 : index
    %get3A_13 = vector.load %arg2[%get3A_11, %get3A_12] : memref<1000x128xf32, #tpu.memory_space<vmem>>, vector<1000x128xf32>
    %mul3A = vector.broadcast %rsqrt3A : vector<1000x1xf32> to vector<1000x128xf32>
    %mul3A_14 = arith.mulf %get3A_13, %mul3A : vector<1000x128xf32>
    %get3A_15 = arith.constant 0 : index
    %get3A_16 = arith.constant 0 : index
    %get3A_17 = vector.load %arg3[%get3A_15, %get3A_16] : memref<128x128xf32, #tpu.memory_space<vmem>>, vector<128x128xf32>
    %dot_general3A = arith.constant dense<0.000000e+00> : vector<1000x128xf32>
    %dot_general3A_18 = tpu.matmul %mul3A_14, %get3A_17, %dot_general3A {dimension_numbers = #tpu.dot_dimension_numbers<[1], [0], [0], [1], [0, 0, 1, 1], [], []>, transpose_lhs_hint = false} : vector<1000x128xf32>, vector<128x128xf32>, vector<1000x128xf32> -> vector<1000x128xf32>
    %swap3A = arith.constant 0 : index
    %swap3A_19 = arith.constant 0 : index
    %swap3A_20 = vector.load %arg4[%swap3A, %swap3A_19] : memref<1000x128xf32, #tpu.memory_space<vmem>>, vector<1000x128xf32>
    tpu.vector_store %arg4[%swap3A, %swap3A_19], %dot_general3A_18 {strides = array<i32>} : memref<1000x128xf32, #tpu.memory_space<vmem>>, vector<1000x128xf32>,
    %swap3A_21 = arith.constant 0 : index
    %swap3A_22 = arith.constant 0 : index
    %swap3A_23 = vector.load %arg5[%swap3A_21, %swap3A_22] : memref<1000x1xf32, #tpu.memory_space<vmem>>, vector<1000x1xf32>
    tpu.vector_store %arg5[%swap3A_21, %swap3A_22], %rsqrt3A {strides = array<i32>} : memref<1000x1xf32, #tpu.memory_space<vmem>>, vector<1000x1xf32>,
    return
  }
  func.func @transform_0(%arg0: i32) -> (i32, i32, i32) {
    %c0_i32 = arith.constant 0 : i32
    %c0_i32_0 = arith.constant 0 : i32
    %c0_i32_1 = arith.constant 0 : i32
    return %c0_i32, %arg0, %c0_i32_0 : i32, i32, i32
  }
  func.func @transform_1(%arg0: i32) -> (i32, i32) {
    %c0_i32 = arith.constant 0 : i32
    %c0_i32_0 = arith.constant 0 : i32
    return %arg0, %c0_i32 : i32, i32
  }
  func.func @transform_2(%arg0: i32) -> (i32, i32) {
    %c0_i32 = arith.constant 0 : i32
    %c0_i32_0 = arith.constant 0 : i32
    %c0_i32_1 = arith.constant 0 : i32
    return %c0_i32, %c0_i32_0 : i32, i32
  }
  func.func @transform_3(%arg0: i32) -> (i32, i32) {
    %c0_i32 = arith.constant 0 : i32
    %c0_i32_0 = arith.constant 0 : i32
    return %arg0, %c0_i32 : i32, i32
  }
  func.func @transform_4(%arg0: i32) -> (i32, i32) {
    %c0_i32 = arith.constant 0 : i32
    %c0_i32_0 = arith.constant 0 : i32
    return %arg0, %c0_i32 : i32, i32
  }
}

module attributes {stable_mosaic.version = 14 : i64} {
  func.func @_tc_mid_body(%arg0: i32, %arg1: memref<2x1000x128xf32, #tpu.memory_space<vmem>>, %arg2: memref<1000x1xf32, #tpu.memory_space<vmem>>, %arg3: memref<1x128xf32, #tpu.memory_space<vmem>>, %arg4: memref<128x128xf32, #tpu.memory_space<vmem>>, %arg5: memref<1000x128xf32, #tpu.memory_space<vmem>>) attributes {dimension_semantics = [#tpu.dimension_semantics<arbitrary>], iteration_bounds = array<i64: 10>, scalar_prefetch = 0 : i64, scratch_operands = 0 : i64, tpu.core_type = #tpu.core_type<tc>, window_params = [{transform_indices = @transform_0, window_bounds = array<i64: 2, 1000, 128>}, {transform_indices = @transform_1, window_bounds = array<i64: 1000, 1>}, {pipeline_mode = #tpu.pipeline_mode<synchronous>, transform_indices = @transform_2, window_bounds = array<i64: 1, 128>}, {pipeline_mode = #tpu.pipeline_mode<synchronous>, transform_indices = @transform_3, window_bounds = array<i64: 128, 128>}, {transform_indices = @transform_4, window_bounds = array<i64: 1000, 128>}]} {
    %get3A = arith.constant 0 : index
    %get3A_0 = arith.constant 0 : index
    %get3A_1 = vector.load %arg2[%get3A, %get3A_0] : memref<1000x1xf32, #tpu.memory_space<vmem>>, vector<1000x1xf32>
    %get3A_2 = arith.constant 0 : index
    %get3A_3 = arith.constant 0 : index
    %get3A_4 = arith.constant 0 : index
    %get3A_5 = vector.load %arg1[%get3A_2, %get3A_3, %get3A_4] : memref<2x1000x128xf32, #tpu.memory_space<vmem>>, vector<1x1000x128xf32>
    %get3A_6 = vector.shape_cast %get3A_5 : vector<1x1000x128xf32> to vector<1000x128xf32>
    %get3A_7 = arith.constant 1 : index
    %get3A_8 = arith.constant 0 : index
    %get3A_9 = arith.constant 0 : index
    %get3A_10 = vector.load %arg1[%get3A_7, %get3A_8, %get3A_9] : memref<2x1000x128xf32, #tpu.memory_space<vmem>>, vector<1x1000x128xf32>
    %get3A_11 = vector.shape_cast %get3A_10 : vector<1x1000x128xf32> to vector<1000x128xf32>
    %add3A = arith.addf %get3A_6, %get3A_11 : vector<1000x128xf32>
    %mul3A = vector.broadcast %get3A_1 : vector<1000x1xf32> to vector<1000x128xf32>
    %mul3A_12 = arith.mulf %add3A, %mul3A : vector<1000x128xf32>
    %get3A_13 = arith.constant 0 : index
    %get3A_14 = arith.constant 0 : index
    %get3A_15 = vector.load %arg3[%get3A_13, %get3A_14] : memref<1x128xf32, #tpu.memory_space<vmem>>, vector<1x128xf32>
    %add3A_16 = vector.broadcast %get3A_15 : vector<1x128xf32> to vector<1000x128xf32>
    %add3A_17 = arith.addf %mul3A_12, %add3A_16 : vector<1000x128xf32>
    %reduce_sum3A = arith.constant dense<0.000000e+00> : vector<1000xf32>
    %reduce_sum3A_18 = vector.multi_reduction <add>, %add3A_17, %reduce_sum3A [1] : vector<1000x128xf32> to vector<1000xf32>
    %broadcast_in_dim3A = vector.shape_cast %reduce_sum3A_18 : vector<1000xf32> to vector<1000x1xf32>
    %div3A = arith.constant 1.280000e+02 : f32
    %div3A_19 = vector.broadcast %div3A : f32 to vector<1000x1xf32>
    %div3A_20 = arith.divf %broadcast_in_dim3A, %div3A_19 : vector<1000x1xf32>
    %sub3A = vector.broadcast %div3A_20 : vector<1000x1xf32> to vector<1000x128xf32>
    %sub3A_21 = arith.subf %add3A_17, %sub3A : vector<1000x128xf32>
    %mul3A_22 = arith.mulf %sub3A_21, %sub3A_21 : vector<1000x128xf32>
    %reduce_sum3A_23 = arith.constant dense<0.000000e+00> : vector<1000xf32>
    %reduce_sum3A_24 = vector.multi_reduction <add>, %mul3A_22, %reduce_sum3A_23 [1] : vector<1000x128xf32> to vector<1000xf32>
    %broadcast_in_dim3A_25 = vector.shape_cast %reduce_sum3A_24 : vector<1000xf32> to vector<1000x1xf32>
    %div3A_26 = arith.constant 1.280000e+02 : f32
    %div3A_27 = vector.broadcast %div3A_26 : f32 to vector<1000x1xf32>
    %div3A_28 = arith.divf %broadcast_in_dim3A_25, %div3A_27 : vector<1000x1xf32>
    %add3A_29 = arith.constant 9.99999974E-6 : f32
    %add3A_30 = vector.broadcast %add3A_29 : f32 to vector<1000x1xf32>
    %add3A_31 = arith.addf %div3A_28, %add3A_30 : vector<1000x1xf32>
    %rsqrt3A = math.rsqrt %add3A_31 : vector<1000x1xf32>
    %mul3A_32 = vector.broadcast %rsqrt3A : vector<1000x1xf32> to vector<1000x128xf32>
    %mul3A_33 = arith.mulf %sub3A_21, %mul3A_32 : vector<1000x128xf32>
    %max3A = arith.constant 0.000000e+00 : f32
    %max3A_34 = vector.broadcast %max3A : f32 to vector<1000x128xf32>
    %max3A_35 = arith.maximumf %mul3A_33, %max3A_34 : vector<1000x128xf32>
    %mul3A_36 = vector.broadcast %get3A_1 : vector<1000x1xf32> to vector<1000x128xf32>
    %mul3A_37 = arith.mulf %max3A_35, %mul3A_36 : vector<1000x128xf32>
    %get3A_38 = arith.constant 0 : index
    %get3A_39 = arith.constant 0 : index
    %get3A_40 = vector.load %arg4[%get3A_38, %get3A_39] : memref<128x128xf32, #tpu.memory_space<vmem>>, vector<128x128xf32>
    %dot_general3A = arith.constant dense<0.000000e+00> : vector<1000x128xf32>
    %dot_general3A_41 = tpu.matmul %mul3A_37, %get3A_40, %dot_general3A {dimension_numbers = #tpu.dot_dimension_numbers<[1], [0], [0], [1], [0, 0, 1, 1], [], []>, transpose_lhs_hint = false} : vector<1000x128xf32>, vector<128x128xf32>, vector<1000x128xf32> -> vector<1000x128xf32>
    %swap3A = arith.constant 0 : index
    %swap3A_42 = arith.constant 0 : index
    %swap3A_43 = vector.load %arg5[%swap3A, %swap3A_42] : memref<1000x128xf32, #tpu.memory_space<vmem>>, vector<1000x128xf32>
    tpu.vector_store %arg5[%swap3A, %swap3A_42], %dot_general3A_41 {strides = array<i32>} : memref<1000x128xf32, #tpu.memory_space<vmem>>, vector<1000x128xf32>,
    return
  }
  func.func @transform_0(%arg0: i32) -> (i32, i32, i32) {
    %c0_i32 = arith.constant 0 : i32
    %c0_i32_0 = arith.constant 0 : i32
    %c0_i32_1 = arith.constant 0 : i32
    return %c0_i32, %arg0, %c0_i32_0 : i32, i32, i32
  }
  func.func @transform_1(%arg0: i32) -> (i32, i32) {
    %c0_i32 = arith.constant 0 : i32
    %c0_i32_0 = arith.constant 0 : i32
    return %arg0, %c0_i32 : i32, i32
  }
  func.func @transform_2(%arg0: i32) -> (i32, i32) {
    %c0_i32 = arith.constant 0 : i32
    %c0_i32_0 = arith.constant 0 : i32
    %c0_i32_1 = arith.constant 0 : i32
    return %c0_i32, %c0_i32_0 : i32, i32
  }
  func.func @transform_3(%arg0: i32) -> (i32, i32) {
    %c0_i32 = arith.constant 0 : i32
    %c0_i32_0 = arith.constant 0 : i32
    %c0_i32_1 = arith.constant 0 : i32
    return %c0_i32, %c0_i32_0 : i32, i32
  }
  func.func @transform_4(%arg0: i32) -> (i32, i32) {
    %c0_i32 = arith.constant 0 : i32
    %c0_i32_0 = arith.constant 0 : i32
    return %arg0, %c0_i32 : i32, i32
  }
}

module attributes {stable_mosaic.version = 14 : i64} {
  func.func @_tc_last_body(%arg0: i32, %arg1: memref<2x1000x128xf32, #tpu.memory_space<vmem>>, %arg2: memref<1000x1xf32, #tpu.memory_space<vmem>>, %arg3: memref<1x128xf32, #tpu.memory_space<vmem>>, %arg4: memref<1000x128xf32, #tpu.memory_space<vmem>>) attributes {dimension_semantics = [#tpu.dimension_semantics<arbitrary>], iteration_bounds = array<i64: 10>, scalar_prefetch = 0 : i64, scratch_operands = 0 : i64, tpu.core_type = #tpu.core_type<tc>, window_params = [{transform_indices = @transform_0, window_bounds = array<i64: 2, 1000, 128>}, {transform_indices = @transform_1, window_bounds = array<i64: 1000, 1>}, {pipeline_mode = #tpu.pipeline_mode<synchronous>, transform_indices = @transform_2, window_bounds = array<i64: 1, 128>}, {transform_indices = @transform_3, window_bounds = array<i64: 1000, 128>}]} {
    %get3A = arith.constant 0 : index
    %get3A_0 = arith.constant 0 : index
    %get3A_1 = arith.constant 0 : index
    %get3A_2 = vector.load %arg1[%get3A, %get3A_0, %get3A_1] : memref<2x1000x128xf32, #tpu.memory_space<vmem>>, vector<1x1000x128xf32>
    %get3A_3 = vector.shape_cast %get3A_2 : vector<1x1000x128xf32> to vector<1000x128xf32>
    %get3A_4 = arith.constant 1 : index
    %get3A_5 = arith.constant 0 : index
    %get3A_6 = arith.constant 0 : index
    %get3A_7 = vector.load %arg1[%get3A_4, %get3A_5, %get3A_6] : memref<2x1000x128xf32, #tpu.memory_space<vmem>>, vector<1x1000x128xf32>
    %get3A_8 = vector.shape_cast %get3A_7 : vector<1x1000x128xf32> to vector<1000x128xf32>
    %add3A = arith.addf %get3A_3, %get3A_8 : vector<1000x128xf32>
    %get3A_9 = arith.constant 0 : index
    %get3A_10 = arith.constant 0 : index
    %get3A_11 = vector.load %arg2[%get3A_9, %get3A_10] : memref<1000x1xf32, #tpu.memory_space<vmem>>, vector<1000x1xf32>
    %mul3A = vector.broadcast %get3A_11 : vector<1000x1xf32> to vector<1000x128xf32>
    %mul3A_12 = arith.mulf %add3A, %mul3A : vector<1000x128xf32>
    %get3A_13 = arith.constant 0 : index
    %get3A_14 = arith.constant 0 : index
    %get3A_15 = vector.load %arg3[%get3A_13, %get3A_14] : memref<1x128xf32, #tpu.memory_space<vmem>>, vector<1x128xf32>
    %add3A_16 = vector.broadcast %get3A_15 : vector<1x128xf32> to vector<1000x128xf32>
    %add3A_17 = arith.addf %mul3A_12, %add3A_16 : vector<1000x128xf32>
    %reduce_sum3A = arith.constant dense<0.000000e+00> : vector<1000xf32>
    %reduce_sum3A_18 = vector.multi_reduction <add>, %add3A_17, %reduce_sum3A [1] : vector<1000x128xf32> to vector<1000xf32>
    %broadcast_in_dim3A = vector.shape_cast %reduce_sum3A_18 : vector<1000xf32> to vector<1000x1xf32>
    %div3A = arith.constant 1.280000e+02 : f32
    %div3A_19 = vector.broadcast %div3A : f32 to vector<1000x1xf32>
    %div3A_20 = arith.divf %broadcast_in_dim3A, %div3A_19 : vector<1000x1xf32>
    %sub3A = vector.broadcast %div3A_20 : vector<1000x1xf32> to vector<1000x128xf32>
    %sub3A_21 = arith.subf %add3A_17, %sub3A : vector<1000x128xf32>
    %mul3A_22 = arith.mulf %sub3A_21, %sub3A_21 : vector<1000x128xf32>
    %reduce_sum3A_23 = arith.constant dense<0.000000e+00> : vector<1000xf32>
    %reduce_sum3A_24 = vector.multi_reduction <add>, %mul3A_22, %reduce_sum3A_23 [1] : vector<1000x128xf32> to vector<1000xf32>
    %broadcast_in_dim3A_25 = vector.shape_cast %reduce_sum3A_24 : vector<1000xf32> to vector<1000x1xf32>
    %div3A_26 = arith.constant 1.280000e+02 : f32
    %div3A_27 = vector.broadcast %div3A_26 : f32 to vector<1000x1xf32>
    %div3A_28 = arith.divf %broadcast_in_dim3A_25, %div3A_27 : vector<1000x1xf32>
    %add3A_29 = arith.constant 9.99999974E-6 : f32
    %add3A_30 = vector.broadcast %add3A_29 : f32 to vector<1000x1xf32>
    %add3A_31 = arith.addf %div3A_28, %add3A_30 : vector<1000x1xf32>
    %rsqrt3A = math.rsqrt %add3A_31 : vector<1000x1xf32>
    %mul3A_32 = vector.broadcast %rsqrt3A : vector<1000x1xf32> to vector<1000x128xf32>
    %mul3A_33 = arith.mulf %sub3A_21, %mul3A_32 : vector<1000x128xf32>
    %swap3A = arith.constant 0 : index
    %swap3A_34 = arith.constant 0 : index
    %swap3A_35 = vector.load %arg4[%swap3A, %swap3A_34] : memref<1000x128xf32, #tpu.memory_space<vmem>>, vector<1000x128xf32>
    tpu.vector_store %arg4[%swap3A, %swap3A_34], %mul3A_33 {strides = array<i32>} : memref<1000x128xf32, #tpu.memory_space<vmem>>, vector<1000x128xf32>,
    return
  }
  func.func @transform_0(%arg0: i32) -> (i32, i32, i32) {
    %c0_i32 = arith.constant 0 : i32
    %c0_i32_0 = arith.constant 0 : i32
    %c0_i32_1 = arith.constant 0 : i32
    return %c0_i32, %arg0, %c0_i32_0 : i32, i32, i32
  }
  func.func @transform_1(%arg0: i32) -> (i32, i32) {
    %c0_i32 = arith.constant 0 : i32
    %c0_i32_0 = arith.constant 0 : i32
    return %arg0, %c0_i32 : i32, i32
  }
  func.func @transform_2(%arg0: i32) -> (i32, i32) {
    %c0_i32 = arith.constant 0 : i32
    %c0_i32_0 = arith.constant 0 : i32
    %c0_i32_1 = arith.constant 0 : i32
    return %c0_i32, %c0_i32_0 : i32, i32
  }
  func.func @transform_3(%arg0: i32) -> (i32, i32) {
    %c0_i32 = arith.constant 0 : i32
    %c0_i32_0 = arith.constant 0 : i32
    return %arg0, %c0_i32 : i32, i32
  }
}

</mosaic_0001>

<sc_bundles>
// kernel: kernel.10.cloned.1.call-start
scs
__scs_entry_jumppad:
0x0: {  	(pc) =	sbr.rel $0x88, $3  }
0x1: {  	(tag) =	ssettag $0x0;
	lr =	simm.s32 $0x1  }
0x2: {  	[smem:$0x3F99] =	sst lr;
	_ =	strace $0xD0000000  }
0x3: {  	_ = 	snop  }
0x4: {  	_ = 	snop  }
0x5: {  	_ = 	snop  }
0x6: {  	_ = 	snop  }
0x7: {  	_ = 	snop  }
__scs_overlays_trampoline_lowered:
0x8: {  	[smem:$0x3FA8] =	sst s0  }
0x9: {  	[smem:$0x3FA9] =	sst s1  }
0xa: {  	[smem:$0x3FAA] =	sst s2  }
0xb: {  	[smem:$0x3FAB] =	sst s3  }
0xc: {  	[smem:$0x3FAC] =	sst s4  }
0xd: {  	[smem:$0x3FAD] =	sst s5  }
0xe: {  	[smem:$0x3FAE] =	sst s6  }
0xf: {  	[smem:$0x3FAF] =	sst s7  }
0x10: {  	[smem:$0x3FB0] =	sst s8  }
0x11: {  	[smem:$0x3FB1] =	sst s9;
	s0 =	simm.s32 @!p0 $0x0  }
0x12: {  	s1 =	sld [smem:$0x3F97];
	s0 =	simm.s32 @p0 $0x1  }
0x13: {  	[smem:$0x3FB2] =	sst s0;
	s0 =	simm.s32 @!p1 $0x0  }
0x14: {  	s2 =	sld [smem:$0x3F96];
	s0 =	simm.s32 @p1 $0x1  }
0x15: {  	[smem:$0x3FB3] =	sst s0;
	s0 =	simm.s32 @!p2 $0x0  }
0x16: {  	s3 =	sld [smem:$0x3FDB];
	s0 =	simm.s32 @p2 $0x1  }
0x17: {  	s4 =	simm.s32 $0x1BF5;
	[smem:$0x3FB5] =	sst s0  }
0x18: {  	s0 =	sld [smem:$0x3F98];
	_ =	swait.ge [sflag:s4], $0x0  }
0x19: {  	s7 =	sld [smem:$0x3F99]  }
0x1a: {  	s8 =	sadd.s32 $0xFFFFE003, lr  }
0x1b: {  	s9 =	sadd.s32 $0xFFFFFEF7, lr;
	s5 =	simm.s32 $0xFFFFFFFF;
	p2 =	slt.u32 s8, $0xFFFFF086  }
0x1c: {  	p1 =	slt.u32 s9, $0xF7A;
	s5 =	simm.s32 @!p2 $0x0  }
0x1d: {  	s5 =	simm.s32 @p1 $0x1;
	p0 =	seq.s32 s7, s2  }
0x1e: {  	s7 =	smul.u32 @!p0 $0xF7A, s2;
	p2 =	seq.s32 @!p0 s5, $0x0  }
0x1f: {  	s9 =	smul.u32 $0xF7A, s1;
	s8 =	simm.s32 @!p0 $0x1BF5;
	p2 =	por !p2, p0  }
0x20: {  	[sflag:s8] =	ssyncset.s32 @!p0 $0xFFFFF086;
	s6 =	sadd.s32 @!p0 s3, s7;
	s7 =	simm.s32 @!p0 $0x108  }
0x21: {  	s3 =	sadd.s32 s3, s9;
	s6 =	sadd.s32 @!p0 $0x88, s6;
	s7 =	simm.s32 @p2 $0x1082  }
0x22: {  	[simem:s7], [sflag:s8] =	dma.local @!p0 [hbm:s6], $0xF7A  }
0x23: {  	s9 =	sor.u32 $0xD0000000, s2;
	s6 =	simm.s32 $0x108;
	_ =	swait.ge @!p0 [sflag:s8], $0x0  }
0x24: {  	s3 =	sadd.s32 $0x88, s3;
	s6 =	simm.s32 @!p1 $0x1082;
	[sflag:s4] =	ssyncset.s32 $0xFFFFF086  }
0x25: {  	[simem:s6], [sflag:s4] =	dma.local [hbm:s3], $0xF7A  }
0x26: {  	[smem:$0x3F99] =	sst s1;
	(tag) =	ssettag s2;
	_ =	strace s9  }
0x27: {  	s1 =	sld [smem:$0x3FA9]  }
0x28: {  	s2 =	sld [smem:$0x3FAA]  }
0x29: {  	s4 =	sld [smem:$0x3FAC]  }
0x2a: {  	p0 =	seq.s32 s5, $0x0;
	s5 =	sld [smem:$0x3FAD]  }
0x2b: {  	s6 =	sld [smem:$0x3FAE]  }
0x2c: {  	s7 =	sld [smem:$0x3FAF]  }
0x2d: {  	s3 =	simm.s32 $0x108;
	s8 =	sld [smem:$0x3FB0]  }
0x2e: {  	s3 =	simm.s32 @!p0 $0x1082;
	s9 =	sld [smem:$0x3FB1]  }
0x2f: {  	lr =	sadd.s32 s0, s3;
	s0 =	sld [smem:$0x3FA8]  }
0x30: {  	s3 =	sld [smem:$0x3FAB]  }
0x31: {  	[smem:$0x3FB4] =	sst s10  }
0x32: {  	s10 =	sld [smem:$0x3FB2];
	_ =	sdelay $0x3  }
0x33: {  	p0 =	seq.s32 s10, $0x1;
	s10 =	sld [smem:$0x3FB4];
	_ =	sdelay $0x3  }
0x34: {  	[smem:$0x3FB4] =	sst s10  }
0x35: {  	s10 =	sld [smem:$0x3FB3];
	_ =	sdelay $0x3  }
0x36: {  	p1 =	seq.s32 s10, $0x1;
	s10 =	sld [smem:$0x3FB4];
	_ =	sdelay $0x3  }
0x37: {  	[smem:$0x3FB4] =	sst s10  }
0x38: {  	s10 =	sld [smem:$0x3FB5]  }
0x39: {  	_ = 	snop;
	(pc) =	sbr.ind lr, $3  }
0x3a: {  	_ = 	snop  }
0x3b: {  	_ = 	snop  }
0x3c: {  	p2 =	seq.s32 s10, $0x1;
	s10 =	sld [smem:$0x3FB4]  }
0x3d: {  	_ =	shalt  }
0x3e: {  	_ =	shalt  }
0x3f: {  	_ =	shalt  }
0x40: {  	_ =	shalt  }
0x41: {  	_ =	shalt  }
0x42: {  	_ =	shalt  }
0x43: {  	_ =	shalt  }
0x44: {  	_ =	shalt  }
0x45: {  	_ =	shalt  }
0x46: {  	_ =	shalt  }
0x47: {  	_ =	shalt  }
0x48: {  	_ =	shalt  }
0x49: {  	_ =	shalt  }
0x4a: {  	_ =	shalt  }
0x4b: {  	_ =	shalt  }
0x4c: {  	_ =	shalt  }
0x4d: {  	_ =	shalt  }
0x4e: {  	_ =	shalt  }
0x4f: {  	_ =	shalt  }
0x50: {  	_ =	shalt  }
0x51: {  	_ =	shalt  }
0x52: {  	_ =	shalt  }
0x53: {  	_ =	shalt  }
0x54: {  	_ =	shalt  }
0x55: {  	_ =	shalt  }
0x56: {  	_ =	shalt  }
0x57: {  	_ =	shalt  }
0x58: {  	_ =	shalt  }
0x59: {  	_ =	shalt  }
0x5a: {  	_ =	shalt  }
0x5b: {  	_ =	shalt  }
0x5c: {  	_ =	shalt  }
0x5d: {  	_ =	shalt  }
0x5e: {  	_ =	shalt  }
0x5f: {  	_ =	shalt  }
0x60: {  	_ =	shalt  }
0x61: {  	_ =	shalt  }
0x62: {  	_ =	shalt  }
0x63: {  	_ =	shalt  }
0x64: {  	_ =	shalt  }
0x65: {  	_ =	shalt  }
0x66: {  	_ =	shalt  }
0x67: {  	_ =	shalt  }
0x68: {  	_ =	shalt  }
0x69: {  	_ =	shalt  }
0x6a: {  	_ =	shalt  }
0x6b: {  	_ =	shalt  }
0x6c: {  	_ =	shalt  }
0x6d: {  	_ =	shalt  }
0x6e: {  	_ =	shalt  }
0x6f: {  	_ =	shalt  }
0x70: {  	_ =	shalt  }
0x71: {  	_ =	shalt  }
0x72: {  	_ =	shalt  }
0x73: {  	_ =	shalt  }
0x74: {  	_ =	shalt  }
0x75: {  	_ =	shalt  }
0x76: {  	_ =	shalt  }
0x77: {  	_ =	shalt  }
0x78: {  	_ =	shalt  }
0x79: {  	_ =	shalt  }
0x7a: {  	_ =	shalt  }
0x7b: {  	_ =	shalt  }
0x7c: {  	_ =	shalt  }
0x7d: {  	_ =	shalt  }
0x7e: {  	_ =	shalt  }
0x7f: {  	_ =	shalt  }
0x80: {  	_ =	shalt  }
0x81: {  	_ =	shalt  }
0x82: {  	_ =	shalt  }
0x83: {  	_ =	shalt  }
0x84: {  	_ =	shalt  }
0x85: {  	_ =	shalt  }
0x86: {  	_ =	shalt  }
0x87: {  	_ =	shalt  }
.Lfunc_end0:
.L_simem_size_0:
called_computation_lowered:
.L_overlay_start_0:
0x88: {  	s2 =	sld [smem:$0x3FD9]  }
0x89: {  	s3 =	sld [smem:$0x3FFE];
	_ =	sdelay $0x1  }
0x8a: {  	s1 =	srdreg.scid  }
0x8b: {  	s0 =	sand.u32 $0x1, s1  }
0x8c: {  	s17 =	sshll.u32 s0, $0xA;
	s2 =	sadd.s32 s3, s2  }
0x8d: {  	s2 =	sadd.s32 s2, s17  }
0x8e: {  	[smem:$0x3FC0] =	sst s2  }
0x8f: {  	_ = 	snop  }
0x90: {  	s2 =	sld [smem:$0x3FD0];
	(tm) =	ssettm $0x1  }
0x91: {  	s18 =	sld [smem:$0x3FFB];
	_ =	sdelay $0x3  }
0x92: {  	_ =	strace s18  }
0x93: {  	s3 =	sld [smem:$0x3FFC];
	_ =	sdelay $0x3  }
0x94: {  	_ =	strace s3  }
0x95: {  	s3 =	sld [smem:$0x3FFD];
	_ =	sdelay $0x3  }
0x96: {  	_ =	strace s3  }
0x97: {  	_ =	strace $0x8FFFFFFF  }
0x98: {  	s19 =	sld [smem:$0x3FDB];
	_ =	sdelay $0x1  }
0x99: {  	s4 =	simm.s32 $_scs_section_size  }
0x9a: {  	s5 =	simm.s32 $_size__tile_overlayer_lowered;
	s6 =	simm.s32 $_tile_overlayer_lowered  }
0x9b: {  	s22 =	simm.s32 $0x1BFF;
	s21 =	sshll.u32 s6, $0x1;
	s3 =	sadd.s32 s4, s19  }
0x9c: {  	s7 =	simm.s32 $0x0;
	s20 =	sshll.u32 s5, $0x1;
	s5 =	sadd.s32 s21, s3  }
0x9d: {  	[timem:s7], [sflag:s22] =	dma.local [hbm:s5], s20  }
0x9e: {  	_ =	swait.ge [sflag:s22], s20  }
0x9f: {  	s4 =	ssub.s32 $0x0, s20;
	[sflag:s22] =	ssyncset.done $0x0  }
0xa0: {  	[sflag:s22] =	ssyncadd.s32 s4;
	_ =	sdelay $0x1  }
0xa1: {  	s23 =	simm.s32 $0x1B8B  }
0xa2: {  	_ =	swait.ge [sflag:s23], $0x1  }
0xa3: {  	[sflag:s23] =	ssyncset.done $0x0  }
0xa4: {  	s25 =	simm.s32 $0x1B8E;
	s24 =	sld [smem:$0x3FFE];
	[sflag:s23] =	ssyncadd.s32 $0xFFFFFFFF  }
0xa5: {  	s26 =	simm.s32 $execute0_lowered;
	[smem:$0x3FD2] =	sst s25  }
0xa6: {  	s5 =	sshll.u32 s26, $0x1;
	_ =	strace $0x80000046;
	[dreg:$0x1] =	wrdreg $0xFFFFFFFF  }
0xa7: {  	s28 =	simm.s32 $_size_execute0_lowered;
	s3 =	sadd.s32 s3, s5;
	[dreg:$0x0] =	wrdreg $0x0  }
0xa8: {  	s5 =	sshll.u32 s28, $0x1;
	[dreg:$0x2] =	wrdreg s3  }
0xa9: {  	[dreg:$0x3] =	wrdreg s5  }
0xaa: {  	[dreg:$0x4] =	wrdreg $0xC0  }
0xab: {  	_ =	task [dreg:s7], $0x5FFFF  }
0xac: {  	[dreg:$0x1] =	wrdreg $0xFFFFFFFF  }
0xad: {  	[dreg:$0x0] =	wrdreg $0x60  }
0xae: {  	[dreg:$0x2] =	wrdreg s24  }
0xaf: {  	[dreg:$0x3] =	wrdreg s2  }
0xb0: {  	[dreg:$0x4] =	wrdreg $0x2B000  }
0xb1: {  	[dreg:$0x5] =	wrdreg $0x9  }
0xb2: {  	_ =	task.clear_ibuf [dreg:s7], $0x6FFFF;
	_ =	strace $0x90000046  }
0xb3: {  	s29 =	simm.s32 $0x9;
	_ =	strace $0x80000048  }
0xb4: {  	_ =	swait.ge [sflag:s29], $0x1  }
0xb5: {  	[sflag:s29] =	ssyncadd.s32 $0xFFFFFFFF  }
0xb6: {  	_ =	strace $0x90000048  }
0xb7: {  	_ =	sfence  }
0xb8: {  	s30 =	sld [smem:$0x0];
	_ =	sdelay $0x2  }
0xb9: {  	s31 =	sshll.u32 s1, $0xD;
	s1 =	sshrl.u32 s1, $0x2  }
0xba: {  	s3 =	sand.u32 $0x4000, s31;
	s1 =	sadd.s32 s1, s30  }
0xbb: {  	s0 =	sor.u32 s3, s0;
	s1 =	sshll.u32 s1, $0x11  }
0xbc: {  	s0 =	sor.u32 s1, s0  }
0xbd: {  	s0 =	sadd.s32 $0x8F2B, s0  }
0xbe: {  	[sflag:s0] =	ssyncadd.remote.s32 $0x1  }
0xbf: {  	_ =	sfence.sel $0xFFFF  }
0xc0: {  	[dreg:$0x0] =	wrdreg $0xFFFFFFFF;
	(pc) =	sbr.abs _section_cstart, $3  }
0xc1: {  	[dreg:$0x1] =	wrdreg $0xFFFFFFFF  }
0xc2: {  	_ =	task.clear_ibuf [dreg:s7], $0x2FFFF;
	_ =	strace $0x9FFFFFFF  }
0xc3: {  	(tm) =	ssettm $0x7FFFFFFF  }
tec
execute0_lowered:
.L_overlay_start_1:
0x0: {  	(tag) =	ssettag $0x1  }
0x1: {  	s4 =	rddreg [dreg:$0x0]  }
0x2: {  	s6 =	rddreg [dreg:$0x1]  }
0x3: {  	s0 =	srdreg.scid;
	s2 =	rddreg [dreg:$0x2]  }
0x4: {  	s1 =	rddreg [dreg:$0x3];
	s3 =	simm.s32 $0x0;
	s13 =	simm.s32 $0x0  }
0x5: {  	s5 =	sand.u32 $0x1, s0;
	s0 =	stileid.u32;
	[smem:$0x7FF] =	sst s3  }
0x6: {  	s7 =	sshll.u32 s5, $0x4;
	s5 =	ssub.s32 $0x2, s5;
	s9 =	smul.u32 $0xA00, s0  }
0x7: {  	_ =	strace $0x80000047;
	s12 =	smul.u32 $0xA0, s0;
	s8 =	sor.u32 s0, s7  }
0x8: {  	s10 =	sshrl.u32 s5, $0x1;
	s11 =	sadd.s32 s6, s7;
	s7 =	simm.s32 $0x1  }
0x9: {  	s8 =	smul.u32 $0x500, s8;
	s30 =	ssub.s32 s5, s10;
	s31 =	sshrl.u32 s9, $0x2  }
0xa: {  	s9 =	simm.s32 $0x80;
	s10 =	simm.s32 $0x2800;
	s11 =	sadd.s32 s12, s11  }
0xb: {  	s12 =	simm.s32 $0x100;
	s5 =	sadd.s32 s31, s2;
	s4 =	sadd.s32 s8, s4  }
0xc: {  	v0 =	vimm.f32 $1.000000000e+00;
	v1 =	vimm.f32 $0.0e+00;
	s6 =	smax.u32 s30, $0x1;
	s8 =	simm.s32 $0x2880;
	s4 =	sadd.s32 $0x2A00, s4  }
.LBB2_1:
0xd: {  	[tilespmem:s3], [sflag:$0x1] =	stream.linear.gather [hbm4b:s4+s3], $0x2780, $0x38;
	[tilespmem:$0x2D80] =	vst v63  }
0xe: {  	_ =	swait.ge [sflag:s7], $0x2780  }
0xf: {  	[sflag:s7] =	ssyncset.done $0x0  }
0x10: {  	[sflag:s7] =	ssyncadd.s32 $0xFFFFD880  }
0x11: {  	[tilespmem:$0x2800] =	vst v0  }
0x12: {  	[tilespmem:$0x2810] =	vst v0  }
0x13: {  	[tilespmem:$0x2820] =	vst v0  }
0x14: {  	[tilespmem:$0x2830] =	vst v0  }
0x15: {  	[tilespmem:$0x2840] =	vst v0  }
0x16: {  	[tilespmem:$0x2850] =	vst v0  }
0x17: {  	[tilespmem:$0x2860] =	vst v0  }
0x18: {  	[tilespmem:$0x2870] =	vst v0  }
0x19: {  	[tilespmem:$0x2880] =	vst v1  }
0x1a: {  	[tilespmem:$0x2890] =	vst v1  }
0x1b: {  	[tilespmem:$0x28A0] =	vst v1  }
0x1c: {  	[tilespmem:$0x28B0] =	vst v1  }
0x1d: {  	[tilespmem:$0x28C0] =	vst v1  }
0x1e: {  	[tilespmem:$0x28D0] =	vst v1  }
0x1f: {  	[tilespmem:$0x28E0] =	vst v1  }
0x20: {  	[tilespmem:$0x28F0] =	vst v1  }
0x21: {  	[tilespmem:$0x2900] =	vst v1  }
0x22: {  	[tilespmem:$0x2910] =	vst v1  }
0x23: {  	[tilespmem:$0x2920] =	vst v1  }
0x24: {  	[tilespmem:$0x2930] =	vst v1  }
0x25: {  	[tilespmem:$0x2940] =	vst v1  }
0x26: {  	[tilespmem:$0x2950] =	vst v1  }
0x27: {  	[tilespmem:$0x2960] =	vst v1  }
0x28: {  	[tilespmem:$0x2970] =	vst v1  }
0x29: {  	[tilespmem:$0x2980] =	vst v1  }
0x2a: {  	[tilespmem:$0x2990] =	vst v1  }
0x2b: {  	[tilespmem:$0x29A0] =	vst v1  }
0x2c: {  	[tilespmem:$0x29B0] =	vst v1  }
0x2d: {  	[tilespmem:$0x29C0] =	vst v1  }
0x2e: {  	[tilespmem:$0x29D0] =	vst v1  }
0x2f: {  	[tilespmem:$0x29E0] =	vst v1  }
0x30: {  	[tilespmem:$0x29F0] =	vst v1  }
0x31: {  	[tilespmem:$0x2A00] =	vst v1  }
0x32: {  	[tilespmem:$0x2A10] =	vst v1  }
0x33: {  	[tilespmem:$0x2A20] =	vst v1  }
0x34: {  	[tilespmem:$0x2A30] =	vst v1  }
0x35: {  	[tilespmem:$0x2A40] =	vst v1  }
0x36: {  	[tilespmem:$0x2A50] =	vst v1  }
0x37: {  	[tilespmem:$0x2A60] =	vst v1  }
0x38: {  	[tilespmem:$0x2A70] =	vst v1  }
0x39: {  	[tilespmem:$0x2A80] =	vst v1  }
0x3a: {  	[tilespmem:$0x2A90] =	vst v1  }
0x3b: {  	[tilespmem:$0x2AA0] =	vst v1  }
0x3c: {  	[tilespmem:$0x2AB0] =	vst v1  }
0x3d: {  	[tilespmem:$0x2AC0] =	vst v1  }
0x3e: {  	[tilespmem:$0x2AD0] =	vst v1  }
0x3f: {  	[tilespmem:$0x2AE0] =	vst v1  }
0x40: {  	[tilespmem:$0x2AF0] =	vst v1  }
0x41: {  	[spmem:s5] =	stream.linear.scatter [tilespmem:s8], [sflag:$0x1], $0x280, $0x38;
	[tilespmem:$0x2D80] =	vst v63  }
0x42: {  	_ =	swait.ge [sflag:s7], $0x280  }
0x43: {  	[sflag:s7] =	ssyncset.done $0x0  }
0x44: {  	[sflag:s7] =	ssyncadd.s32 $0xFFFFFD80  }
0x45: {  	s14 =	simm.s32 $0x0;
	[bflag:$0x0] =	sbarrier.arrive $0xFFFF  }
0x46: {  	[spmem:s2] =	stream.indirect.scatter.add.f32 [tilespmem:s10], [sflag:$0x1], $0x1, s14, s9, $0xb8;
	[tilespmem:$0x2D80] =	vst v63  }
0x47: {  	_ =	swait.ge [sflag:s7], $0x80  }
0x48: {  	s14 =	simm.s32 $0x200;
	[sflag:s7] =	ssyncset.done $0x0  }
.LBB2_2:
0x49: {  	s15 =	sshra.s32 s14, $0x2;
	[sflag:s7] =	ssyncadd.s32 $0xFFFFFF80;
	p0 =	sne.s32 s14, $0x9C00  }
0x4a: {  	[spmem:s2] =	stream.indirect.scatter.add.f32 [tilespmem:s10], [sflag:$0x1], $0x1, s15, s9, $0xb8;
	[tilespmem:$0x2D80] =	vst v63  }
.Ltmp0:
0x4b: {  	_ = 	snop;
	(pc) =	sbr.rel @p0 .LBB2_2-.Ltmp0, $4  }
0x4c: {  	_ = 	snop  }
0x4d: {  	s14 =	sadd.s32 $0x200, s14  }
0x4e: {  	_ =	swait.ge [sflag:s7], $0x80  }
0x4f: {  	[sflag:s7] =	ssyncset.done $0x0  }
0x50: {  	[sflag:s7] =	ssyncadd.s32 $0xFFFFFF80  }
0x51: {  	[bflag:$0x0] =	sbarrier.arrive $0xFFFF  }
0x52: {  	[tilespmem:s8], [sflag:$0x1] =	stream.linear.gather [spmem:s5], $0x280, $0x38;
	[tilespmem:$0x2D80] =	vst v63  }
0x53: {  	s13 =	sadd.s32 $0x1, s13;
	_ =	swait.ge [sflag:s7], $0x280  }
0x54: {  	p0 =	sne.s32 s13, s6;
	[sflag:s7] =	ssyncset.done $0x0  }
.Ltmp1:
0x55: {  	[sflag:s7] =	ssyncadd.s32 $0xFFFFFD80;
	(pc) =	sbr.rel @p0 .LBB2_1-.Ltmp1, $4  }
0x56: {  	[hbm4b:s11+s9] =	stream.strided.scatter [tilespmem:s8], [sflag:$0x1], $0x280, s12, s9, $0x38;
	[tilespmem:$0x2D80] =	vst v63  }
0x57: {  	_ =	swait.ge [sflag:s7], $0x280  }
0x58: {  	[sflag:s7] =	ssyncset.done $0x0  }
0x59: {  	[sflag:s7] =	ssyncadd.s32 $0xFFFFFD80  }
0x5a: {  	_ =	sfence.sel $0x180000  }
0x5b: {  	[bflag:$0x0] =	sbarrier.arrive $0xFFFF  }
0x5c: {  	p0 =	sne.s32 s0, $0x0;
	_ =	strace $0x90000047  }
0x5d: {  	s0 =	sadd.s32 @!p0 $0x100000, s1;
	[bflag:$0x2] =	sbarrier.arrive $0xFFFF  }
0x5e: {  	[sflag:s0] =	ssyncadd.tile.s32 @!p0 $0x1;
	_ =	shalt  }
.Lfunc_end2:
_tile_overlayer_lowered:
.L_overlay_start_2:
0x5f: {  	(tag) =	ssettag $0x2  }
0x60: {  	s0 =	rddreg [dreg:$0x0];
	s2 =	stileid.u32  }
0x61: {  	s1 =	rddreg [dreg:$0x1];
	p0 =	sne.s32 s2, $0x0  }
0x62: {  	s3 =	rddreg [dreg:$0x2];
	[bflag:$0x3] =	sbarrier.arrive $0xFFFF;
	s2 =	simm.s32 @!p0 $0x1C01  }
0x63: {  	[timem:s3], [sflag:s2] =	dma.local @!p0 [hbm:s0], s1  }
0x64: {  	s0 =	simm.s32 @!p0 $0x1  }
0x65: {  	_ =	swait.ge @!p0 [sflag:s0], s1  }
0x66: {  	s1 =	ssub.s32 @!p0 $0x0, s1;
	[sflag:s0] =	ssyncset.done @!p0 $0x0  }
0x67: {  	[sflag:s0] =	ssyncadd.s32 @!p0 s1  }
0x68: {  	[bflag:$0x3] =	sbarrier.arrive $0xFFFF  }
0x69: {  	_ =	shalt  }

// kernel: kernel.13.cloned.1.call-start
scs
__scs_entry_jumppad:
0x0: {  	(pc) =	sbr.rel $0x88, $3  }
0x1: {  	(tag) =	ssettag $0x0;
	lr =	simm.s32 $0x1  }
0x2: {  	[smem:$0x3F99] =	sst lr;
	_ =	strace $0xD0000000  }
0x3: {  	_ = 	snop  }
0x4: {  	_ = 	snop  }
0x5: {  	_ = 	snop  }
0x6: {  	_ = 	snop  }
0x7: {  	_ = 	snop  }
__scs_overlays_trampoline_lowered:
0x8: {  	[smem:$0x3FA8] =	sst s0  }
0x9: {  	[smem:$0x3FA9] =	sst s1  }
0xa: {  	[smem:$0x3FAA] =	sst s2  }
0xb: {  	[smem:$0x3FAB] =	sst s3  }
0xc: {  	[smem:$0x3FAC] =	sst s4  }
0xd: {  	[smem:$0x3FAD] =	sst s5  }
0xe: {  	[smem:$0x3FAE] =	sst s6  }
0xf: {  	[smem:$0x3FAF] =	sst s7  }
0x10: {  	[smem:$0x3FB0] =	sst s8  }
0x11: {  	[smem:$0x3FB1] =	sst s9;
	s0 =	simm.s32 @!p0 $0x0  }
0x12: {  	s1 =	sld [smem:$0x3F97];
	s0 =	simm.s32 @p0 $0x1  }
0x13: {  	[smem:$0x3FB2] =	sst s0;
	s0 =	simm.s32 @!p1 $0x0  }
0x14: {  	s2 =	sld [smem:$0x3F96];
	s0 =	simm.s32 @p1 $0x1  }
0x15: {  	[smem:$0x3FB3] =	sst s0;
	s0 =	simm.s32 @!p2 $0x0  }
0x16: {  	s3 =	sld [smem:$0x3FDB];
	s0 =	simm.s32 @p2 $0x1  }
0x17: {  	s4 =	simm.s32 $0x1BF5;
	[smem:$0x3FB5] =	sst s0  }
0x18: {  	s0 =	sld [smem:$0x3F98];
	_ =	swait.ge [sflag:s4], $0x0  }
0x19: {  	s7 =	sld [smem:$0x3F99]  }
0x1a: {  	s8 =	sadd.s32 $0xFFFFE003, lr  }
0x1b: {  	s9 =	sadd.s32 $0xFFFFFEF7, lr;
	s5 =	simm.s32 $0xFFFFFFFF;
	p2 =	slt.u32 s8, $0xFFFFF086  }
0x1c: {  	p1 =	slt.u32 s9, $0xF7A;
	s5 =	simm.s32 @!p2 $0x0  }
0x1d: {  	s5 =	simm.s32 @p1 $0x1;
	p0 =	seq.s32 s7, s2  }
0x1e: {  	s7 =	smul.u32 @!p0 $0xF7A, s2;
	p2 =	seq.s32 @!p0 s5, $0x0  }
0x1f: {  	s9 =	smul.u32 $0xF7A, s1;
	s8 =	simm.s32 @!p0 $0x1BF5;
	p2 =	por !p2, p0  }
0x20: {  	[sflag:s8] =	ssyncset.s32 @!p0 $0xFFFFF086;
	s6 =	sadd.s32 @!p0 s3, s7;
	s7 =	simm.s32 @!p0 $0x108  }
0x21: {  	s3 =	sadd.s32 s3, s9;
	s6 =	sadd.s32 @!p0 $0x88, s6;
	s7 =	simm.s32 @p2 $0x1082  }
0x22: {  	[simem:s7], [sflag:s8] =	dma.local @!p0 [hbm:s6], $0xF7A  }
0x23: {  	s9 =	sor.u32 $0xD0000000, s2;
	s6 =	simm.s32 $0x108;
	_ =	swait.ge @!p0 [sflag:s8], $0x0  }
0x24: {  	s3 =	sadd.s32 $0x88, s3;
	s6 =	simm.s32 @!p1 $0x1082;
	[sflag:s4] =	ssyncset.s32 $0xFFFFF086  }
0x25: {  	[simem:s6], [sflag:s4] =	dma.local [hbm:s3], $0xF7A  }
0x26: {  	[smem:$0x3F99] =	sst s1;
	(tag) =	ssettag s2;
	_ =	strace s9  }
0x27: {  	s1 =	sld [smem:$0x3FA9]  }
0x28: {  	s2 =	sld [smem:$0x3FAA]  }
0x29: {  	s4 =	sld [smem:$0x3FAC]  }
0x2a: {  	p0 =	seq.s32 s5, $0x0;
	s5 =	sld [smem:$0x3FAD]  }
0x2b: {  	s6 =	sld [smem:$0x3FAE]  }
0x2c: {  	s7 =	sld [smem:$0x3FAF]  }
0x2d: {  	s3 =	simm.s32 $0x108;
	s8 =	sld [smem:$0x3FB0]  }
0x2e: {  	s3 =	simm.s32 @!p0 $0x1082;
	s9 =	sld [smem:$0x3FB1]  }
0x2f: {  	lr =	sadd.s32 s0, s3;
	s0 =	sld [smem:$0x3FA8]  }
0x30: {  	s3 =	sld [smem:$0x3FAB]  }
0x31: {  	[smem:$0x3FB4] =	sst s10  }
0x32: {  	s10 =	sld [smem:$0x3FB2];
	_ =	sdelay $0x3  }
0x33: {  	p0 =	seq.s32 s10, $0x1;
	s10 =	sld [smem:$0x3FB4];
	_ =	sdelay $0x3  }
0x34: {  	[smem:$0x3FB4] =	sst s10  }
0x35: {  	s10 =	sld [smem:$0x3FB3];
	_ =	sdelay $0x3  }
0x36: {  	p1 =	seq.s32 s10, $0x1;
	s10 =	sld [smem:$0x3FB4];
	_ =	sdelay $0x3  }
0x37: {  	[smem:$0x3FB4] =	sst s10  }
0x38: {  	s10 =	sld [smem:$0x3FB5]  }
0x39: {  	_ = 	snop;
	(pc) =	sbr.ind lr, $3  }
0x3a: {  	_ = 	snop  }
0x3b: {  	_ = 	snop  }
0x3c: {  	p2 =	seq.s32 s10, $0x1;
	s10 =	sld [smem:$0x3FB4]  }
0x3d: {  	_ =	shalt  }
0x3e: {  	_ =	shalt  }
0x3f: {  	_ =	shalt  }
0x40: {  	_ =	shalt  }
0x41: {  	_ =	shalt  }
0x42: {  	_ =	shalt  }
0x43: {  	_ =	shalt  }
0x44: {  	_ =	shalt  }
0x45: {  	_ =	shalt  }
0x46: {  	_ =	shalt  }
0x47: {  	_ =	shalt  }
0x48: {  	_ =	shalt  }
0x49: {  	_ =	shalt  }
0x4a: {  	_ =	shalt  }
0x4b: {  	_ =	shalt  }
0x4c: {  	_ =	shalt  }
0x4d: {  	_ =	shalt  }
0x4e: {  	_ =	shalt  }
0x4f: {  	_ =	shalt  }
0x50: {  	_ =	shalt  }
0x51: {  	_ =	shalt  }
0x52: {  	_ =	shalt  }
0x53: {  	_ =	shalt  }
0x54: {  	_ =	shalt  }
0x55: {  	_ =	shalt  }
0x56: {  	_ =	shalt  }
0x57: {  	_ =	shalt  }
0x58: {  	_ =	shalt  }
0x59: {  	_ =	shalt  }
0x5a: {  	_ =	shalt  }
0x5b: {  	_ =	shalt  }
0x5c: {  	_ =	shalt  }
0x5d: {  	_ =	shalt  }
0x5e: {  	_ =	shalt  }
0x5f: {  	_ =	shalt  }
0x60: {  	_ =	shalt  }
0x61: {  	_ =	shalt  }
0x62: {  	_ =	shalt  }
0x63: {  	_ =	shalt  }
0x64: {  	_ =	shalt  }
0x65: {  	_ =	shalt  }
0x66: {  	_ =	shalt  }
0x67: {  	_ =	shalt  }
0x68: {  	_ =	shalt  }
0x69: {  	_ =	shalt  }
0x6a: {  	_ =	shalt  }
0x6b: {  	_ =	shalt  }
0x6c: {  	_ =	shalt  }
0x6d: {  	_ =	shalt  }
0x6e: {  	_ =	shalt  }
0x6f: {  	_ =	shalt  }
0x70: {  	_ =	shalt  }
0x71: {  	_ =	shalt  }
0x72: {  	_ =	shalt  }
0x73: {  	_ =	shalt  }
0x74: {  	_ =	shalt  }
0x75: {  	_ =	shalt  }
0x76: {  	_ =	shalt  }
0x77: {  	_ =	shalt  }
0x78: {  	_ =	shalt  }
0x79: {  	_ =	shalt  }
0x7a: {  	_ =	shalt  }
0x7b: {  	_ =	shalt  }
0x7c: {  	_ =	shalt  }
0x7d: {  	_ =	shalt  }
0x7e: {  	_ =	shalt  }
0x7f: {  	_ =	shalt  }
0x80: {  	_ =	shalt  }
0x81: {  	_ =	shalt  }
0x82: {  	_ =	shalt  }
0x83: {  	_ =	shalt  }
0x84: {  	_ =	shalt  }
0x85: {  	_ =	shalt  }
0x86: {  	_ =	shalt  }
0x87: {  	_ =	shalt  }
.Lfunc_end0:
.L_simem_size_0:
called_computation.1_lowered:
.L_overlay_start_0:
0x88: {  	s2 =	sld [smem:$0x3FD9]  }
0x89: {  	s3 =	sld [smem:$0x3FFE];
	_ =	sdelay $0x1  }
0x8a: {  	s1 =	srdreg.scid  }
0x8b: {  	s0 =	sand.u32 $0x1, s1  }
0x8c: {  	s17 =	sshll.u32 s0, $0xA;
	s2 =	sadd.s32 s3, s2  }
0x8d: {  	s2 =	sadd.s32 s2, s17  }
0x8e: {  	[smem:$0x3FC0] =	sst s2  }
0x8f: {  	_ = 	snop  }
0x90: {  	s2 =	sld [smem:$0x3FD0];
	(tm) =	ssettm $0x1  }
0x91: {  	s18 =	sld [smem:$0x3FFB];
	_ =	sdelay $0x3  }
0x92: {  	_ =	strace s18  }
0x93: {  	s3 =	sld [smem:$0x3FFC];
	_ =	sdelay $0x3  }
0x94: {  	_ =	strace s3  }
0x95: {  	s3 =	sld [smem:$0x3FFD];
	_ =	sdelay $0x3  }
0x96: {  	_ =	strace s3  }
0x97: {  	_ =	strace $0x8FFFFFFF  }
0x98: {  	s19 =	sld [smem:$0x3FDB];
	_ =	sdelay $0x1  }
0x99: {  	s4 =	simm.s32 $_scs_section_size  }
0x9a: {  	s5 =	simm.s32 $_size__tile_overlayer_lowered;
	s6 =	simm.s32 $_tile_overlayer_lowered  }
0x9b: {  	s22 =	simm.s32 $0x1BFF;
	s21 =	sshll.u32 s6, $0x1;
	s3 =	sadd.s32 s4, s19  }
0x9c: {  	s7 =	simm.s32 $0x0;
	s20 =	sshll.u32 s5, $0x1;
	s5 =	sadd.s32 s21, s3  }
0x9d: {  	[timem:s7], [sflag:s22] =	dma.local [hbm:s5], s20  }
0x9e: {  	_ =	swait.ge [sflag:s22], s20  }
0x9f: {  	s4 =	ssub.s32 $0x0, s20;
	[sflag:s22] =	ssyncset.done $0x0  }
0xa0: {  	[sflag:s22] =	ssyncadd.s32 s4;
	_ =	sdelay $0x1  }
0xa1: {  	s23 =	simm.s32 $0x1B8B  }
0xa2: {  	_ =	swait.ge [sflag:s23], $0x1  }
0xa3: {  	[sflag:s23] =	ssyncset.done $0x0  }
0xa4: {  	s25 =	simm.s32 $0x1B8E;
	s24 =	sld [smem:$0x3FFE];
	[sflag:s23] =	ssyncadd.s32 $0xFFFFFFFF  }
0xa5: {  	s26 =	simm.s32 $execute0_lowered;
	[smem:$0x3FD2] =	sst s25  }
0xa6: {  	s5 =	sshll.u32 s26, $0x1;
	_ =	strace $0x80000049;
	[dreg:$0x1] =	wrdreg $0xFFFFFFFF  }
0xa7: {  	s28 =	simm.s32 $_size_execute0_lowered;
	s3 =	sadd.s32 s3, s5;
	[dreg:$0x0] =	wrdreg $0x0  }
0xa8: {  	s5 =	sshll.u32 s28, $0x1;
	[dreg:$0x2] =	wrdreg s3  }
0xa9: {  	[dreg:$0x3] =	wrdreg s5  }
0xaa: {  	[dreg:$0x4] =	wrdreg $0xC0  }
0xab: {  	_ =	task [dreg:s7], $0x5FFFF  }
0xac: {  	[dreg:$0x1] =	wrdreg $0xFFFFFFFF  }
0xad: {  	[dreg:$0x0] =	wrdreg $0x60  }
0xae: {  	[dreg:$0x2] =	wrdreg s2  }
0xaf: {  	[dreg:$0x3] =	wrdreg s24  }
0xb0: {  	[dreg:$0x4] =	wrdreg $0x90000  }
0xb1: {  	[dreg:$0x5] =	wrdreg $0x9  }
0xb2: {  	_ =	task.clear_ibuf [dreg:s7], $0x6FFFF;
	_ =	strace $0x90000049  }
0xb3: {  	s29 =	simm.s32 $0x9;
	_ =	strace $0x8000004B  }
0xb4: {  	_ =	swait.ge [sflag:s29], $0x1  }
0xb5: {  	[sflag:s29] =	ssyncadd.s32 $0xFFFFFFFF  }
0xb6: {  	_ =	strace $0x9000004B  }
0xb7: {  	_ =	sfence  }
0xb8: {  	s30 =	sld [smem:$0x0];
	_ =	sdelay $0x2  }
0xb9: {  	s31 =	sshll.u32 s1, $0xD;
	s1 =	sshrl.u32 s1, $0x2  }
0xba: {  	s3 =	sand.u32 $0x4000, s31;
	s1 =	sadd.s32 s1, s30  }
0xbb: {  	s0 =	sor.u32 s3, s0;
	s1 =	sshll.u32 s1, $0x11  }
0xbc: {  	s0 =	sor.u32 s1, s0  }
0xbd: {  	s0 =	sadd.s32 $0x8F2B, s0  }
0xbe: {  	[sflag:s0] =	ssyncadd.remote.s32 $0x1  }
0xbf: {  	_ =	sfence.sel $0xFFFF  }
0xc0: {  	[dreg:$0x0] =	wrdreg $0xFFFFFFFF;
	(pc) =	sbr.abs _section_cstart, $3  }
0xc1: {  	[dreg:$0x1] =	wrdreg $0xFFFFFFFF  }
0xc2: {  	_ =	task.clear_ibuf [dreg:s7], $0x2FFFF;
	_ =	strace $0x9FFFFFFF  }
0xc3: {  	(tm) =	ssettm $0x7FFFFFFF  }
tec
execute0_lowered:
.L_overlay_start_1:
0x0: {  	(tag) =	ssettag $0x1  }
0x1: {  	s1 =	rddreg [dreg:$0x0]  }
0x2: {  	s6 =	rddreg [dreg:$0x1]  }
0x3: {  	s0 =	srdreg.scid;
	s3 =	rddreg [dreg:$0x2]  }
0x4: {  	s4 =	simm.s32 $0x0;
	s19 =	simm.s32 $0x2800;
	s5 =	sand.u32 $0x1, s0  }
0x5: {  	s28 =	simm.s32 $0x0;
	s0 =	stileid.u32;
	s8 =	smul.u32 $0x28000, s5  }
0x6: {  	[smem:$0x7FF] =	sst s4;
	s2 =	sshll.u32 s5, $0x4;
	s9 =	smul.u32 $0x50000, s0  }
0x7: {  	_ =	strace $0x8000004A;
	s5 =	ssub.s32 $0x2, s5;
	s15 =	smul.u32 $0x280, s0  }
0x8: {  	s20 =	smul.u32 $0x2800, s0;
	s2 =	sor.u32 s0, s2;
	s26 =	sshrl.u32 s5, $0x1  }
0x9: {  	s7 =	smul.u32 $0x500, s2;
	s8 =	sadd.s32 s8, s6;
	s9 =	sshrl.u32 s9, $0x2  }
0xa: {  	s10 =	ssub.s32 s5, s26;
	s14 =	sadd.s32 $0x80, s15;
	s16 =	sadd.s32 $0x100, s15  }
0xb: {  	s17 =	sadd.s32 $0x180, s15;
	s18 =	sadd.s32 $0x200, s15;
	s26 =	simm.s32 $0x1  }
0xc: {  	s5 =	sadd.s32 s9, s3;
	s24 =	sadd.s32 $0x16A00, s8;
	s8 =	smax.u32 s10, $0x1  }
0xd: {  	s13 =	sshll.u32 s14, $0x7;
	s21 =	sshll.u32 s14, $0x4;
	s29 =	sshll.u32 s16, $0x7  }
0xe: {  	s22 =	sshll.u32 s16, $0x4;
	s30 =	sshll.u32 s17, $0x7;
	s31 =	sshll.u32 s18, $0x7  }
0xf: {  	s23 =	sshll.u32 s17, $0x4;
	s25 =	sshll.u32 s18, $0x4;
	s17 =	simm.s32 $0x5000  }
0x10: {  	s18 =	simm.s32 $0x2;
	s7 =	sadd.s32 s7, s6;
	s9 =	sadd.s32 $0x4000, s5  }
0x11: {  	s10 =	sadd.s32 $0x8000, s5;
	s11 =	sadd.s32 $0xC000, s5;
	s12 =	sadd.s32 $0x10000, s5  }
0x12: {  	s13 =	sadd.s32 s13, s3;
	s14 =	sadd.s32 s29, s3;
	s15 =	sadd.s32 s30, s3  }
0x13: {  	s16 =	sadd.s32 s31, s3;
	s20 =	sadd.s32 s20, s24;
	s21 =	sadd.s32 s21, s24  }
0x14: {  	s22 =	sadd.s32 s22, s24;
	s23 =	sadd.s32 s23, s24;
	s24 =	sadd.s32 s25, s24  }
0x15: {  	v0 =	vimm.f32 $0.0e+00;
	s25 =	simm.s32 $0x80;
	s6 =	sadd.s32 $0xCA00, s7;
	s7 =	sadd.s32 $0x2A00, s7  }
.LBB2_1:
0x16: {  	s29 =	simm.s32 $0x0;
	s30 =	simm.s32 $0x200  }
.LBB2_2:
0x17: {  	p0 =	sne.s32 s30, $0xFE00;
	[tilespmem:s29+$0x5070] =	vst v0  }
0x18: {  	[tilespmem:s29+$0x5000] =	vst v0  }
0x19: {  	[tilespmem:s29+$0x5010] =	vst v0  }
.Ltmp0:
0x1a: {  	[tilespmem:s29+$0x5020] =	vst v0;
	(pc) =	sbr.rel @p0 .LBB2_2-.Ltmp0, $4  }
0x1b: {  	[tilespmem:s29+$0x5030] =	vst v0  }
0x1c: {  	[tilespmem:s29+$0x5040] =	vst v0  }
0x1d: {  	[tilespmem:s29+$0x5050] =	vst v0  }
0x1e: {  	[tilespmem:s29+$0x5060] =	vst v0;
	s29 =	sshra.s32 s30, $0x2;
	s30 =	sadd.s32 $0x200, s30  }
0x1f: {  	[tilespmem:s29+$0x5070] =	vst v0  }
0x20: {  	[tilespmem:s29+$0x5000] =	vst v0  }
0x21: {  	[tilespmem:s29+$0x5010] =	vst v0  }
0x22: {  	[tilespmem:s29+$0x5020] =	vst v0  }
0x23: {  	[tilespmem:s29+$0x5030] =	vst v0  }
0x24: {  	[tilespmem:s29+$0x5040] =	vst v0  }
0x25: {  	[tilespmem:s29+$0x5050] =	vst v0  }
0x26: {  	[tilespmem:s29+$0x5060] =	vst v0  }
0x27: {  	[spmem:s5] =	stream.linear.scatter [tilespmem:s17], [sflag:$0x2], $0x4000, $0x38;
	[tilespmem:$0x1D000] =	vst v63  }
0x28: {  	_ =	swait.ge [sflag:s18], $0x4000  }
0x29: {  	[sflag:s18] =	ssyncset.done $0x0  }
0x2a: {  	[sflag:s18] =	ssyncadd.s32 $0xFFFFC000  }
0x2b: {  	[spmem:s9] =	stream.linear.scatter [tilespmem:s17], [sflag:$0x2], $0x4000, $0x38;
	[tilespmem:$0x1D000] =	vst v63  }
0x2c: {  	_ =	swait.ge [sflag:s18], $0x4000  }
0x2d: {  	[sflag:s18] =	ssyncset.done $0x0  }
0x2e: {  	[sflag:s18] =	ssyncadd.s32 $0xFFFFC000  }
0x2f: {  	[spmem:s10] =	stream.linear.scatter [tilespmem:s17], [sflag:$0x2], $0x4000, $0x38;
	[tilespmem:$0x1D000] =	vst v63  }
0x30: {  	_ =	swait.ge [sflag:s18], $0x4000  }
0x31: {  	[sflag:s18] =	ssyncset.done $0x0  }
0x32: {  	[sflag:s18] =	ssyncadd.s32 $0xFFFFC000  }
0x33: {  	[spmem:s11] =	stream.linear.scatter [tilespmem:s17], [sflag:$0x2], $0x4000, $0x38;
	[tilespmem:$0x1D000] =	vst v63  }
0x34: {  	_ =	swait.ge [sflag:s18], $0x4000  }
0x35: {  	[sflag:s18] =	ssyncset.done $0x0  }
0x36: {  	[sflag:s18] =	ssyncadd.s32 $0xFFFFC000  }
0x37: {  	[spmem:s12] =	stream.linear.scatter [tilespmem:s17], [sflag:$0x2], $0x4000, $0x38;
	[tilespmem:$0x1D000] =	vst v63  }
0x38: {  	_ =	swait.ge [sflag:s18], $0x4000  }
0x39: {  	[sflag:s18] =	ssyncset.done $0x0  }
0x3a: {  	[sflag:s18] =	ssyncadd.s32 $0xFFFFC000  }
0x3b: {  	s29 =	simm.s32 $0x0;
	[bflag:$0x0] =	sbarrier.arrive $0xFFFF  }
0x3c: {  	[tilespmem:s29], [sflag:$0x2] =	stream.linear.gather [hbm4b:s6+s29], $0x2780, $0x38;
	[tilespmem:$0x1D000] =	vst v63  }
0x3d: {  	_ =	swait.ge [sflag:s18], $0x2780  }
0x3e: {  	[sflag:s18] =	ssyncset.done $0x0  }
0x3f: {  	[sflag:s18] =	ssyncadd.s32 $0xFFFFD880  }
0x40: {  	[tilespmem:s19], [sflag:$0x2] =	stream.linear.gather [hbm4b:s7+s29], $0x2780, $0x38;
	[tilespmem:$0x1D000] =	vst v63  }
0x41: {  	_ =	swait.ge [sflag:s18], $0x2780  }
0x42: {  	[sflag:s18] =	ssyncset.done $0x0  }
0x43: {  	s29 =	simm.s32 $0x0;
	[sflag:s18] =	ssyncadd.s32 $0xFFFFD880  }
0x44: {  	[tilespmem:s17], [sflag:$0x1] =	stream.indirect.gather [hbm4b:s1+s25], $0x80, s29, s25, $0xb8;
	[tilespmem:$0x1D000] =	vst v63  }
0x45: {  	_ =	swait.ge [sflag:s26], $0x4000  }
0x46: {  	[sflag:s26] =	ssyncset.done $0x0  }
0x47: {  	s29 =	simm.s32 $0x2800;
	[sflag:s26] =	ssyncadd.s32 $0xFFFFC000  }
0x48: {  	[spmem:s3] =	stream.indirect.scatter.add.f32 [tilespmem:s17], [sflag:$0x2], $0x80, s29, s25, $0xb8;
	[tilespmem:$0x1D000] =	vst v63  }
0x49: {  	_ =	swait.ge [sflag:s18], $0x4000  }
0x4a: {  	s30 =	simm.s32 $0x400;
	s29 =	simm.s32 $0x200;
	[sflag:s18] =	ssyncset.done $0x0  }
.LBB2_4:
0x4b: {  	s31 =	sshra.s32 s29, $0x2  }
0x4c: {  	[sflag:s18] =	ssyncadd.s32 $0xFFFFC000;
	s29 =	smov.u32 s30;
	s2 =	sadd.s32 $0x200, s30  }
0x4d: {  	[tilespmem:s17], [sflag:$0x1] =	stream.indirect.gather [hbm4b:s1+s25], $0x80, s31, s25, $0xb8;
	[tilespmem:$0x1D000] =	vst v63  }
0x4e: {  	p0 =	sne.s32 s30, $0x9C00;
	_ =	swait.ge [sflag:s26], $0x4000  }
.Ltmp1:
0x4f: {  	[sflag:s26] =	ssyncset.done $0x0;
	(pc) =	sbr.rel @p0 .LBB2_4-.Ltmp1, $4  }
0x50: {  	s30 =	sadd.s32 $0x2800, s31;
	[sflag:s26] =	ssyncadd.s32 $0xFFFFC000  }
0x51: {  	[spmem:s3] =	stream.indirect.scatter.add.f32 [tilespmem:s17], [sflag:$0x2], $0x80, s30, s25, $0xb8;
	[tilespmem:$0x1D000] =	vst v63  }
0x52: {  	_ =	swait.ge [sflag:s18], $0x4000  }
0x53: {  	s30 =	smov.u32 s2;
	[sflag:s18] =	ssyncset.done $0x0  }
0x54: {  	s2 =	sshra.s32 s29, $0x2;
	[sflag:s18] =	ssyncadd.s32 $0xFFFFC000  }
0x55: {  	[tilespmem:s17], [sflag:$0x1] =	stream.indirect.gather [hbm4b:s1+s25], $0x80, s2, s25, $0xb8;
	[tilespmem:$0x1D000] =	vst v63  }
0x56: {  	_ =	swait.ge [sflag:s26], $0x4000  }
0x57: {  	[sflag:s26] =	ssyncset.done $0x0  }
0x58: {  	s2 =	sadd.s32 $0x2800, s2;
	[sflag:s26] =	ssyncadd.s32 $0xFFFFC000  }
0x59: {  	[spmem:s3] =	stream.indirect.scatter.add.f32 [tilespmem:s17], [sflag:$0x2], $0x80, s2, s25, $0xb8;
	[tilespmem:$0x1D000] =	vst v63  }
0x5a: {  	_ =	swait.ge [sflag:s18], $0x4000  }
0x5b: {  	[sflag:s18] =	ssyncset.done $0x0  }
0x5c: {  	[sflag:s18] =	ssyncadd.s32 $0xFFFFC000  }
0x5d: {  	[bflag:$0x0] =	sbarrier.arrive $0xFFFF  }
0x5e: {  	[tilespmem:s17], [sflag:$0x2] =	stream.linear.gather [spmem:s5], $0x4000, $0x38;
	[tilespmem:$0x1D000] =	vst v63  }
0x5f: {  	_ =	swait.ge [sflag:s18], $0x4000  }
0x60: {  	[sflag:s18] =	ssyncset.done $0x0  }
0x61: {  	[sflag:s18] =	ssyncadd.s32 $0xFFFFC000  }
0x62: {  	[hbm4b:s20+s4] =	stream.linear.scatter [tilespmem:s17], [sflag:$0x2], $0x4000, $0x38;
	[tilespmem:$0x1D000] =	vst v63  }
0x63: {  	_ =	swait.ge [sflag:s18], $0x4000  }
0x64: {  	[sflag:s18] =	ssyncset.done $0x0  }
0x65: {  	[sflag:s18] =	ssyncadd.s32 $0xFFFFC000  }
0x66: {  	[tilespmem:s17], [sflag:$0x2] =	stream.linear.gather [spmem:s13], $0x4000, $0x38;
	[tilespmem:$0x1D000] =	vst v63  }
0x67: {  	_ =	swait.ge [sflag:s18], $0x4000  }
0x68: {  	[sflag:s18] =	ssyncset.done $0x0  }
0x69: {  	[sflag:s18] =	ssyncadd.s32 $0xFFFFC000  }
0x6a: {  	[hbm4b:s21+s4] =	stream.linear.scatter [tilespmem:s17], [sflag:$0x2], $0x4000, $0x38;
	[tilespmem:$0x1D000] =	vst v63  }
0x6b: {  	_ =	swait.ge [sflag:s18], $0x4000  }
0x6c: {  	[sflag:s18] =	ssyncset.done $0x0  }
0x6d: {  	[sflag:s18] =	ssyncadd.s32 $0xFFFFC000  }
0x6e: {  	[tilespmem:s17], [sflag:$0x2] =	stream.linear.gather [spmem:s14], $0x4000, $0x38;
	[tilespmem:$0x1D000] =	vst v63  }
0x6f: {  	_ =	swait.ge [sflag:s18], $0x4000  }
0x70: {  	[sflag:s18] =	ssyncset.done $0x0  }
0x71: {  	[sflag:s18] =	ssyncadd.s32 $0xFFFFC000  }
0x72: {  	[hbm4b:s22+s4] =	stream.linear.scatter [tilespmem:s17], [sflag:$0x2], $0x4000, $0x38;
	[tilespmem:$0x1D000] =	vst v63  }
0x73: {  	_ =	swait.ge [sflag:s18], $0x4000  }
0x74: {  	[sflag:s18] =	ssyncset.done $0x0  }
0x75: {  	[sflag:s18] =	ssyncadd.s32 $0xFFFFC000  }
0x76: {  	[tilespmem:s17], [sflag:$0x2] =	stream.linear.gather [spmem:s15], $0x4000, $0x38;
	[tilespmem:$0x1D000] =	vst v63  }
0x77: {  	_ =	swait.ge [sflag:s18], $0x4000  }
0x78: {  	[sflag:s18] =	ssyncset.done $0x0  }
0x79: {  	[sflag:s18] =	ssyncadd.s32 $0xFFFFC000  }
0x7a: {  	[hbm4b:s23+s4] =	stream.linear.scatter [tilespmem:s17], [sflag:$0x2], $0x4000, $0x38;
	[tilespmem:$0x1D000] =	vst v63  }
0x7b: {  	_ =	swait.ge [sflag:s18], $0x4000  }
0x7c: {  	[sflag:s18] =	ssyncset.done $0x0  }
0x7d: {  	[sflag:s18] =	ssyncadd.s32 $0xFFFFC000  }
0x7e: {  	[tilespmem:s17], [sflag:$0x2] =	stream.linear.gather [spmem:s16], $0x4000, $0x38;
	[tilespmem:$0x1D000] =	vst v63  }
0x7f: {  	s28 =	sadd.s32 $0x1, s28;
	_ =	swait.ge [sflag:s18], $0x4000  }
0x80: {  	p0 =	sne.s32 s28, s8;
	[sflag:s18] =	ssyncset.done $0x0  }
.Ltmp2:
0x81: {  	[sflag:s18] =	ssyncadd.s32 $0xFFFFC000;
	(pc) =	sbr.rel @p0 .LBB2_1-.Ltmp2, $4  }
0x82: {  	[hbm4b:s24+s4] =	stream.linear.scatter [tilespmem:s17], [sflag:$0x2], $0x4000, $0x38;
	[tilespmem:$0x1D000] =	vst v63  }
0x83: {  	_ =	swait.ge [sflag:s18], $0x4000  }
0x84: {  	[sflag:s18] =	ssyncset.done $0x0  }
0x85: {  	[sflag:s18] =	ssyncadd.s32 $0xFFFFC000  }
0x86: {  	_ =	sfence.sel $0x180000  }
0x87: {  	[bflag:$0x0] =	sbarrier.arrive $0xFFFF  }
0x88: {  	_ =	strace $0x9000004A  }
0x89: {  	[bflag:$0x2] =	sbarrier.arrive $0xFFFF  }
0x8a: {  	p0 =	sne.s32 s0, $0x0;
	s0 =	rddreg [dreg:$0x3]  }
0x8b: {  	s0 =	sadd.s32 @!p0 $0x100000, s0  }
0x8c: {  	[sflag:s0] =	ssyncadd.tile.s32 @!p0 $0x1;
	_ =	shalt  }
.Lfunc_end2:
_tile_overlayer_lowered:
.L_overlay_start_2:
0x8d: {  	(tag) =	ssettag $0x2  }
0x8e: {  	s0 =	rddreg [dreg:$0x0];
	s2 =	stileid.u32  }
0x8f: {  	s1 =	rddreg [dreg:$0x1];
	p0 =	sne.s32 s2, $0x0  }
0x90: {  	s3 =	rddreg [dreg:$0x2];
	[bflag:$0x3] =	sbarrier.arrive $0xFFFF;
	s2 =	simm.s32 @!p0 $0x1C02  }
0x91: {  	[timem:s3], [sflag:s2] =	dma.local @!p0 [hbm:s0], s1  }
0x92: {  	s0 =	simm.s32 @!p0 $0x2  }
0x93: {  	_ =	swait.ge @!p0 [sflag:s0], s1  }
0x94: {  	s1 =	ssub.s32 @!p0 $0x0, s1;
	[sflag:s0] =	ssyncset.done @!p0 $0x0  }
0x95: {  	[sflag:s0] =	ssyncadd.s32 @!p0 s1  }
0x96: {  	[bflag:$0x3] =	sbarrier.arrive $0xFFFF  }
0x97: {  	_ =	shalt  }

// kernel: kernel.16.cloned.1.call-start
scs
__scs_entry_jumppad:
0x0: {  	(pc) =	sbr.rel $0x88, $3  }
0x1: {  	(tag) =	ssettag $0x0;
	lr =	simm.s32 $0x1  }
0x2: {  	[smem:$0x3F99] =	sst lr;
	_ =	strace $0xD0000000  }
0x3: {  	_ = 	snop  }
0x4: {  	_ = 	snop  }
0x5: {  	_ = 	snop  }
0x6: {  	_ = 	snop  }
0x7: {  	_ = 	snop  }
__scs_overlays_trampoline_lowered:
0x8: {  	[smem:$0x3FA8] =	sst s0  }
0x9: {  	[smem:$0x3FA9] =	sst s1  }
0xa: {  	[smem:$0x3FAA] =	sst s2  }
0xb: {  	[smem:$0x3FAB] =	sst s3  }
0xc: {  	[smem:$0x3FAC] =	sst s4  }
0xd: {  	[smem:$0x3FAD] =	sst s5  }
0xe: {  	[smem:$0x3FAE] =	sst s6  }
0xf: {  	[smem:$0x3FAF] =	sst s7  }
0x10: {  	[smem:$0x3FB0] =	sst s8  }
0x11: {  	[smem:$0x3FB1] =	sst s9;
	s0 =	simm.s32 @!p0 $0x0  }
0x12: {  	s1 =	sld [smem:$0x3F97];
	s0 =	simm.s32 @p0 $0x1  }
0x13: {  	[smem:$0x3FB2] =	sst s0;
	s0 =	simm.s32 @!p1 $0x0  }
0x14: {  	s2 =	sld [smem:$0x3F96];
	s0 =	simm.s32 @p1 $0x1  }
0x15: {  	[smem:$0x3FB3] =	sst s0;
	s0 =	simm.s32 @!p2 $0x0  }
0x16: {  	s3 =	sld [smem:$0x3FDB];
	s0 =	simm.s32 @p2 $0x1  }
0x17: {  	s4 =	simm.s32 $0x1BF5;
	[smem:$0x3FB5] =	sst s0  }
0x18: {  	s0 =	sld [smem:$0x3F98];
	_ =	swait.ge [sflag:s4], $0x0  }
0x19: {  	s7 =	sld [smem:$0x3F99]  }
0x1a: {  	s8 =	sadd.s32 $0xFFFFE003, lr  }
0x1b: {  	s9 =	sadd.s32 $0xFFFFFEF7, lr;
	s5 =	simm.s32 $0xFFFFFFFF;
	p2 =	slt.u32 s8, $0xFFFFF086  }
0x1c: {  	p1 =	slt.u32 s9, $0xF7A;
	s5 =	simm.s32 @!p2 $0x0  }
0x1d: {  	s5 =	simm.s32 @p1 $0x1;
	p0 =	seq.s32 s7, s2  }
0x1e: {  	s7 =	smul.u32 @!p0 $0xF7A, s2;
	p2 =	seq.s32 @!p0 s5, $0x0  }
0x1f: {  	s9 =	smul.u32 $0xF7A, s1;
	s8 =	simm.s32 @!p0 $0x1BF5;
	p2 =	por !p2, p0  }
0x20: {  	[sflag:s8] =	ssyncset.s32 @!p0 $0xFFFFF086;
	s6 =	sadd.s32 @!p0 s3, s7;
	s7 =	simm.s32 @!p0 $0x108  }
0x21: {  	s3 =	sadd.s32 s3, s9;
	s6 =	sadd.s32 @!p0 $0x88, s6;
	s7 =	simm.s32 @p2 $0x1082  }
0x22: {  	[simem:s7], [sflag:s8] =	dma.local @!p0 [hbm:s6], $0xF7A  }
0x23: {  	s9 =	sor.u32 $0xD0000000, s2;
	s6 =	simm.s32 $0x108;
	_ =	swait.ge @!p0 [sflag:s8], $0x0  }
0x24: {  	s3 =	sadd.s32 $0x88, s3;
	s6 =	simm.s32 @!p1 $0x1082;
	[sflag:s4] =	ssyncset.s32 $0xFFFFF086  }
0x25: {  	[simem:s6], [sflag:s4] =	dma.local [hbm:s3], $0xF7A  }
0x26: {  	[smem:$0x3F99] =	sst s1;
	(tag) =	ssettag s2;
	_ =	strace s9  }
0x27: {  	s1 =	sld [smem:$0x3FA9]  }
0x28: {  	s2 =	sld [smem:$0x3FAA]  }
0x29: {  	s4 =	sld [smem:$0x3FAC]  }
0x2a: {  	p0 =	seq.s32 s5, $0x0;
	s5 =	sld [smem:$0x3FAD]  }
0x2b: {  	s6 =	sld [smem:$0x3FAE]  }
0x2c: {  	s7 =	sld [smem:$0x3FAF]  }
0x2d: {  	s3 =	simm.s32 $0x108;
	s8 =	sld [smem:$0x3FB0]  }
0x2e: {  	s3 =	simm.s32 @!p0 $0x1082;
	s9 =	sld [smem:$0x3FB1]  }
0x2f: {  	lr =	sadd.s32 s0, s3;
	s0 =	sld [smem:$0x3FA8]  }
0x30: {  	s3 =	sld [smem:$0x3FAB]  }
0x31: {  	[smem:$0x3FB4] =	sst s10  }
0x32: {  	s10 =	sld [smem:$0x3FB2];
	_ =	sdelay $0x3  }
0x33: {  	p0 =	seq.s32 s10, $0x1;
	s10 =	sld [smem:$0x3FB4];
	_ =	sdelay $0x3  }
0x34: {  	[smem:$0x3FB4] =	sst s10  }
0x35: {  	s10 =	sld [smem:$0x3FB3];
	_ =	sdelay $0x3  }
0x36: {  	p1 =	seq.s32 s10, $0x1;
	s10 =	sld [smem:$0x3FB4];
	_ =	sdelay $0x3  }
0x37: {  	[smem:$0x3FB4] =	sst s10  }
0x38: {  	s10 =	sld [smem:$0x3FB5]  }
0x39: {  	_ = 	snop;
	(pc) =	sbr.ind lr, $3  }
0x3a: {  	_ = 	snop  }
0x3b: {  	_ = 	snop  }
0x3c: {  	p2 =	seq.s32 s10, $0x1;
	s10 =	sld [smem:$0x3FB4]  }
0x3d: {  	_ =	shalt  }
0x3e: {  	_ =	shalt  }
0x3f: {  	_ =	shalt  }
0x40: {  	_ =	shalt  }
0x41: {  	_ =	shalt  }
0x42: {  	_ =	shalt  }
0x43: {  	_ =	shalt  }
0x44: {  	_ =	shalt  }
0x45: {  	_ =	shalt  }
0x46: {  	_ =	shalt  }
0x47: {  	_ =	shalt  }
0x48: {  	_ =	shalt  }
0x49: {  	_ =	shalt  }
0x4a: {  	_ =	shalt  }
0x4b: {  	_ =	shalt  }
0x4c: {  	_ =	shalt  }
0x4d: {  	_ =	shalt  }
0x4e: {  	_ =	shalt  }
0x4f: {  	_ =	shalt  }
0x50: {  	_ =	shalt  }
0x51: {  	_ =	shalt  }
0x52: {  	_ =	shalt  }
0x53: {  	_ =	shalt  }
0x54: {  	_ =	shalt  }
0x55: {  	_ =	shalt  }
0x56: {  	_ =	shalt  }
0x57: {  	_ =	shalt  }
0x58: {  	_ =	shalt  }
0x59: {  	_ =	shalt  }
0x5a: {  	_ =	shalt  }
0x5b: {  	_ =	shalt  }
0x5c: {  	_ =	shalt  }
0x5d: {  	_ =	shalt  }
0x5e: {  	_ =	shalt  }
0x5f: {  	_ =	shalt  }
0x60: {  	_ =	shalt  }
0x61: {  	_ =	shalt  }
0x62: {  	_ =	shalt  }
0x63: {  	_ =	shalt  }
0x64: {  	_ =	shalt  }
0x65: {  	_ =	shalt  }
0x66: {  	_ =	shalt  }
0x67: {  	_ =	shalt  }
0x68: {  	_ =	shalt  }
0x69: {  	_ =	shalt  }
0x6a: {  	_ =	shalt  }
0x6b: {  	_ =	shalt  }
0x6c: {  	_ =	shalt  }
0x6d: {  	_ =	shalt  }
0x6e: {  	_ =	shalt  }
0x6f: {  	_ =	shalt  }
0x70: {  	_ =	shalt  }
0x71: {  	_ =	shalt  }
0x72: {  	_ =	shalt  }
0x73: {  	_ =	shalt  }
0x74: {  	_ =	shalt  }
0x75: {  	_ =	shalt  }
0x76: {  	_ =	shalt  }
0x77: {  	_ =	shalt  }
0x78: {  	_ =	shalt  }
0x79: {  	_ =	shalt  }
0x7a: {  	_ =	shalt  }
0x7b: {  	_ =	shalt  }
0x7c: {  	_ =	shalt  }
0x7d: {  	_ =	shalt  }
0x7e: {  	_ =	shalt  }
0x7f: {  	_ =	shalt  }
0x80: {  	_ =	shalt  }
0x81: {  	_ =	shalt  }
0x82: {  	_ =	shalt  }
0x83: {  	_ =	shalt  }
0x84: {  	_ =	shalt  }
0x85: {  	_ =	shalt  }
0x86: {  	_ =	shalt  }
0x87: {  	_ =	shalt  }
.Lfunc_end0:
.L_simem_size_0:
called_computation.2_lowered:
.L_overlay_start_0:
0x88: {  	s2 =	sld [smem:$0x3FD9]  }
0x89: {  	s3 =	sld [smem:$0x3FFE];
	_ =	sdelay $0x1  }
0x8a: {  	s1 =	srdreg.scid  }
0x8b: {  	s0 =	sand.u32 $0x1, s1  }
0x8c: {  	s17 =	sshll.u32 s0, $0xA;
	s2 =	sadd.s32 s3, s2  }
0x8d: {  	s2 =	sadd.s32 s2, s17  }
0x8e: {  	[smem:$0x3FC0] =	sst s2  }
0x8f: {  	_ = 	snop  }
0x90: {  	s2 =	sld [smem:$0x3FD0];
	(tm) =	ssettm $0x1  }
0x91: {  	s18 =	sld [smem:$0x3FFB];
	_ =	sdelay $0x3  }
0x92: {  	_ =	strace s18  }
0x93: {  	s3 =	sld [smem:$0x3FFC];
	_ =	sdelay $0x3  }
0x94: {  	_ =	strace s3  }
0x95: {  	s3 =	sld [smem:$0x3FFD];
	_ =	sdelay $0x3  }
0x96: {  	_ =	strace s3  }
0x97: {  	_ =	strace $0x8FFFFFFF  }
0x98: {  	s19 =	sld [smem:$0x3FDB];
	_ =	sdelay $0x1  }
0x99: {  	s4 =	simm.s32 $_scs_section_size  }
0x9a: {  	s5 =	simm.s32 $_size__tile_overlayer_lowered;
	s6 =	simm.s32 $_tile_overlayer_lowered  }
0x9b: {  	s22 =	simm.s32 $0x1BFF;
	s21 =	sshll.u32 s6, $0x1;
	s3 =	sadd.s32 s4, s19  }
0x9c: {  	s7 =	simm.s32 $0x0;
	s20 =	sshll.u32 s5, $0x1;
	s5 =	sadd.s32 s21, s3  }
0x9d: {  	[timem:s7], [sflag:s22] =	dma.local [hbm:s5], s20  }
0x9e: {  	_ =	swait.ge [sflag:s22], s20  }
0x9f: {  	s4 =	ssub.s32 $0x0, s20;
	[sflag:s22] =	ssyncset.done $0x0  }
0xa0: {  	[sflag:s22] =	ssyncadd.s32 s4;
	_ =	sdelay $0x1  }
0xa1: {  	s23 =	simm.s32 $0x1B8B  }
0xa2: {  	_ =	swait.ge [sflag:s23], $0x1  }
0xa3: {  	[sflag:s23] =	ssyncset.done $0x0  }
0xa4: {  	s25 =	simm.s32 $0x1B8E;
	s24 =	sld [smem:$0x3FFE];
	[sflag:s23] =	ssyncadd.s32 $0xFFFFFFFF  }
0xa5: {  	s26 =	simm.s32 $execute0_lowered;
	[smem:$0x3FD2] =	sst s25  }
0xa6: {  	s5 =	sshll.u32 s26, $0x1;
	_ =	strace $0x8000004C;
	[dreg:$0x1] =	wrdreg $0xFFFFFFFF  }
0xa7: {  	s28 =	simm.s32 $_size_execute0_lowered;
	s3 =	sadd.s32 s3, s5;
	[dreg:$0x0] =	wrdreg $0x0  }
0xa8: {  	s5 =	sshll.u32 s28, $0x1;
	[dreg:$0x2] =	wrdreg s3  }
0xa9: {  	[dreg:$0x3] =	wrdreg s5  }
0xaa: {  	[dreg:$0x4] =	wrdreg $0xC0  }
0xab: {  	_ =	task [dreg:s7], $0x5FFFF  }
0xac: {  	[dreg:$0x1] =	wrdreg $0xFFFFFFFF  }
0xad: {  	[dreg:$0x0] =	wrdreg $0x60  }
0xae: {  	[dreg:$0x2] =	wrdreg s2  }
0xaf: {  	[dreg:$0x3] =	wrdreg s24  }
0xb0: {  	[dreg:$0x4] =	wrdreg $0x90000  }
0xb1: {  	[dreg:$0x5] =	wrdreg $0x9  }
0xb2: {  	_ =	task.clear_ibuf [dreg:s7], $0x6FFFF;
	_ =	strace $0x9000004C  }
0xb3: {  	s29 =	simm.s32 $0x9;
	_ =	strace $0x8000004E  }
0xb4: {  	_ =	swait.ge [sflag:s29], $0x1  }
0xb5: {  	[sflag:s29] =	ssyncadd.s32 $0xFFFFFFFF  }
0xb6: {  	_ =	strace $0x9000004E  }
0xb7: {  	_ =	sfence  }
0xb8: {  	s30 =	sld [smem:$0x0];
	_ =	sdelay $0x2  }
0xb9: {  	s31 =	sshll.u32 s1, $0xD;
	s1 =	sshrl.u32 s1, $0x2  }
0xba: {  	s3 =	sand.u32 $0x4000, s31;
	s1 =	sadd.s32 s1, s30  }
0xbb: {  	s0 =	sor.u32 s3, s0;
	s1 =	sshll.u32 s1, $0x11  }
0xbc: {  	s0 =	sor.u32 s1, s0  }
0xbd: {  	s0 =	sadd.s32 $0x8F2B, s0  }
0xbe: {  	[sflag:s0] =	ssyncadd.remote.s32 $0x1  }
0xbf: {  	_ =	sfence.sel $0xFFFF  }
0xc0: {  	[dreg:$0x0] =	wrdreg $0xFFFFFFFF;
	(pc) =	sbr.abs _section_cstart, $3  }
0xc1: {  	[dreg:$0x1] =	wrdreg $0xFFFFFFFF  }
0xc2: {  	_ =	task.clear_ibuf [dreg:s7], $0x2FFFF;
	_ =	strace $0x9FFFFFFF  }
0xc3: {  	(tm) =	ssettm $0x7FFFFFFF  }
tec
execute0_lowered:
.L_overlay_start_1:
0x0: {  	(tag) =	ssettag $0x1  }
0x1: {  	s1 =	rddreg [dreg:$0x0]  }
0x2: {  	s6 =	rddreg [dreg:$0x1]  }
0x3: {  	s0 =	srdreg.scid;
	s3 =	rddreg [dreg:$0x2]  }
0x4: {  	s4 =	simm.s32 $0x0;
	s19 =	simm.s32 $0x2800;
	s5 =	sand.u32 $0x1, s0  }
0x5: {  	s28 =	simm.s32 $0x0;
	s0 =	stileid.u32;
	s8 =	smul.u32 $0x28000, s5  }
0x6: {  	[smem:$0x7FF] =	sst s4;
	s2 =	sshll.u32 s5, $0x4;
	s9 =	smul.u32 $0x50000, s0  }
0x7: {  	_ =	strace $0x8000004D;
	s5 =	ssub.s32 $0x2, s5;
	s15 =	smul.u32 $0x280, s0  }
0x8: {  	s20 =	smul.u32 $0x2800, s0;
	s2 =	sor.u32 s0, s2;
	s26 =	sshrl.u32 s5, $0x1  }
0x9: {  	s7 =	smul.u32 $0x500, s2;
	s8 =	sadd.s32 s8, s6;
	s9 =	sshrl.u32 s9, $0x2  }
0xa: {  	s10 =	ssub.s32 s5, s26;
	s14 =	sadd.s32 $0x80, s15;
	s16 =	sadd.s32 $0x100, s15  }
0xb: {  	s17 =	sadd.s32 $0x180, s15;
	s18 =	sadd.s32 $0x200, s15;
	s26 =	simm.s32 $0x1  }
0xc: {  	s5 =	sadd.s32 s9, s3;
	s24 =	sadd.s32 $0x16A00, s8;
	s8 =	smax.u32 s10, $0x1  }
0xd: {  	s13 =	sshll.u32 s14, $0x7;
	s21 =	sshll.u32 s14, $0x4;
	s29 =	sshll.u32 s16, $0x7  }
0xe: {  	s22 =	sshll.u32 s16, $0x4;
	s30 =	sshll.u32 s17, $0x7;
	s31 =	sshll.u32 s18, $0x7  }
0xf: {  	s23 =	sshll.u32 s17, $0x4;
	s25 =	sshll.u32 s18, $0x4;
	s17 =	simm.s32 $0x5000  }
0x10: {  	s18 =	simm.s32 $0x2;
	s7 =	sadd.s32 s7, s6;
	s9 =	sadd.s32 $0x4000, s5  }
0x11: {  	s10 =	sadd.s32 $0x8000, s5;
	s11 =	sadd.s32 $0xC000, s5;
	s12 =	sadd.s32 $0x10000, s5  }
0x12: {  	s13 =	sadd.s32 s13, s3;
	s14 =	sadd.s32 s29, s3;
	s15 =	sadd.s32 s30, s3  }
0x13: {  	s16 =	sadd.s32 s31, s3;
	s20 =	sadd.s32 s20, s24;
	s21 =	sadd.s32 s21, s24  }
0x14: {  	s22 =	sadd.s32 s22, s24;
	s23 =	sadd.s32 s23, s24;
	s24 =	sadd.s32 s25, s24  }
0x15: {  	v0 =	vimm.f32 $0.0e+00;
	s25 =	simm.s32 $0x80;
	s6 =	sadd.s32 $0xCA00, s7;
	s7 =	sadd.s32 $0x2A00, s7  }
.LBB2_1:
0x16: {  	s29 =	simm.s32 $0x0;
	s30 =	simm.s32 $0x200  }
.LBB2_2:
0x17: {  	p0 =	sne.s32 s30, $0xFE00;
	[tilespmem:s29+$0x5070] =	vst v0  }
0x18: {  	[tilespmem:s29+$0x5000] =	vst v0  }
0x19: {  	[tilespmem:s29+$0x5010] =	vst v0  }
.Ltmp0:
0x1a: {  	[tilespmem:s29+$0x5020] =	vst v0;
	(pc) =	sbr.rel @p0 .LBB2_2-.Ltmp0, $4  }
0x1b: {  	[tilespmem:s29+$0x5030] =	vst v0  }
0x1c: {  	[tilespmem:s29+$0x5040] =	vst v0  }
0x1d: {  	[tilespmem:s29+$0x5050] =	vst v0  }
0x1e: {  	[tilespmem:s29+$0x5060] =	vst v0;
	s29 =	sshra.s32 s30, $0x2;
	s30 =	sadd.s32 $0x200, s30  }
0x1f: {  	[tilespmem:s29+$0x5070] =	vst v0  }
0x20: {  	[tilespmem:s29+$0x5000] =	vst v0  }
0x21: {  	[tilespmem:s29+$0x5010] =	vst v0  }
0x22: {  	[tilespmem:s29+$0x5020] =	vst v0  }
0x23: {  	[tilespmem:s29+$0x5030] =	vst v0  }
0x24: {  	[tilespmem:s29+$0x5040] =	vst v0  }
0x25: {  	[tilespmem:s29+$0x5050] =	vst v0  }
0x26: {  	[tilespmem:s29+$0x5060] =	vst v0  }
0x27: {  	[spmem:s5] =	stream.linear.scatter [tilespmem:s17], [sflag:$0x2], $0x4000, $0x38;
	[tilespmem:$0x1D000] =	vst v63  }
0x28: {  	_ =	swait.ge [sflag:s18], $0x4000  }
0x29: {  	[sflag:s18] =	ssyncset.done $0x0  }
0x2a: {  	[sflag:s18] =	ssyncadd.s32 $0xFFFFC000  }
0x2b: {  	[spmem:s9] =	stream.linear.scatter [tilespmem:s17], [sflag:$0x2], $0x4000, $0x38;
	[tilespmem:$0x1D000] =	vst v63  }
0x2c: {  	_ =	swait.ge [sflag:s18], $0x4000  }
0x2d: {  	[sflag:s18] =	ssyncset.done $0x0  }
0x2e: {  	[sflag:s18] =	ssyncadd.s32 $0xFFFFC000  }
0x2f: {  	[spmem:s10] =	stream.linear.scatter [tilespmem:s17], [sflag:$0x2], $0x4000, $0x38;
	[tilespmem:$0x1D000] =	vst v63  }
0x30: {  	_ =	swait.ge [sflag:s18], $0x4000  }
0x31: {  	[sflag:s18] =	ssyncset.done $0x0  }
0x32: {  	[sflag:s18] =	ssyncadd.s32 $0xFFFFC000  }
0x33: {  	[spmem:s11] =	stream.linear.scatter [tilespmem:s17], [sflag:$0x2], $0x4000, $0x38;
	[tilespmem:$0x1D000] =	vst v63  }
0x34: {  	_ =	swait.ge [sflag:s18], $0x4000  }
0x35: {  	[sflag:s18] =	ssyncset.done $0x0  }
0x36: {  	[sflag:s18] =	ssyncadd.s32 $0xFFFFC000  }
0x37: {  	[spmem:s12] =	stream.linear.scatter [tilespmem:s17], [sflag:$0x2], $0x4000, $0x38;
	[tilespmem:$0x1D000] =	vst v63  }
0x38: {  	_ =	swait.ge [sflag:s18], $0x4000  }
0x39: {  	[sflag:s18] =	ssyncset.done $0x0  }
0x3a: {  	[sflag:s18] =	ssyncadd.s32 $0xFFFFC000  }
0x3b: {  	s29 =	simm.s32 $0x0;
	[bflag:$0x0] =	sbarrier.arrive $0xFFFF  }
0x3c: {  	[tilespmem:s29], [sflag:$0x2] =	stream.linear.gather [hbm4b:s6+s29], $0x2780, $0x38;
	[tilespmem:$0x1D000] =	vst v63  }
0x3d: {  	_ =	swait.ge [sflag:s18], $0x2780  }
0x3e: {  	[sflag:s18] =	ssyncset.done $0x0  }
0x3f: {  	[sflag:s18] =	ssyncadd.s32 $0xFFFFD880  }
0x40: {  	[tilespmem:s19], [sflag:$0x2] =	stream.linear.gather [hbm4b:s7+s29], $0x2780, $0x38;
	[tilespmem:$0x1D000] =	vst v63  }
0x41: {  	_ =	swait.ge [sflag:s18], $0x2780  }
0x42: {  	[sflag:s18] =	ssyncset.done $0x0  }
0x43: {  	s29 =	simm.s32 $0x0;
	[sflag:s18] =	ssyncadd.s32 $0xFFFFD880  }
0x44: {  	[tilespmem:s17], [sflag:$0x1] =	stream.indirect.gather [hbm4b:s1+s25], $0x80, s29, s25, $0xb8;
	[tilespmem:$0x1D000] =	vst v63  }
0x45: {  	_ =	swait.ge [sflag:s26], $0x4000  }
0x46: {  	[sflag:s26] =	ssyncset.done $0x0  }
0x47: {  	s29 =	simm.s32 $0x2800;
	[sflag:s26] =	ssyncadd.s32 $0xFFFFC000  }
0x48: {  	[spmem:s3] =	stream.indirect.scatter.add.f32 [tilespmem:s17], [sflag:$0x2], $0x80, s29, s25, $0xb8;
	[tilespmem:$0x1D000] =	vst v63  }
0x49: {  	_ =	swait.ge [sflag:s18], $0x4000  }
0x4a: {  	s30 =	simm.s32 $0x400;
	s29 =	simm.s32 $0x200;
	[sflag:s18] =	ssyncset.done $0x0  }
.LBB2_4:
0x4b: {  	s31 =	sshra.s32 s29, $0x2  }
0x4c: {  	[sflag:s18] =	ssyncadd.s32 $0xFFFFC000;
	s29 =	smov.u32 s30;
	s2 =	sadd.s32 $0x200, s30  }
0x4d: {  	[tilespmem:s17], [sflag:$0x1] =	stream.indirect.gather [hbm4b:s1+s25], $0x80, s31, s25, $0xb8;
	[tilespmem:$0x1D000] =	vst v63  }
0x4e: {  	p0 =	sne.s32 s30, $0x9C00;
	_ =	swait.ge [sflag:s26], $0x4000  }
.Ltmp1:
0x4f: {  	[sflag:s26] =	ssyncset.done $0x0;
	(pc) =	sbr.rel @p0 .LBB2_4-.Ltmp1, $4  }
0x50: {  	s30 =	sadd.s32 $0x2800, s31;
	[sflag:s26] =	ssyncadd.s32 $0xFFFFC000  }
0x51: {  	[spmem:s3] =	stream.indirect.scatter.add.f32 [tilespmem:s17], [sflag:$0x2], $0x80, s30, s25, $0xb8;
	[tilespmem:$0x1D000] =	vst v63  }
0x52: {  	_ =	swait.ge [sflag:s18], $0x4000  }
0x53: {  	s30 =	smov.u32 s2;
	[sflag:s18] =	ssyncset.done $0x0  }
0x54: {  	s2 =	sshra.s32 s29, $0x2;
	[sflag:s18] =	ssyncadd.s32 $0xFFFFC000  }
0x55: {  	[tilespmem:s17], [sflag:$0x1] =	stream.indirect.gather [hbm4b:s1+s25], $0x80, s2, s25, $0xb8;
	[tilespmem:$0x1D000] =	vst v63  }
0x56: {  	_ =	swait.ge [sflag:s26], $0x4000  }
0x57: {  	[sflag:s26] =	ssyncset.done $0x0  }
0x58: {  	s2 =	sadd.s32 $0x2800, s2;
	[sflag:s26] =	ssyncadd.s32 $0xFFFFC000  }
0x59: {  	[spmem:s3] =	stream.indirect.scatter.add.f32 [tilespmem:s17], [sflag:$0x2], $0x80, s2, s25, $0xb8;
	[tilespmem:$0x1D000] =	vst v63  }
0x5a: {  	_ =	swait.ge [sflag:s18], $0x4000  }
0x5b: {  	[sflag:s18] =	ssyncset.done $0x0  }
0x5c: {  	[sflag:s18] =	ssyncadd.s32 $0xFFFFC000  }
0x5d: {  	[bflag:$0x0] =	sbarrier.arrive $0xFFFF  }
0x5e: {  	[tilespmem:s17], [sflag:$0x2] =	stream.linear.gather [spmem:s5], $0x4000, $0x38;
	[tilespmem:$0x1D000] =	vst v63  }
0x5f: {  	_ =	swait.ge [sflag:s18], $0x4000  }
0x60: {  	[sflag:s18] =	ssyncset.done $0x0  }
0x61: {  	[sflag:s18] =	ssyncadd.s32 $0xFFFFC000  }
0x62: {  	[hbm4b:s20+s4] =	stream.linear.scatter [tilespmem:s17], [sflag:$0x2], $0x4000, $0x38;
	[tilespmem:$0x1D000] =	vst v63  }
0x63: {  	_ =	swait.ge [sflag:s18], $0x4000  }
0x64: {  	[sflag:s18] =	ssyncset.done $0x0  }
0x65: {  	[sflag:s18] =	ssyncadd.s32 $0xFFFFC000  }
0x66: {  	[tilespmem:s17], [sflag:$0x2] =	stream.linear.gather [spmem:s13], $0x4000, $0x38;
	[tilespmem:$0x1D000] =	vst v63  }
0x67: {  	_ =	swait.ge [sflag:s18], $0x4000  }
0x68: {  	[sflag:s18] =	ssyncset.done $0x0  }
0x69: {  	[sflag:s18] =	ssyncadd.s32 $0xFFFFC000  }
0x6a: {  	[hbm4b:s21+s4] =	stream.linear.scatter [tilespmem:s17], [sflag:$0x2], $0x4000, $0x38;
	[tilespmem:$0x1D000] =	vst v63  }
0x6b: {  	_ =	swait.ge [sflag:s18], $0x4000  }
0x6c: {  	[sflag:s18] =	ssyncset.done $0x0  }
0x6d: {  	[sflag:s18] =	ssyncadd.s32 $0xFFFFC000  }
0x6e: {  	[tilespmem:s17], [sflag:$0x2] =	stream.linear.gather [spmem:s14], $0x4000, $0x38;
	[tilespmem:$0x1D000] =	vst v63  }
0x6f: {  	_ =	swait.ge [sflag:s18], $0x4000  }
0x70: {  	[sflag:s18] =	ssyncset.done $0x0  }
0x71: {  	[sflag:s18] =	ssyncadd.s32 $0xFFFFC000  }
0x72: {  	[hbm4b:s22+s4] =	stream.linear.scatter [tilespmem:s17], [sflag:$0x2], $0x4000, $0x38;
	[tilespmem:$0x1D000] =	vst v63  }
0x73: {  	_ =	swait.ge [sflag:s18], $0x4000  }
0x74: {  	[sflag:s18] =	ssyncset.done $0x0  }
0x75: {  	[sflag:s18] =	ssyncadd.s32 $0xFFFFC000  }
0x76: {  	[tilespmem:s17], [sflag:$0x2] =	stream.linear.gather [spmem:s15], $0x4000, $0x38;
	[tilespmem:$0x1D000] =	vst v63  }
0x77: {  	_ =	swait.ge [sflag:s18], $0x4000  }
0x78: {  	[sflag:s18] =	ssyncset.done $0x0  }
0x79: {  	[sflag:s18] =	ssyncadd.s32 $0xFFFFC000  }
0x7a: {  	[hbm4b:s23+s4] =	stream.linear.scatter [tilespmem:s17], [sflag:$0x2], $0x4000, $0x38;
	[tilespmem:$0x1D000] =	vst v63  }
0x7b: {  	_ =	swait.ge [sflag:s18], $0x4000  }
0x7c: {  	[sflag:s18] =	ssyncset.done $0x0  }
0x7d: {  	[sflag:s18] =	ssyncadd.s32 $0xFFFFC000  }
0x7e: {  	[tilespmem:s17], [sflag:$0x2] =	stream.linear.gather [spmem:s16], $0x4000, $0x38;
	[tilespmem:$0x1D000] =	vst v63  }
0x7f: {  	s28 =	sadd.s32 $0x1, s28;
	_ =	swait.ge [sflag:s18], $0x4000  }
0x80: {  	p0 =	sne.s32 s28, s8;
	[sflag:s18] =	ssyncset.done $0x0  }
.Ltmp2:
0x81: {  	[sflag:s18] =	ssyncadd.s32 $0xFFFFC000;
	(pc) =	sbr.rel @p0 .LBB2_1-.Ltmp2, $4  }
0x82: {  	[hbm4b:s24+s4] =	stream.linear.scatter [tilespmem:s17], [sflag:$0x2], $0x4000, $0x38;
	[tilespmem:$0x1D000] =	vst v63  }
0x83: {  	_ =	swait.ge [sflag:s18], $0x4000  }
0x84: {  	[sflag:s18] =	ssyncset.done $0x0  }
0x85: {  	[sflag:s18] =	ssyncadd.s32 $0xFFFFC000  }
0x86: {  	_ =	sfence.sel $0x180000  }
0x87: {  	[bflag:$0x0] =	sbarrier.arrive $0xFFFF  }
0x88: {  	_ =	strace $0x9000004D  }
0x89: {  	[bflag:$0x2] =	sbarrier.arrive $0xFFFF  }
0x8a: {  	p0 =	sne.s32 s0, $0x0;
	s0 =	rddreg [dreg:$0x3]  }
0x8b: {  	s0 =	sadd.s32 @!p0 $0x100000, s0  }
0x8c: {  	[sflag:s0] =	ssyncadd.tile.s32 @!p0 $0x1;
	_ =	shalt  }
.Lfunc_end2:
_tile_overlayer_lowered:
.L_overlay_start_2:
0x8d: {  	(tag) =	ssettag $0x2  }
0x8e: {  	s0 =	rddreg [dreg:$0x0];
	s2 =	stileid.u32  }
0x8f: {  	s1 =	rddreg [dreg:$0x1];
	p0 =	sne.s32 s2, $0x0  }
0x90: {  	s3 =	rddreg [dreg:$0x2];
	[bflag:$0x3] =	sbarrier.arrive $0xFFFF;
	s2 =	simm.s32 @!p0 $0x1C02  }
0x91: {  	[timem:s3], [sflag:s2] =	dma.local @!p0 [hbm:s0], s1  }
0x92: {  	s0 =	simm.s32 @!p0 $0x2  }
0x93: {  	_ =	swait.ge @!p0 [sflag:s0], s1  }
0x94: {  	s1 =	ssub.s32 @!p0 $0x0, s1;
	[sflag:s0] =	ssyncset.done @!p0 $0x0  }
0x95: {  	[sflag:s0] =	ssyncadd.s32 @!p0 s1  }
0x96: {  	[bflag:$0x3] =	sbarrier.arrive $0xFFFF  }
0x97: {  	_ =	shalt  }

// kernel: kernel.19.cloned.1.call-start
scs
__scs_entry_jumppad:
0x0: {  	(pc) =	sbr.rel $0x88, $3  }
0x1: {  	(tag) =	ssettag $0x0;
	lr =	simm.s32 $0x1  }
0x2: {  	[smem:$0x3F99] =	sst lr;
	_ =	strace $0xD0000000  }
0x3: {  	_ = 	snop  }
0x4: {  	_ = 	snop  }
0x5: {  	_ = 	snop  }
0x6: {  	_ = 	snop  }
0x7: {  	_ = 	snop  }
__scs_overlays_trampoline_lowered:
0x8: {  	[smem:$0x3FA8] =	sst s0  }
0x9: {  	[smem:$0x3FA9] =	sst s1  }
0xa: {  	[smem:$0x3FAA] =	sst s2  }
0xb: {  	[smem:$0x3FAB] =	sst s3  }
0xc: {  	[smem:$0x3FAC] =	sst s4  }
0xd: {  	[smem:$0x3FAD] =	sst s5  }
0xe: {  	[smem:$0x3FAE] =	sst s6  }
0xf: {  	[smem:$0x3FAF] =	sst s7  }
0x10: {  	[smem:$0x3FB0] =	sst s8  }
0x11: {  	[smem:$0x3FB1] =	sst s9;
	s0 =	simm.s32 @!p0 $0x0  }
0x12: {  	s1 =	sld [smem:$0x3F97];
	s0 =	simm.s32 @p0 $0x1  }
0x13: {  	[smem:$0x3FB2] =	sst s0;
	s0 =	simm.s32 @!p1 $0x0  }
0x14: {  	s2 =	sld [smem:$0x3F96];
	s0 =	simm.s32 @p1 $0x1  }
0x15: {  	[smem:$0x3FB3] =	sst s0;
	s0 =	simm.s32 @!p2 $0x0  }
0x16: {  	s3 =	sld [smem:$0x3FDB];
	s0 =	simm.s32 @p2 $0x1  }
0x17: {  	s4 =	simm.s32 $0x1BF5;
	[smem:$0x3FB5] =	sst s0  }
0x18: {  	s0 =	sld [smem:$0x3F98];
	_ =	swait.ge [sflag:s4], $0x0  }
0x19: {  	s7 =	sld [smem:$0x3F99]  }
0x1a: {  	s8 =	sadd.s32 $0xFFFFE003, lr  }
0x1b: {  	s9 =	sadd.s32 $0xFFFFFEF7, lr;
	s5 =	simm.s32 $0xFFFFFFFF;
	p2 =	slt.u32 s8, $0xFFFFF086  }
0x1c: {  	p1 =	slt.u32 s9, $0xF7A;
	s5 =	simm.s32 @!p2 $0x0  }
0x1d: {  	s5 =	simm.s32 @p1 $0x1;
	p0 =	seq.s32 s7, s2  }
0x1e: {  	s7 =	smul.u32 @!p0 $0xF7A, s2;
	p2 =	seq.s32 @!p0 s5, $0x0  }
0x1f: {  	s9 =	smul.u32 $0xF7A, s1;
	s8 =	simm.s32 @!p0 $0x1BF5;
	p2 =	por !p2, p0  }
0x20: {  	[sflag:s8] =	ssyncset.s32 @!p0 $0xFFFFF086;
	s6 =	sadd.s32 @!p0 s3, s7;
	s7 =	simm.s32 @!p0 $0x108  }
0x21: {  	s3 =	sadd.s32 s3, s9;
	s6 =	sadd.s32 @!p0 $0x88, s6;
	s7 =	simm.s32 @p2 $0x1082  }
0x22: {  	[simem:s7], [sflag:s8] =	dma.local @!p0 [hbm:s6], $0xF7A  }
0x23: {  	s9 =	sor.u32 $0xD0000000, s2;
	s6 =	simm.s32 $0x108;
	_ =	swait.ge @!p0 [sflag:s8], $0x0  }
0x24: {  	s3 =	sadd.s32 $0x88, s3;
	s6 =	simm.s32 @!p1 $0x1082;
	[sflag:s4] =	ssyncset.s32 $0xFFFFF086  }
0x25: {  	[simem:s6], [sflag:s4] =	dma.local [hbm:s3], $0xF7A  }
0x26: {  	[smem:$0x3F99] =	sst s1;
	(tag) =	ssettag s2;
	_ =	strace s9  }
0x27: {  	s1 =	sld [smem:$0x3FA9]  }
0x28: {  	s2 =	sld [smem:$0x3FAA]  }
0x29: {  	s4 =	sld [smem:$0x3FAC]  }
0x2a: {  	p0 =	seq.s32 s5, $0x0;
	s5 =	sld [smem:$0x3FAD]  }
0x2b: {  	s6 =	sld [smem:$0x3FAE]  }
0x2c: {  	s7 =	sld [smem:$0x3FAF]  }
0x2d: {  	s3 =	simm.s32 $0x108;
	s8 =	sld [smem:$0x3FB0]  }
0x2e: {  	s3 =	simm.s32 @!p0 $0x1082;
	s9 =	sld [smem:$0x3FB1]  }
0x2f: {  	lr =	sadd.s32 s0, s3;
	s0 =	sld [smem:$0x3FA8]  }
0x30: {  	s3 =	sld [smem:$0x3FAB]  }
0x31: {  	[smem:$0x3FB4] =	sst s10  }
0x32: {  	s10 =	sld [smem:$0x3FB2];
	_ =	sdelay $0x3  }
0x33: {  	p0 =	seq.s32 s10, $0x1;
	s10 =	sld [smem:$0x3FB4];
	_ =	sdelay $0x3  }
0x34: {  	[smem:$0x3FB4] =	sst s10  }
0x35: {  	s10 =	sld [smem:$0x3FB3];
	_ =	sdelay $0x3  }
0x36: {  	p1 =	seq.s32 s10, $0x1;
	s10 =	sld [smem:$0x3FB4];
	_ =	sdelay $0x3  }
0x37: {  	[smem:$0x3FB4] =	sst s10  }
0x38: {  	s10 =	sld [smem:$0x3FB5]  }
0x39: {  	_ = 	snop;
	(pc) =	sbr.ind lr, $3  }
0x3a: {  	_ = 	snop  }
0x3b: {  	_ = 	snop  }
0x3c: {  	p2 =	seq.s32 s10, $0x1;
	s10 =	sld [smem:$0x3FB4]  }
0x3d: {  	_ =	shalt  }
0x3e: {  	_ =	shalt  }
0x3f: {  	_ =	shalt  }
0x40: {  	_ =	shalt  }
0x41: {  	_ =	shalt  }
0x42: {  	_ =	shalt  }
0x43: {  	_ =	shalt  }
0x44: {  	_ =	shalt  }
0x45: {  	_ =	shalt  }
0x46: {  	_ =	shalt  }
0x47: {  	_ =	shalt  }
0x48: {  	_ =	shalt  }
0x49: {  	_ =	shalt  }
0x4a: {  	_ =	shalt  }
0x4b: {  	_ =	shalt  }
0x4c: {  	_ =	shalt  }
0x4d: {  	_ =	shalt  }
0x4e: {  	_ =	shalt  }
0x4f: {  	_ =	shalt  }
0x50: {  	_ =	shalt  }
0x51: {  	_ =	shalt  }
0x52: {  	_ =	shalt  }
0x53: {  	_ =	shalt  }
0x54: {  	_ =	shalt  }
0x55: {  	_ =	shalt  }
0x56: {  	_ =	shalt  }
0x57: {  	_ =	shalt  }
0x58: {  	_ =	shalt  }
0x59: {  	_ =	shalt  }
0x5a: {  	_ =	shalt  }
0x5b: {  	_ =	shalt  }
0x5c: {  	_ =	shalt  }
0x5d: {  	_ =	shalt  }
0x5e: {  	_ =	shalt  }
0x5f: {  	_ =	shalt  }
0x60: {  	_ =	shalt  }
0x61: {  	_ =	shalt  }
0x62: {  	_ =	shalt  }
0x63: {  	_ =	shalt  }
0x64: {  	_ =	shalt  }
0x65: {  	_ =	shalt  }
0x66: {  	_ =	shalt  }
0x67: {  	_ =	shalt  }
0x68: {  	_ =	shalt  }
0x69: {  	_ =	shalt  }
0x6a: {  	_ =	shalt  }
0x6b: {  	_ =	shalt  }
0x6c: {  	_ =	shalt  }
0x6d: {  	_ =	shalt  }
0x6e: {  	_ =	shalt  }
0x6f: {  	_ =	shalt  }
0x70: {  	_ =	shalt  }
0x71: {  	_ =	shalt  }
0x72: {  	_ =	shalt  }
0x73: {  	_ =	shalt  }
0x74: {  	_ =	shalt  }
0x75: {  	_ =	shalt  }
0x76: {  	_ =	shalt  }
0x77: {  	_ =	shalt  }
0x78: {  	_ =	shalt  }
0x79: {  	_ =	shalt  }
0x7a: {  	_ =	shalt  }
0x7b: {  	_ =	shalt  }
0x7c: {  	_ =	shalt  }
0x7d: {  	_ =	shalt  }
0x7e: {  	_ =	shalt  }
0x7f: {  	_ =	shalt  }
0x80: {  	_ =	shalt  }
0x81: {  	_ =	shalt  }
0x82: {  	_ =	shalt  }
0x83: {  	_ =	shalt  }
0x84: {  	_ =	shalt  }
0x85: {  	_ =	shalt  }
0x86: {  	_ =	shalt  }
0x87: {  	_ =	shalt  }
.Lfunc_end0:
.L_simem_size_0:
called_computation.3_lowered:
.L_overlay_start_0:
0x88: {  	s2 =	sld [smem:$0x3FD9]  }
0x89: {  	s3 =	sld [smem:$0x3FFE];
	_ =	sdelay $0x1  }
0x8a: {  	s1 =	srdreg.scid  }
0x8b: {  	s0 =	sand.u32 $0x1, s1  }
0x8c: {  	s17 =	sshll.u32 s0, $0xA;
	s2 =	sadd.s32 s3, s2  }
0x8d: {  	s2 =	sadd.s32 s2, s17  }
0x8e: {  	[smem:$0x3FC0] =	sst s2  }
0x8f: {  	_ = 	snop  }
0x90: {  	s2 =	sld [smem:$0x3FD0];
	(tm) =	ssettm $0x1  }
0x91: {  	s18 =	sld [smem:$0x3FFB];
	_ =	sdelay $0x3  }
0x92: {  	_ =	strace s18  }
0x93: {  	s3 =	sld [smem:$0x3FFC];
	_ =	sdelay $0x3  }
0x94: {  	_ =	strace s3  }
0x95: {  	s3 =	sld [smem:$0x3FFD];
	_ =	sdelay $0x3  }
0x96: {  	_ =	strace s3  }
0x97: {  	_ =	strace $0x8FFFFFFF  }
0x98: {  	s19 =	sld [smem:$0x3FDB];
	_ =	sdelay $0x1  }
0x99: {  	s4 =	simm.s32 $_scs_section_size  }
0x9a: {  	s5 =	simm.s32 $_size__tile_overlayer_lowered;
	s6 =	simm.s32 $_tile_overlayer_lowered  }
0x9b: {  	s22 =	simm.s32 $0x1BFF;
	s21 =	sshll.u32 s6, $0x1;
	s3 =	sadd.s32 s4, s19  }
0x9c: {  	s7 =	simm.s32 $0x0;
	s20 =	sshll.u32 s5, $0x1;
	s5 =	sadd.s32 s21, s3  }
0x9d: {  	[timem:s7], [sflag:s22] =	dma.local [hbm:s5], s20  }
0x9e: {  	_ =	swait.ge [sflag:s22], s20  }
0x9f: {  	s4 =	ssub.s32 $0x0, s20;
	[sflag:s22] =	ssyncset.done $0x0  }
0xa0: {  	[sflag:s22] =	ssyncadd.s32 s4;
	_ =	sdelay $0x1  }
0xa1: {  	s23 =	simm.s32 $0x1B8B  }
0xa2: {  	_ =	swait.ge [sflag:s23], $0x1  }
0xa3: {  	[sflag:s23] =	ssyncset.done $0x0  }
0xa4: {  	s25 =	simm.s32 $0x1B8E;
	s24 =	sld [smem:$0x3FFE];
	[sflag:s23] =	ssyncadd.s32 $0xFFFFFFFF  }
0xa5: {  	s26 =	simm.s32 $execute0_lowered;
	[smem:$0x3FD2] =	sst s25  }
0xa6: {  	s5 =	sshll.u32 s26, $0x1;
	_ =	strace $0x8000004F;
	[dreg:$0x1] =	wrdreg $0xFFFFFFFF  }
0xa7: {  	s28 =	simm.s32 $_size_execute0_lowered;
	s3 =	sadd.s32 s3, s5;
	[dreg:$0x0] =	wrdreg $0x0  }
0xa8: {  	s5 =	sshll.u32 s28, $0x1;
	[dreg:$0x2] =	wrdreg s3  }
0xa9: {  	[dreg:$0x3] =	wrdreg s5  }
0xaa: {  	[dreg:$0x4] =	wrdreg $0xC0  }
0xab: {  	_ =	task [dreg:s7], $0x5FFFF  }
0xac: {  	[dreg:$0x1] =	wrdreg $0xFFFFFFFF  }
0xad: {  	[dreg:$0x0] =	wrdreg $0x60  }
0xae: {  	[dreg:$0x2] =	wrdreg s2  }
0xaf: {  	[dreg:$0x3] =	wrdreg s24  }
0xb0: {  	[dreg:$0x4] =	wrdreg $0x90000  }
0xb1: {  	[dreg:$0x5] =	wrdreg $0x9  }
0xb2: {  	_ =	task.clear_ibuf [dreg:s7], $0x6FFFF;
	_ =	strace $0x9000004F  }
0xb3: {  	s29 =	simm.s32 $0x9;
	_ =	strace $0x80000051  }
0xb4: {  	_ =	swait.ge [sflag:s29], $0x1  }
0xb5: {  	[sflag:s29] =	ssyncadd.s32 $0xFFFFFFFF  }
0xb6: {  	_ =	strace $0x90000051  }
0xb7: {  	_ =	sfence  }
0xb8: {  	s30 =	sld [smem:$0x0];
	_ =	sdelay $0x2  }
0xb9: {  	s31 =	sshll.u32 s1, $0xD;
	s1 =	sshrl.u32 s1, $0x2  }
0xba: {  	s3 =	sand.u32 $0x4000, s31;
	s1 =	sadd.s32 s1, s30  }
0xbb: {  	s0 =	sor.u32 s3, s0;
	s1 =	sshll.u32 s1, $0x11  }
0xbc: {  	s0 =	sor.u32 s1, s0  }
0xbd: {  	s0 =	sadd.s32 $0x8F2B, s0  }
0xbe: {  	[sflag:s0] =	ssyncadd.remote.s32 $0x1  }
0xbf: {  	_ =	sfence.sel $0xFFFF  }
0xc0: {  	[dreg:$0x0] =	wrdreg $0xFFFFFFFF;
	(pc) =	sbr.abs _section_cstart, $3  }
0xc1: {  	[dreg:$0x1] =	wrdreg $0xFFFFFFFF  }
0xc2: {  	_ =	task.clear_ibuf [dreg:s7], $0x2FFFF;
	_ =	strace $0x9FFFFFFF  }
0xc3: {  	(tm) =	ssettm $0x7FFFFFFF  }
tec
execute0_lowered:
.L_overlay_start_1:
0x0: {  	(tag) =	ssettag $0x1  }
0x1: {  	s1 =	rddreg [dreg:$0x0]  }
0x2: {  	s6 =	rddreg [dreg:$0x1]  }
0x3: {  	s0 =	srdreg.scid;
	s3 =	rddreg [dreg:$0x2]  }
0x4: {  	s4 =	simm.s32 $0x0;
	s19 =	simm.s32 $0x2800;
	s5 =	sand.u32 $0x1, s0  }
0x5: {  	s28 =	simm.s32 $0x0;
	s0 =	stileid.u32;
	s8 =	smul.u32 $0x28000, s5  }
0x6: {  	[smem:$0x7FF] =	sst s4;
	s2 =	sshll.u32 s5, $0x4;
	s9 =	smul.u32 $0x50000, s0  }
0x7: {  	_ =	strace $0x80000050;
	s5 =	ssub.s32 $0x2, s5;
	s15 =	smul.u32 $0x280, s0  }
0x8: {  	s20 =	smul.u32 $0x2800, s0;
	s2 =	sor.u32 s0, s2;
	s26 =	sshrl.u32 s5, $0x1  }
0x9: {  	s7 =	smul.u32 $0x500, s2;
	s8 =	sadd.s32 s8, s6;
	s9 =	sshrl.u32 s9, $0x2  }
0xa: {  	s10 =	ssub.s32 s5, s26;
	s14 =	sadd.s32 $0x80, s15;
	s16 =	sadd.s32 $0x100, s15  }
0xb: {  	s17 =	sadd.s32 $0x180, s15;
	s18 =	sadd.s32 $0x200, s15;
	s26 =	simm.s32 $0x1  }
0xc: {  	s5 =	sadd.s32 s9, s3;
	s24 =	sadd.s32 $0x16A00, s8;
	s8 =	smax.u32 s10, $0x1  }
0xd: {  	s13 =	sshll.u32 s14, $0x7;
	s21 =	sshll.u32 s14, $0x4;
	s29 =	sshll.u32 s16, $0x7  }
0xe: {  	s22 =	sshll.u32 s16, $0x4;
	s30 =	sshll.u32 s17, $0x7;
	s31 =	sshll.u32 s18, $0x7  }
0xf: {  	s23 =	sshll.u32 s17, $0x4;
	s25 =	sshll.u32 s18, $0x4;
	s17 =	simm.s32 $0x5000  }
0x10: {  	s18 =	simm.s32 $0x2;
	s7 =	sadd.s32 s7, s6;
	s9 =	sadd.s32 $0x4000, s5  }
0x11: {  	s10 =	sadd.s32 $0x8000, s5;
	s11 =	sadd.s32 $0xC000, s5;
	s12 =	sadd.s32 $0x10000, s5  }
0x12: {  	s13 =	sadd.s32 s13, s3;
	s14 =	sadd.s32 s29, s3;
	s15 =	sadd.s32 s30, s3  }
0x13: {  	s16 =	sadd.s32 s31, s3;
	s20 =	sadd.s32 s20, s24;
	s21 =	sadd.s32 s21, s24  }
0x14: {  	s22 =	sadd.s32 s22, s24;
	s23 =	sadd.s32 s23, s24;
	s24 =	sadd.s32 s25, s24  }
0x15: {  	v0 =	vimm.f32 $0.0e+00;
	s25 =	simm.s32 $0x80;
	s6 =	sadd.s32 $0xCA00, s7;
	s7 =	sadd.s32 $0x2A00, s7  }
.LBB2_1:
0x16: {  	s29 =	simm.s32 $0x0;
	s30 =	simm.s32 $0x200  }
.LBB2_2:
0x17: {  	p0 =	sne.s32 s30, $0xFE00;
	[tilespmem:s29+$0x5070] =	vst v0  }
0x18: {  	[tilespmem:s29+$0x5000] =	vst v0  }
0x19: {  	[tilespmem:s29+$0x5010] =	vst v0  }
.Ltmp0:
0x1a: {  	[tilespmem:s29+$0x5020] =	vst v0;
	(pc) =	sbr.rel @p0 .LBB2_2-.Ltmp0, $4  }
0x1b: {  	[tilespmem:s29+$0x5030] =	vst v0  }
0x1c: {  	[tilespmem:s29+$0x5040] =	vst v0  }
0x1d: {  	[tilespmem:s29+$0x5050] =	vst v0  }
0x1e: {  	[tilespmem:s29+$0x5060] =	vst v0;
	s29 =	sshra.s32 s30, $0x2;
	s30 =	sadd.s32 $0x200, s30  }
0x1f: {  	[tilespmem:s29+$0x5070] =	vst v0  }
0x20: {  	[tilespmem:s29+$0x5000] =	vst v0  }
0x21: {  	[tilespmem:s29+$0x5010] =	vst v0  }
0x22: {  	[tilespmem:s29+$0x5020] =	vst v0  }
0x23: {  	[tilespmem:s29+$0x5030] =	vst v0  }
0x24: {  	[tilespmem:s29+$0x5040] =	vst v0  }
0x25: {  	[tilespmem:s29+$0x5050] =	vst v0  }
0x26: {  	[tilespmem:s29+$0x5060] =	vst v0  }
0x27: {  	[spmem:s5] =	stream.linear.scatter [tilespmem:s17], [sflag:$0x2], $0x4000, $0x38;
	[tilespmem:$0x1D000] =	vst v63  }
0x28: {  	_ =	swait.ge [sflag:s18], $0x4000  }
0x29: {  	[sflag:s18] =	ssyncset.done $0x0  }
0x2a: {  	[sflag:s18] =	ssyncadd.s32 $0xFFFFC000  }
0x2b: {  	[spmem:s9] =	stream.linear.scatter [tilespmem:s17], [sflag:$0x2], $0x4000, $0x38;
	[tilespmem:$0x1D000] =	vst v63  }
0x2c: {  	_ =	swait.ge [sflag:s18], $0x4000  }
0x2d: {  	[sflag:s18] =	ssyncset.done $0x0  }
0x2e: {  	[sflag:s18] =	ssyncadd.s32 $0xFFFFC000  }
0x2f: {  	[spmem:s10] =	stream.linear.scatter [tilespmem:s17], [sflag:$0x2], $0x4000, $0x38;
	[tilespmem:$0x1D000] =	vst v63  }
0x30: {  	_ =	swait.ge [sflag:s18], $0x4000  }
0x31: {  	[sflag:s18] =	ssyncset.done $0x0  }
0x32: {  	[sflag:s18] =	ssyncadd.s32 $0xFFFFC000  }
0x33: {  	[spmem:s11] =	stream.linear.scatter [tilespmem:s17], [sflag:$0x2], $0x4000, $0x38;
	[tilespmem:$0x1D000] =	vst v63  }
0x34: {  	_ =	swait.ge [sflag:s18], $0x4000  }
0x35: {  	[sflag:s18] =	ssyncset.done $0x0  }
0x36: {  	[sflag:s18] =	ssyncadd.s32 $0xFFFFC000  }
0x37: {  	[spmem:s12] =	stream.linear.scatter [tilespmem:s17], [sflag:$0x2], $0x4000, $0x38;
	[tilespmem:$0x1D000] =	vst v63  }
0x38: {  	_ =	swait.ge [sflag:s18], $0x4000  }
0x39: {  	[sflag:s18] =	ssyncset.done $0x0  }
0x3a: {  	[sflag:s18] =	ssyncadd.s32 $0xFFFFC000  }
0x3b: {  	s29 =	simm.s32 $0x0;
	[bflag:$0x0] =	sbarrier.arrive $0xFFFF  }
0x3c: {  	[tilespmem:s29], [sflag:$0x2] =	stream.linear.gather [hbm4b:s6+s29], $0x2780, $0x38;
	[tilespmem:$0x1D000] =	vst v63  }
0x3d: {  	_ =	swait.ge [sflag:s18], $0x2780  }
0x3e: {  	[sflag:s18] =	ssyncset.done $0x0  }
0x3f: {  	[sflag:s18] =	ssyncadd.s32 $0xFFFFD880  }
0x40: {  	[tilespmem:s19], [sflag:$0x2] =	stream.linear.gather [hbm4b:s7+s29], $0x2780, $0x38;
	[tilespmem:$0x1D000] =	vst v63  }
0x41: {  	_ =	swait.ge [sflag:s18], $0x2780  }
0x42: {  	[sflag:s18] =	ssyncset.done $0x0  }
0x43: {  	s29 =	simm.s32 $0x0;
	[sflag:s18] =	ssyncadd.s32 $0xFFFFD880  }
0x44: {  	[tilespmem:s17], [sflag:$0x1] =	stream.indirect.gather [hbm4b:s1+s25], $0x80, s29, s25, $0xb8;
	[tilespmem:$0x1D000] =	vst v63  }
0x45: {  	_ =	swait.ge [sflag:s26], $0x4000  }
0x46: {  	[sflag:s26] =	ssyncset.done $0x0  }
0x47: {  	s29 =	simm.s32 $0x2800;
	[sflag:s26] =	ssyncadd.s32 $0xFFFFC000  }
0x48: {  	[spmem:s3] =	stream.indirect.scatter.add.f32 [tilespmem:s17], [sflag:$0x2], $0x80, s29, s25, $0xb8;
	[tilespmem:$0x1D000] =	vst v63  }
0x49: {  	_ =	swait.ge [sflag:s18], $0x4000  }
0x4a: {  	s30 =	simm.s32 $0x400;
	s29 =	simm.s32 $0x200;
	[sflag:s18] =	ssyncset.done $0x0  }
.LBB2_4:
0x4b: {  	s31 =	sshra.s32 s29, $0x2  }
0x4c: {  	[sflag:s18] =	ssyncadd.s32 $0xFFFFC000;
	s29 =	smov.u32 s30;
	s2 =	sadd.s32 $0x200, s30  }
0x4d: {  	[tilespmem:s17], [sflag:$0x1] =	stream.indirect.gather [hbm4b:s1+s25], $0x80, s31, s25, $0xb8;
	[tilespmem:$0x1D000] =	vst v63  }
0x4e: {  	p0 =	sne.s32 s30, $0x9C00;
	_ =	swait.ge [sflag:s26], $0x4000  }
.Ltmp1:
0x4f: {  	[sflag:s26] =	ssyncset.done $0x0;
	(pc) =	sbr.rel @p0 .LBB2_4-.Ltmp1, $4  }
0x50: {  	s30 =	sadd.s32 $0x2800, s31;
	[sflag:s26] =	ssyncadd.s32 $0xFFFFC000  }
0x51: {  	[spmem:s3] =	stream.indirect.scatter.add.f32 [tilespmem:s17], [sflag:$0x2], $0x80, s30, s25, $0xb8;
	[tilespmem:$0x1D000] =	vst v63  }
0x52: {  	_ =	swait.ge [sflag:s18], $0x4000  }
0x53: {  	s30 =	smov.u32 s2;
	[sflag:s18] =	ssyncset.done $0x0  }
0x54: {  	s2 =	sshra.s32 s29, $0x2;
	[sflag:s18] =	ssyncadd.s32 $0xFFFFC000  }
0x55: {  	[tilespmem:s17], [sflag:$0x1] =	stream.indirect.gather [hbm4b:s1+s25], $0x80, s2, s25, $0xb8;
	[tilespmem:$0x1D000] =	vst v63  }
0x56: {  	_ =	swait.ge [sflag:s26], $0x4000  }
0x57: {  	[sflag:s26] =	ssyncset.done $0x0  }
0x58: {  	s2 =	sadd.s32 $0x2800, s2;
	[sflag:s26] =	ssyncadd.s32 $0xFFFFC000  }
0x59: {  	[spmem:s3] =	stream.indirect.scatter.add.f32 [tilespmem:s17], [sflag:$0x2], $0x80, s2, s25, $0xb8;
	[tilespmem:$0x1D000] =	vst v63  }
0x5a: {  	_ =	swait.ge [sflag:s18], $0x4000  }
0x5b: {  	[sflag:s18] =	ssyncset.done $0x0  }
0x5c: {  	[sflag:s18] =	ssyncadd.s32 $0xFFFFC000  }
0x5d: {  	[bflag:$0x0] =	sbarrier.arrive $0xFFFF  }
0x5e: {  	[tilespmem:s17], [sflag:$0x2] =	stream.linear.gather [spmem:s5], $0x4000, $0x38;
	[tilespmem:$0x1D000] =	vst v63  }
0x5f: {  	_ =	swait.ge [sflag:s18], $0x4000  }
0x60: {  	[sflag:s18] =	ssyncset.done $0x0  }
0x61: {  	[sflag:s18] =	ssyncadd.s32 $0xFFFFC000  }
0x62: {  	[hbm4b:s20+s4] =	stream.linear.scatter [tilespmem:s17], [sflag:$0x2], $0x4000, $0x38;
	[tilespmem:$0x1D000] =	vst v63  }
0x63: {  	_ =	swait.ge [sflag:s18], $0x4000  }
0x64: {  	[sflag:s18] =	ssyncset.done $0x0  }
0x65: {  	[sflag:s18] =	ssyncadd.s32 $0xFFFFC000  }
0x66: {  	[tilespmem:s17], [sflag:$0x2] =	stream.linear.gather [spmem:s13], $0x4000, $0x38;
	[tilespmem:$0x1D000] =	vst v63  }
0x67: {  	_ =	swait.ge [sflag:s18], $0x4000  }
0x68: {  	[sflag:s18] =	ssyncset.done $0x0  }
0x69: {  	[sflag:s18] =	ssyncadd.s32 $0xFFFFC000  }
0x6a: {  	[hbm4b:s21+s4] =	stream.linear.scatter [tilespmem:s17], [sflag:$0x2], $0x4000, $0x38;
	[tilespmem:$0x1D000] =	vst v63  }
0x6b: {  	_ =	swait.ge [sflag:s18], $0x4000  }
0x6c: {  	[sflag:s18] =	ssyncset.done $0x0  }
0x6d: {  	[sflag:s18] =	ssyncadd.s32 $0xFFFFC000  }
0x6e: {  	[tilespmem:s17], [sflag:$0x2] =	stream.linear.gather [spmem:s14], $0x4000, $0x38;
	[tilespmem:$0x1D000] =	vst v63  }
0x6f: {  	_ =	swait.ge [sflag:s18], $0x4000  }
0x70: {  	[sflag:s18] =	ssyncset.done $0x0  }
0x71: {  	[sflag:s18] =	ssyncadd.s32 $0xFFFFC000  }
0x72: {  	[hbm4b:s22+s4] =	stream.linear.scatter [tilespmem:s17], [sflag:$0x2], $0x4000, $0x38;
	[tilespmem:$0x1D000] =	vst v63  }
0x73: {  	_ =	swait.ge [sflag:s18], $0x4000  }
0x74: {  	[sflag:s18] =	ssyncset.done $0x0  }
0x75: {  	[sflag:s18] =	ssyncadd.s32 $0xFFFFC000  }
0x76: {  	[tilespmem:s17], [sflag:$0x2] =	stream.linear.gather [spmem:s15], $0x4000, $0x38;
	[tilespmem:$0x1D000] =	vst v63  }
0x77: {  	_ =	swait.ge [sflag:s18], $0x4000  }
0x78: {  	[sflag:s18] =	ssyncset.done $0x0  }
0x79: {  	[sflag:s18] =	ssyncadd.s32 $0xFFFFC000  }
0x7a: {  	[hbm4b:s23+s4] =	stream.linear.scatter [tilespmem:s17], [sflag:$0x2], $0x4000, $0x38;
	[tilespmem:$0x1D000] =	vst v63  }
0x7b: {  	_ =	swait.ge [sflag:s18], $0x4000  }
0x7c: {  	[sflag:s18] =	ssyncset.done $0x0  }
0x7d: {  	[sflag:s18] =	ssyncadd.s32 $0xFFFFC000  }
0x7e: {  	[tilespmem:s17], [sflag:$0x2] =	stream.linear.gather [spmem:s16], $0x4000, $0x38;
	[tilespmem:$0x1D000] =	vst v63  }
0x7f: {  	s28 =	sadd.s32 $0x1, s28;
	_ =	swait.ge [sflag:s18], $0x4000  }
0x80: {  	p0 =	sne.s32 s28, s8;
	[sflag:s18] =	ssyncset.done $0x0  }
.Ltmp2:
0x81: {  	[sflag:s18] =	ssyncadd.s32 $0xFFFFC000;
	(pc) =	sbr.rel @p0 .LBB2_1-.Ltmp2, $4  }
0x82: {  	[hbm4b:s24+s4] =	stream.linear.scatter [tilespmem:s17], [sflag:$0x2], $0x4000, $0x38;
	[tilespmem:$0x1D000] =	vst v63  }
0x83: {  	_ =	swait.ge [sflag:s18], $0x4000  }
0x84: {  	[sflag:s18] =	ssyncset.done $0x0  }
0x85: {  	[sflag:s18] =	ssyncadd.s32 $0xFFFFC000  }
0x86: {  	_ =	sfence.sel $0x180000  }
0x87: {  	[bflag:$0x0] =	sbarrier.arrive $0xFFFF  }
0x88: {  	_ =	strace $0x90000050  }
0x89: {  	[bflag:$0x2] =	sbarrier.arrive $0xFFFF  }
0x8a: {  	p0 =	sne.s32 s0, $0x0;
	s0 =	rddreg [dreg:$0x3]  }
0x8b: {  	s0 =	sadd.s32 @!p0 $0x100000, s0  }
0x8c: {  	[sflag:s0] =	ssyncadd.tile.s32 @!p0 $0x1;
	_ =	shalt  }
.Lfunc_end2:
_tile_overlayer_lowered:
.L_overlay_start_2:
0x8d: {  	(tag) =	ssettag $0x2  }
0x8e: {  	s0 =	rddreg [dreg:$0x0];
	s2 =	stileid.u32  }
0x8f: {  	s1 =	rddreg [dreg:$0x1];
	p0 =	sne.s32 s2, $0x0  }
0x90: {  	s3 =	rddreg [dreg:$0x2];
	[bflag:$0x3] =	sbarrier.arrive $0xFFFF;
	s2 =	simm.s32 @!p0 $0x1C02  }
0x91: {  	[timem:s3], [sflag:s2] =	dma.local @!p0 [hbm:s0], s1  }
0x92: {  	s0 =	simm.s32 @!p0 $0x2  }
0x93: {  	_ =	swait.ge @!p0 [sflag:s0], s1  }
0x94: {  	s1 =	ssub.s32 @!p0 $0x0, s1;
	[sflag:s0] =	ssyncset.done @!p0 $0x0  }
0x95: {  	[sflag:s0] =	ssyncadd.s32 @!p0 s1  }
0x96: {  	[bflag:$0x3] =	sbarrier.arrive $0xFFFF  }
0x97: {  	_ =	shalt  }

</sc_bundles>
